<compile_context>
chip_gen: v7x
topology: tpu7x:2x2x1
jax: 0.10.2.dev20260603
libtpu: 0.0.44.dev20260713+nightly
codegen_flags: <defaults>
</compile_context>

<pallas_src>
import functools

import jax
import jax.numpy as jnp
from jax import lax
from jax.experimental import pallas as pl
from jax.experimental.pallas import tpu as pltpu
from jax.experimental.pallas import tpu_sc as plsc

N = 10000
E = 320000
D = 128
HD = 64
R = 4
EC = 12
ECP = 16

NC = 2
NS = 16
NW = NC * NS
CH = 125
NCH = 80
EPT = NCH * CH
NACC = 10112
ZR = NACC // NS
BLK = 1000


@functools.lru_cache(maxsize=None)
def _make_segsum_sc():
    mesh = plsc.VectorSubcoreMesh(core_axis_name="c", subcore_axis_name="s")

    @functools.partial(
        pl.kernel,
        mesh=mesh,
        compiler_params=pltpu.CompilerParams(use_tc_tiling_on_sc=False),
        out_type=jax.ShapeDtypeStruct((2, NC, NACC, HD), jnp.float32),
        scratch_types=[
            pltpu.VMEM((NCH, CH), jnp.int32),
            pltpu.VMEM((NCH, CH), jnp.int32),
            pltpu.VMEM((CH, HD), jnp.float32),
            pltpu.VMEM((CH, HD), jnp.float32),
            pltpu.VMEM((CH, HD), jnp.float32),
            pltpu.VMEM((CH, HD), jnp.float32),
            pltpu.VMEM_SHARED((NACC, HD), jnp.float32),
            pltpu.SemaphoreType.DMA,
            pltpu.SemaphoreType.DMA,
            pltpu.SemaphoreType.DMA,
            pltpu.SemaphoreType.DMA,
        ],
    )
    def _segsum_sc(x_hbm, src_hbm, dst_hbm, zeros_hbm, out_hbm,
                   src_v, dst_v, rows0, rows1, rows2, rows3, acc,
                   sem0, sem1, sem2, sem3):
        c = lax.axis_index("c")
        s = lax.axis_index("s")
        wid = s * NC + c
        rows = (rows0, rows1, rows2, rows3)
        sems = (sem0, sem1, sem2, sem3)

        with jax.named_scope("sc_idx"):
            pltpu.sync_copy(src_hbm.at[wid], src_v)
            pltpu.sync_copy(dst_hbm.at[wid], dst_v)

        for h in range(2):
            xh = x_hbm.at[h]
            with jax.named_scope("sc_stage"):
                pltpu.sync_copy(zeros_hbm, acc.at[pl.ds(s * ZR, ZR)])
                plsc.subcore_barrier()

            last = NCH - 1
            with jax.named_scope("sc_mainloop"):
                for b in range(3):
                    pltpu.async_copy(xh.at[src_v.at[b]], rows[b], sems[b])

                def body(i, carry):
                    for b in range(4):
                        j = 4 * i + b
                        nb = (b + 3) % 4
                        pltpu.make_async_copy(
                            xh.at[src_v.at[0]], rows[b], sems[b]).wait()
                        pltpu.async_copy(
                            xh.at[src_v.at[jnp.minimum(j + 3, last)]],
                            rows[nb], sems[nb])
                        pltpu.sync_copy(rows[b], acc.at[dst_v.at[j]],
                                        add=True)
                    return carry

                lax.fori_loop(0, NCH // 4, body, 0)
                for b in range(3):
                    pltpu.make_async_copy(
                        xh.at[src_v.at[0]], rows[b], sems[b]).wait()
                plsc.subcore_barrier()

            with jax.named_scope("sc_out"):
                pltpu.sync_copy(acc.at[pl.ds(s * ZR, ZR)],
                                out_hbm.at[h, c, pl.ds(s * ZR, ZR)])

    return _segsum_sc


def _ew_body(h_ref, src_row_ref, src_col_ref, dst_row_ref, w_ref,
             beta_ref, eps_ref, W_ref, b_ref, out_ref):
    h = h_ref[...]
    csrc = src_row_ref[...]
    csrc_col = src_col_ref[...]
    cdst = dst_row_ref[...]
    w = w_ref[...]
    seg = lax.broadcasted_iota(jnp.int32, (R, ECP), 0)
    ohs = (seg == csrc)
    ohd = (seg == cdst).astype(jnp.float32)
    for l in range(2):
        nrm = jnp.sqrt(jnp.sum(h * h, axis=1, keepdims=True))
        norm_h = h / (nrm + 1e-12)
        e = beta_ref[l] * w
        m = jnp.max(jnp.where(ohs, e, -1e30), axis=1, keepdims=True)
        m = jnp.where(m < -1e29, 0.0, m)
        m_pe = jnp.sum(jnp.where(ohs, m, 0.0), axis=0, keepdims=True)
        ex = jnp.exp(e - m_pe)
        ssum = jnp.sum(jnp.where(ohs, ex, 0.0), axis=1, keepdims=True)
        s_pe = jnp.sum(jnp.where(ohs, ssum, 0.0), axis=0, keepdims=True)
        p = ex / (s_pe + 1e-16)
        gath = jnp.zeros((ECP, D), jnp.float32)
        for r in range(R):
            gath = gath + jnp.where(csrc_col == r, 1.0, 0.0) * norm_h[r:r + 1, :]
        agg = jnp.dot(ohd * p, gath,
                      preferred_element_type=jnp.float32,
                      precision=lax.Precision.HIGHEST)
        h = (1.0 + eps_ref[l]) * h + agg
        h = jnp.maximum(h, 0.0)
    ew = jnp.dot(h[0:1, :], W_ref[...],
                 preferred_element_type=jnp.float32,
                 precision=lax.Precision.HIGHEST) + b_ref[...]
    out_ref[...] = ew


def _ew_call(cl_h, src_row, src_col, dst_row, w_row, beta, eps, W, b):
    return pl.pallas_call(
        _ew_body,
        out_shape=jax.ShapeDtypeStruct((1, D), jnp.float32),
        in_specs=[
            pl.BlockSpec((R, D), lambda: (0, 0)),
            pl.BlockSpec((1, ECP), lambda: (0, 0)),
            pl.BlockSpec((ECP, 1), lambda: (0, 0)),
            pl.BlockSpec((1, ECP), lambda: (0, 0)),
            pl.BlockSpec((1, ECP), lambda: (0, 0)),
            pl.BlockSpec(memory_space=pltpu.SMEM),
            pl.BlockSpec(memory_space=pltpu.SMEM),
            pl.BlockSpec((D, D), lambda: (0, 0)),
            pl.BlockSpec((1, D), lambda: (0, 0)),
        ],
        out_specs=pl.BlockSpec((1, D), lambda: (0, 0)),
    )(cl_h, src_row, src_col, dst_row, w_row, beta, eps, W, b)


def _layer_body(x_ref, p_ref, ew_ref, W_ref, out_ref):
    x = jnp.concatenate([x_ref[0], x_ref[1]], axis=1)
    agg = jnp.concatenate([p_ref[0, 0] + p_ref[0, 1],
                           p_ref[1, 0] + p_ref[1, 1]], axis=1) * ew_ref[...]
    t = jnp.tanh(
        jnp.dot(agg + x, W_ref[...],
                preferred_element_type=jnp.float32))
    out_ref[0] = t[:, :HD]
    out_ref[1] = t[:, HD:]


def _layer2_body(x_ref, p_ref, ew_ref, W_ref, lW_ref, out_ref):
    x = jnp.concatenate([x_ref[0], x_ref[1]], axis=1)
    agg = jnp.concatenate([p_ref[0, 0] + p_ref[0, 1],
                           p_ref[1, 0] + p_ref[1, 1]], axis=1) * ew_ref[...]
    t = jnp.tanh(
        jnp.dot(agg + x, W_ref[...],
                preferred_element_type=jnp.float32))
    out_ref[...] = jnp.dot(t, lW_ref[...],
                           preferred_element_type=jnp.float32)


def _common_specs():
    return [
        pl.BlockSpec((2, BLK, HD), lambda i: (0, i, 0)),
        pl.BlockSpec((2, NC, BLK, HD), lambda i: (0, 0, i, 0)),
        pl.BlockSpec((1, D), lambda i: (0, 0)),
        pl.BlockSpec((D, D), lambda i: (0, 0)),
    ]


def _layer_call(x, p, ew, W):
    return pl.pallas_call(
        _layer_body,
        grid=(N // BLK,),
        out_shape=jax.ShapeDtypeStruct((2, N, HD), jnp.float32),
        in_specs=_common_specs(),
        out_specs=pl.BlockSpec((2, BLK, HD), lambda i: (0, i, 0)),
    )(x, p, ew, W)


def _layer2_call(x, p, ew, W, lW):
    return pl.pallas_call(
        _layer2_body,
        grid=(N // BLK,),
        out_shape=jax.ShapeDtypeStruct((N, D), jnp.float32),
        in_specs=_common_specs() + [pl.BlockSpec((D, D), lambda i: (0, 0))],
        out_specs=pl.BlockSpec((BLK, D), lambda i: (i, 0)),
    )(x, p, ew, W, lW)


def kernel(node_feat, edge_index, cl_h, cl_edge_index, cl_edge_w,
           beta, eps, lin_e1_W, lin_e1_b, gc_W, lin_W):
    src_r = edge_index[0].reshape(NW, NCH, CH)
    dst_r = edge_index[1].reshape(NW, NCH, CH)
    zeros = jnp.zeros((ZR, HD), jnp.float32)

    cpad = ECP - EC
    src_row = jnp.concatenate(
        [cl_edge_index[0], jnp.full((cpad,), R + 1, jnp.int32)]).reshape(1, ECP)
    src_col = src_row.reshape(ECP, 1)
    dst_row = jnp.concatenate(
        [cl_edge_index[1], jnp.full((cpad,), R + 1, jnp.int32)]).reshape(1, ECP)
    w_row = jnp.concatenate(
        [cl_edge_w, jnp.zeros((cpad,), jnp.float32)]).reshape(1, ECP)

    ew = _ew_call(cl_h, src_row, src_col, dst_row, w_row,
                  beta, eps, lin_e1_W, lin_e1_b.reshape(1, D))

    segsum = _make_segsum_sc()
    x0 = jnp.stack([node_feat[:, :HD], node_feat[:, HD:]])
    p1 = segsum(x0, src_r, dst_r, zeros)
    x1 = _layer_call(x0, p1, ew, gc_W[0])
    p2 = segsum(x1, src_r, dst_r, zeros)
    out = _layer2_call(x1, p2, ew, gc_W[1], lin_W)
    return out

# --- scband reference (transcript-rebuilt; emitter-appended) ---
"""Pipeline reference for scband-rshn-58342835749536 (READ-ONLY COPY).

The authoritative reference and input builder live on the scoring server;
editing this copy changes nothing except your own understanding.
"""

import jax, jax.numpy as jnp
import numpy as np

N = 10000
E = 320000
D = 128
OUT = 128
R = 4
EC = 12
L = 2


def _edge_softmax_by_src(e, src, n):
    m = jax.ops.segment_max(e, src, num_segments=n)
    m = jnp.where(jnp.isfinite(m), m, 0.0)
    ex = jnp.exp(e - m[src])
    s = jax.ops.segment_sum(ex, src, num_segments=n)
    return ex / (s[src] + 1e-16)


def setup_inputs(seed: int = 0):
    key = jax.random.key(seed)
    ks = jax.random.split(key, 10)
    node_feat = jax.random.normal(ks[0], (N, D), dtype=jnp.float32)
    edge_index = jax.random.randint(ks[1], (2, E), 0, N, dtype=jnp.int32)
    cl_h = jax.random.normal(ks[2], (R, D), dtype=jnp.float32)
    cl_edge_index = jax.random.randint(ks[3], (2, EC), 0, R, dtype=jnp.int32)
    cl_edge_w = jax.random.uniform(ks[4], (EC,), dtype=jnp.float32)
    beta = jnp.ones((L,), dtype=jnp.float32)            # AGNNConv beta, init 1
    eps = jnp.zeros((L,), dtype=jnp.float32)            # AGNNConv eps buffer, init 0
    lin_e1_W = jax.random.normal(ks[5], (D, D), dtype=jnp.float32) * 0.05
    lin_e1_b = jnp.zeros((D,), dtype=jnp.float32)
    gc_W = jax.random.normal(ks[6], (L, D, D), dtype=jnp.float32) * 0.05  # GraphConv weight1 (xavier-scale)
    lin_W = jax.random.normal(ks[7], (D, OUT), dtype=jnp.float32) * 0.05  # final linear, bias=False
    return {
        'node_feat': node_feat,
        'edge_index': edge_index,
        'cl_h': cl_h,
        'cl_edge_index': cl_edge_index,
        'cl_edge_w': cl_edge_w,
        'beta': beta,
        'eps': eps,
        'lin_e1_W': lin_e1_W,
        'lin_e1_b': lin_e1_b,
        'gc_W': gc_W,
        'lin_W': lin_W,
    }


def reference(node_feat, edge_index, cl_h, cl_edge_index, cl_edge_w,
              beta, eps, lin_e1_W, lin_e1_b, gc_W, lin_W):
    # --- AGNNConv stack on the coincidence line graph (relation graph) ---
    csrc = cl_edge_index[0]
    cdst = cl_edge_index[1]
    h = cl_h
    for l in range(L):
        norm_h = h / (jnp.linalg.norm(h, axis=-1, keepdims=True) + 1e-12)  # F.normalize p=2
        e = beta[l] * cl_edge_w
        p = _edge_softmax_by_src(e, csrc, R)        # edge_softmax norm_by='src'
        m = norm_h[csrc] * p[:, None]               # u_mul_e
        agg = jax.ops.segment_sum(m, cdst, num_segments=R)  # sum -> dst
        h = (1.0 + eps[l]) * h + agg
        h = jax.nn.relu(h)                          # relu + dropout(eval: identity)
    # --- linear_e1: relation embedding -> per-edge weight vector ---
    h = h @ lin_e1_W + lin_e1_b
    ew = h[0]                                       # single canonical etype -> h[0].expand(E, -1)
    # --- GraphConv stack on the main graph ---
    src = edge_index[0]
    dst = edge_index[1]
    x = node_feat
    for l in range(L):
        msg = x[src] * ew[None, :]                  # u_mul_e('h','_edge_weight','m')
        agg = jax.ops.segment_sum(msg, dst, num_segments=N)  # fn.sum
        x = jnp.tanh((agg + x) @ gc_W[l])           # matmul(h + feat, weight1); tanh; dropout=identity
    # --- final linear (bias=False) ---
    out = x @ lin_W
    return out

if __name__ == "__main__":
    import jax
    _d = setup_inputs()
    print(jax.jit(kernel)(*tuple(_d.values())))

</pallas_src>

<mosaic_0001>
#map = affine_map<(d0, d1) -> (0, 0, 0)>
#map1 = affine_map<(d0, d1) -> (0, 0)>
#map2 = affine_map<(d0, d1) -> (0, 0, 0, 0)>
module attributes {stable_mosaic.version = 14 : i64} {
  func.func @_segsum_sc(%arg0: i32, %arg1: i32, %arg2: memref<2x10000x64xf32, #tpu.memory_space<hbm>>, %arg3: memref<32x80x125xi32, #tpu.memory_space<hbm>>, %arg4: memref<32x80x125xi32, #tpu.memory_space<hbm>>, %arg5: memref<632x64xf32, #tpu.memory_space<hbm>>, %arg6: memref<2x2x10112x64xf32, #tpu.memory_space<hbm>>, %arg7: memref<80x125xi32, #tpu.memory_space<vmem>>, %arg8: memref<80x125xi32, #tpu.memory_space<vmem>>, %arg9: memref<125x64xf32, #tpu.memory_space<vmem>>, %arg10: memref<125x64xf32, #tpu.memory_space<vmem>>, %arg11: memref<125x64xf32, #tpu.memory_space<vmem>>, %arg12: memref<125x64xf32, #tpu.memory_space<vmem>>, %arg13: memref<10112x64xf32, #tpu.memory_space<vmem_shared>>, %arg14: memref<!tpu.dma_semaphore, #tpu.memory_space<semaphore_mem>>, %arg15: memref<!tpu.dma_semaphore, #tpu.memory_space<semaphore_mem>>, %arg16: memref<!tpu.dma_semaphore, #tpu.memory_space<semaphore_mem>>, %arg17: memref<!tpu.dma_semaphore, #tpu.memory_space<semaphore_mem>>) attributes {dimension_semantics = [#tpu.dimension_semantics<core_parallel>, #tpu.dimension_semantics<subcore_parallel>], iteration_bounds = array<i64: 2, 16>, scalar_prefetch = 0 : i64, scratch_operands = 11 : i64, tpu.core_type = #tpu.core_type<sc_vector_subcore>, window_params = [{transform_indices = #map}, {transform_indices = #map}, {transform_indices = #map}, {transform_indices = #map1}, {transform_indices = #map2}]} {
    %mul3A = arith.constant 2 : i32
    %mul3A_0 = arith.muli %arg1, %mul3A : i32
    %add3A = arith.addi %mul3A_0, %arg0 : i32
    "tpu.trace_start"() <{level = 10 : i32, message = "sc_idx"}> : () -> ()
    "tpu.region"() ({
      %run_scoped3A_172 = tpu.sem_alloc : memref<!tpu.dma_semaphore, #tpu.memory_space<semaphore_mem>>
      %dma_start3A_173 = arith.constant 0 : i32
      %dma_start3A_174 = arith.constant 0 : i32
      %dma_start3A_175 = tpu.memref_slice %arg3[%add3A, %dma_start3A_173, %dma_start3A_174] : memref<32x80x125xi32, #tpu.memory_space<hbm>> -> memref<1x80x125xi32, #tpu.memory_space<hbm>>
      %dma_start3A_176 = tpu.memref_squeeze %dma_start3A_175 : memref<1x80x125xi32, #tpu.memory_space<hbm>> -> memref<80x125xi32, #tpu.memory_space<hbm>>
      %dma_start3A_177 = arith.constant 0 : i32
      %dma_start3A_178 = arith.constant 0 : i32
      %dma_start3A_179 = tpu.memref_slice %arg3[%add3A, %dma_start3A_177, %dma_start3A_178] : memref<32x80x125xi32, #tpu.memory_space<hbm>> -> memref<1x80x125xi32, #tpu.memory_space<hbm>>
      %dma_start3A_180 = tpu.memref_squeeze %dma_start3A_179 : memref<1x80x125xi32, #tpu.memory_space<hbm>> -> memref<80x125xi32, #tpu.memory_space<hbm>>
      tpu.enqueue_dma source(%dma_start3A_180 : memref<80x125xi32, #tpu.memory_space<hbm>>) target(%arg7 : memref<80x125xi32, #tpu.memory_space<vmem>>) target_semaphore(%run_scoped3A_172 : memref<!tpu.dma_semaphore, #tpu.memory_space<semaphore_mem>>)
      %dma_wait3A_181 = arith.constant 0 : i32
      %dma_wait3A_182 = arith.constant 0 : i32
      %dma_wait3A_183 = tpu.memref_slice %arg3[%add3A, %dma_wait3A_181, %dma_wait3A_182] : memref<32x80x125xi32, #tpu.memory_space<hbm>> -> memref<1x80x125xi32, #tpu.memory_space<hbm>>
      %dma_wait3A_184 = tpu.memref_squeeze %dma_wait3A_183 : memref<1x80x125xi32, #tpu.memory_space<hbm>> -> memref<80x125xi32, #tpu.memory_space<hbm>>
      %dma_wait3A_185 = arith.constant 0 : i32
      %dma_wait3A_186 = arith.constant 0 : i32
      %dma_wait3A_187 = tpu.memref_slice %arg3[%add3A, %dma_wait3A_185, %dma_wait3A_186] : memref<32x80x125xi32, #tpu.memory_space<hbm>> -> memref<1x80x125xi32, #tpu.memory_space<hbm>>
      %dma_wait3A_188 = tpu.memref_squeeze %dma_wait3A_187 : memref<1x80x125xi32, #tpu.memory_space<hbm>> -> memref<80x125xi32, #tpu.memory_space<hbm>>
      tpu.wait_dma2 semaphore(%run_scoped3A_172 : memref<!tpu.dma_semaphore, #tpu.memory_space<semaphore_mem>>) src(%dma_wait3A_188 : memref<80x125xi32, #tpu.memory_space<hbm>>) dst(%arg7 : memref<80x125xi32, #tpu.memory_space<vmem>>)
      tpu.yield
    }) : () -> ()
    "tpu.region"() ({
      %run_scoped3A_172 = tpu.sem_alloc : memref<!tpu.dma_semaphore, #tpu.memory_space<semaphore_mem>>
      %dma_start3A_173 = arith.constant 0 : i32
      %dma_start3A_174 = arith.constant 0 : i32
      %dma_start3A_175 = tpu.memref_slice %arg4[%add3A, %dma_start3A_173, %dma_start3A_174] : memref<32x80x125xi32, #tpu.memory_space<hbm>> -> memref<1x80x125xi32, #tpu.memory_space<hbm>>
      %dma_start3A_176 = tpu.memref_squeeze %dma_start3A_175 : memref<1x80x125xi32, #tpu.memory_space<hbm>> -> memref<80x125xi32, #tpu.memory_space<hbm>>
      %dma_start3A_177 = arith.constant 0 : i32
      %dma_start3A_178 = arith.constant 0 : i32
      %dma_start3A_179 = tpu.memref_slice %arg4[%add3A, %dma_start3A_177, %dma_start3A_178] : memref<32x80x125xi32, #tpu.memory_space<hbm>> -> memref<1x80x125xi32, #tpu.memory_space<hbm>>
      %dma_start3A_180 = tpu.memref_squeeze %dma_start3A_179 : memref<1x80x125xi32, #tpu.memory_space<hbm>> -> memref<80x125xi32, #tpu.memory_space<hbm>>
      tpu.enqueue_dma source(%dma_start3A_180 : memref<80x125xi32, #tpu.memory_space<hbm>>) target(%arg8 : memref<80x125xi32, #tpu.memory_space<vmem>>) target_semaphore(%run_scoped3A_172 : memref<!tpu.dma_semaphore, #tpu.memory_space<semaphore_mem>>)
      %dma_wait3A_181 = arith.constant 0 : i32
      %dma_wait3A_182 = arith.constant 0 : i32
      %dma_wait3A_183 = tpu.memref_slice %arg4[%add3A, %dma_wait3A_181, %dma_wait3A_182] : memref<32x80x125xi32, #tpu.memory_space<hbm>> -> memref<1x80x125xi32, #tpu.memory_space<hbm>>
      %dma_wait3A_184 = tpu.memref_squeeze %dma_wait3A_183 : memref<1x80x125xi32, #tpu.memory_space<hbm>> -> memref<80x125xi32, #tpu.memory_space<hbm>>
      %dma_wait3A_185 = arith.constant 0 : i32
      %dma_wait3A_186 = arith.constant 0 : i32
      %dma_wait3A_187 = tpu.memref_slice %arg4[%add3A, %dma_wait3A_185, %dma_wait3A_186] : memref<32x80x125xi32, #tpu.memory_space<hbm>> -> memref<1x80x125xi32, #tpu.memory_space<hbm>>
      %dma_wait3A_188 = tpu.memref_squeeze %dma_wait3A_187 : memref<1x80x125xi32, #tpu.memory_space<hbm>> -> memref<80x125xi32, #tpu.memory_space<hbm>>
      tpu.wait_dma2 semaphore(%run_scoped3A_172 : memref<!tpu.dma_semaphore, #tpu.memory_space<semaphore_mem>>) src(%dma_wait3A_188 : memref<80x125xi32, #tpu.memory_space<hbm>>) dst(%arg8 : memref<80x125xi32, #tpu.memory_space<vmem>>)
      tpu.yield
    }) : () -> ()
    "tpu.trace_stop"() : () -> ()
    "tpu.trace_start"() <{level = 10 : i32, message = "sc_stage"}> : () -> ()
    %mul3A_1 = arith.constant 632 : i32
    %mul3A_2 = arith.muli %arg1, %mul3A_1 : i32
    "tpu.region"() ({
      %run_scoped3A_172 = tpu.sem_alloc : memref<!tpu.dma_semaphore, #tpu.memory_space<semaphore_mem>>
      %dma_start3A_173 = arith.constant 0 : i32
      %dma_start3A_174 = tpu.memref_slice %arg13[%mul3A_2, %dma_start3A_173] : memref<10112x64xf32, #tpu.memory_space<vmem_shared>> -> memref<632x64xf32, #tpu.memory_space<vmem_shared>>
      tpu.enqueue_dma source(%arg5 : memref<632x64xf32, #tpu.memory_space<hbm>>) target(%dma_start3A_174 : memref<632x64xf32, #tpu.memory_space<vmem_shared>>) target_semaphore(%run_scoped3A_172 : memref<!tpu.dma_semaphore, #tpu.memory_space<semaphore_mem>>)
      %dma_wait3A_175 = arith.constant 0 : i32
      %dma_wait3A_176 = tpu.memref_slice %arg13[%mul3A_2, %dma_wait3A_175] : memref<10112x64xf32, #tpu.memory_space<vmem_shared>> -> memref<632x64xf32, #tpu.memory_space<vmem_shared>>
      tpu.wait_dma2 semaphore(%run_scoped3A_172 : memref<!tpu.dma_semaphore, #tpu.memory_space<semaphore_mem>>) src(%arg5 : memref<632x64xf32, #tpu.memory_space<hbm>>) dst(%dma_wait3A_176 : memref<632x64xf32, #tpu.memory_space<vmem_shared>>)
      tpu.yield
    }) : () -> ()
    %barrier3A = arith.constant 0 : index
    tpu.barrier barrier_id(%barrier3A)
    %dma_start3A = arith.constant 0 : i32
    %dma_start3A_3 = arith.constant 0 : i32
    "tpu.trace_stop"() : () -> ()
    "tpu.trace_start"() <{level = 10 : i32, message = "sc_mainloop"}> : () -> ()
    %dma_start3A_4 = arith.constant 0 : i32
    %dma_start3A_5 = tpu.memref_slice %arg7[%dma_start3A_3, %dma_start3A_4] : memref<80x125xi32, #tpu.memory_space<vmem>> -> memref<1x125xi32, #tpu.memory_space<vmem>>
    %dma_start3A_6 = tpu.memref_squeeze %dma_start3A_5 : memref<1x125xi32, #tpu.memory_space<vmem>> -> memref<125xi32, #tpu.memory_space<vmem>>
    %dma_start3A_7 = arith.constant 0 : i32
    %dma_start3A_8 = arith.constant 0 : i32
    %dma_start3A_9 = tpu.memref_slice %arg2[%dma_start3A, %dma_start3A_7, %dma_start3A_8] : memref<2x10000x64xf32, #tpu.memory_space<hbm>> -> memref<1x10000x64xf32, #tpu.memory_space<hbm>>
    %dma_start3A_10 = tpu.memref_squeeze %dma_start3A_9 : memref<1x10000x64xf32, #tpu.memory_space<hbm>> -> memref<10000x64xf32, #tpu.memory_space<hbm>>
    %dma_start3A_11 = arith.constant 0 : i32
    %dma_start3A_12 = arith.constant 0 : i32
    %dma_start3A_13 = tpu.memref_slice %dma_start3A_10[%dma_start3A_11, %dma_start3A_12] : memref<10000x64xf32, #tpu.memory_space<hbm>> -> memref<10000x64xf32, #tpu.memory_space<hbm>>
    tpu.enqueue_indirect_dma source(%dma_start3A_13 : memref<10000x64xf32, #tpu.memory_space<hbm>>) target(%arg9 : memref<125x64xf32, #tpu.memory_space<vmem>>) offsets(%dma_start3A_6 : memref<125xi32, #tpu.memory_space<vmem>>) semaphore(%arg14 : memref<!tpu.dma_semaphore, #tpu.memory_space<semaphore_mem>>)
    %dma_start3A_14 = arith.constant 0 : i32
    %dma_start3A_15 = arith.constant 1 : i32
    %dma_start3A_16 = arith.constant 0 : i32
    %dma_start3A_17 = tpu.memref_slice %arg7[%dma_start3A_15, %dma_start3A_16] : memref<80x125xi32, #tpu.memory_space<vmem>> -> memref<1x125xi32, #tpu.memory_space<vmem>>
    %dma_start3A_18 = tpu.memref_squeeze %dma_start3A_17 : memref<1x125xi32, #tpu.memory_space<vmem>> -> memref<125xi32, #tpu.memory_space<vmem>>
    %dma_start3A_19 = arith.constant 0 : i32
    %dma_start3A_20 = arith.constant 0 : i32
    %dma_start3A_21 = tpu.memref_slice %arg2[%dma_start3A_14, %dma_start3A_19, %dma_start3A_20] : memref<2x10000x64xf32, #tpu.memory_space<hbm>> -> memref<1x10000x64xf32, #tpu.memory_space<hbm>>
    %dma_start3A_22 = tpu.memref_squeeze %dma_start3A_21 : memref<1x10000x64xf32, #tpu.memory_space<hbm>> -> memref<10000x64xf32, #tpu.memory_space<hbm>>
    %dma_start3A_23 = arith.constant 0 : i32
    %dma_start3A_24 = arith.constant 0 : i32
    %dma_start3A_25 = tpu.memref_slice %dma_start3A_22[%dma_start3A_23, %dma_start3A_24] : memref<10000x64xf32, #tpu.memory_space<hbm>> -> memref<10000x64xf32, #tpu.memory_space<hbm>>
    tpu.enqueue_indirect_dma source(%dma_start3A_25 : memref<10000x64xf32, #tpu.memory_space<hbm>>) target(%arg10 : memref<125x64xf32, #tpu.memory_space<vmem>>) offsets(%dma_start3A_18 : memref<125xi32, #tpu.memory_space<vmem>>) semaphore(%arg15 : memref<!tpu.dma_semaphore, #tpu.memory_space<semaphore_mem>>)
    %dma_start3A_26 = arith.constant 0 : i32
    %dma_start3A_27 = arith.constant 2 : i32
    %dma_start3A_28 = arith.constant 0 : i32
    %dma_start3A_29 = tpu.memref_slice %arg7[%dma_start3A_27, %dma_start3A_28] : memref<80x125xi32, #tpu.memory_space<vmem>> -> memref<1x125xi32, #tpu.memory_space<vmem>>
    %dma_start3A_30 = tpu.memref_squeeze %dma_start3A_29 : memref<1x125xi32, #tpu.memory_space<vmem>> -> memref<125xi32, #tpu.memory_space<vmem>>
    %dma_start3A_31 = arith.constant 0 : i32
    %dma_start3A_32 = arith.constant 0 : i32
    %dma_start3A_33 = tpu.memref_slice %arg2[%dma_start3A_26, %dma_start3A_31, %dma_start3A_32] : memref<2x10000x64xf32, #tpu.memory_space<hbm>> -> memref<1x10000x64xf32, #tpu.memory_space<hbm>>
    %dma_start3A_34 = tpu.memref_squeeze %dma_start3A_33 : memref<1x10000x64xf32, #tpu.memory_space<hbm>> -> memref<10000x64xf32, #tpu.memory_space<hbm>>
    %dma_start3A_35 = arith.constant 0 : i32
    %dma_start3A_36 = arith.constant 0 : i32
    %dma_start3A_37 = tpu.memref_slice %dma_start3A_34[%dma_start3A_35, %dma_start3A_36] : memref<10000x64xf32, #tpu.memory_space<hbm>> -> memref<10000x64xf32, #tpu.memory_space<hbm>>
    tpu.enqueue_indirect_dma source(%dma_start3A_37 : memref<10000x64xf32, #tpu.memory_space<hbm>>) target(%arg11 : memref<125x64xf32, #tpu.memory_space<vmem>>) offsets(%dma_start3A_30 : memref<125xi32, #tpu.memory_space<vmem>>) semaphore(%arg16 : memref<!tpu.dma_semaphore, #tpu.memory_space<semaphore_mem>>)
    %scan3A = arith.constant 0 : i32
    %scan3A_38 = arith.constant 0 : i32
    %scan3A_39 = arith.constant 0 : i32
    %scan3A_40 = arith.constant 20 : i32
    %scan3A_41 = arith.addi %scan3A_39, %scan3A_40 : i32
    %scan3A_42 = arith.constant 1 : i32
    scf.for %scan3A_172 = %scan3A_39 to %scan3A_41 step %scan3A_42  : i32 {
      %mul3A_173 = arith.constant 4 : i32
      %mul3A_174 = arith.muli %mul3A_173, %scan3A_172 : i32
      %add3A_175 = arith.constant 0 : i32
      %add3A_176 = arith.addi %mul3A_174, %add3A_175 : i32
      %dma_wait3A_177 = arith.constant 0 : i32
      %dma_wait3A_178 = arith.constant 0 : i32
      %dma_wait3A_179 = tpu.memref_slice %arg7[%dma_wait3A_177, %dma_wait3A_178] : memref<80x125xi32, #tpu.memory_space<vmem>> -> memref<1x125xi32, #tpu.memory_space<vmem>>
      %dma_wait3A_180 = tpu.memref_squeeze %dma_wait3A_179 : memref<1x125xi32, #tpu.memory_space<vmem>> -> memref<125xi32, #tpu.memory_space<vmem>>
      %dma_wait3A_181 = arith.constant 0 : i32
      %dma_wait3A_182 = arith.constant 0 : i32
      %dma_wait3A_183 = tpu.memref_slice %arg2[%scan3A_38, %dma_wait3A_181, %dma_wait3A_182] : memref<2x10000x64xf32, #tpu.memory_space<hbm>> -> memref<1x10000x64xf32, #tpu.memory_space<hbm>>
      %dma_wait3A_184 = tpu.memref_squeeze %dma_wait3A_183 : memref<1x10000x64xf32, #tpu.memory_space<hbm>> -> memref<10000x64xf32, #tpu.memory_space<hbm>>
      %dma_wait3A_185 = arith.constant 0 : i32
      %dma_wait3A_186 = arith.constant 0 : i32
      %dma_wait3A_187 = tpu.memref_slice %dma_wait3A_184[%dma_wait3A_185, %dma_wait3A_186] : memref<10000x64xf32, #tpu.memory_space<hbm>> -> memref<10000x64xf32, #tpu.memory_space<hbm>>
      tpu.wait_indirect_dma semaphore(%arg14 : memref<!tpu.dma_semaphore, #tpu.memory_space<semaphore_mem>>) src(%dma_wait3A_187 : memref<10000x64xf32, #tpu.memory_space<hbm>>) dst(%arg9 : memref<125x64xf32, #tpu.memory_space<vmem>>)
      %add3A_188 = arith.constant 3 : i32
      %add3A_189 = arith.addi %add3A_176, %add3A_188 : i32
      %min3A = arith.constant 79 : i32
      %min3A_190 = arith.minsi %add3A_189, %min3A : i32
      %dma_start3A_191 = arith.constant 0 : i32
      %dma_start3A_192 = tpu.memref_slice %arg7[%min3A_190, %dma_start3A_191] : memref<80x125xi32, #tpu.memory_space<vmem>> -> memref<1x125xi32, #tpu.memory_space<vmem>>
      %dma_start3A_193 = tpu.memref_squeeze %dma_start3A_192 : memref<1x125xi32, #tpu.memory_space<vmem>> -> memref<125xi32, #tpu.memory_space<vmem>>
      %dma_start3A_194 = arith.constant 0 : i32
      %dma_start3A_195 = arith.constant 0 : i32
      %dma_start3A_196 = tpu.memref_slice %arg2[%scan3A_38, %dma_start3A_194, %dma_start3A_195] : memref<2x10000x64xf32, #tpu.memory_space<hbm>> -> memref<1x10000x64xf32, #tpu.memory_space<hbm>>
      %dma_start3A_197 = tpu.memref_squeeze %dma_start3A_196 : memref<1x10000x64xf32, #tpu.memory_space<hbm>> -> memref<10000x64xf32, #tpu.memory_space<hbm>>
      %dma_start3A_198 = arith.constant 0 : i32
      %dma_start3A_199 = arith.constant 0 : i32
      %dma_start3A_200 = tpu.memref_slice %dma_start3A_197[%dma_start3A_198, %dma_start3A_199] : memref<10000x64xf32, #tpu.memory_space<hbm>> -> memref<10000x64xf32, #tpu.memory_space<hbm>>
      tpu.enqueue_indirect_dma source(%dma_start3A_200 : memref<10000x64xf32, #tpu.memory_space<hbm>>) target(%arg12 : memref<125x64xf32, #tpu.memory_space<vmem>>) offsets(%dma_start3A_193 : memref<125xi32, #tpu.memory_space<vmem>>) semaphore(%arg17 : memref<!tpu.dma_semaphore, #tpu.memory_space<semaphore_mem>>)
      "tpu.region"() ({
        %run_scoped3A_288 = tpu.sem_alloc : memref<!tpu.dma_semaphore, #tpu.memory_space<semaphore_mem>>
        %dma_start3A_289 = arith.constant 0 : i32
        %dma_start3A_290 = tpu.memref_slice %arg8[%add3A_176, %dma_start3A_289] : memref<80x125xi32, #tpu.memory_space<vmem>> -> memref<1x125xi32, #tpu.memory_space<vmem>>
        %dma_start3A_291 = tpu.memref_squeeze %dma_start3A_290 : memref<1x125xi32, #tpu.memory_space<vmem>> -> memref<125xi32, #tpu.memory_space<vmem>>
        %dma_start3A_292 = arith.constant 0 : i32
        %dma_start3A_293 = arith.constant 0 : i32
        %dma_start3A_294 = tpu.memref_slice %arg13[%dma_start3A_292, %dma_start3A_293] : memref<10112x64xf32, #tpu.memory_space<vmem_shared>> -> memref<10112x64xf32, #tpu.memory_space<vmem_shared>>
        tpu.enqueue_indirect_dma source(%arg9 : memref<125x64xf32, #tpu.memory_space<vmem>>) target(%dma_start3A_294 : memref<10112x64xf32, #tpu.memory_space<vmem_shared>>) offsets(%dma_start3A_291 : memref<125xi32, #tpu.memory_space<vmem>>) semaphore(%run_scoped3A_288 : memref<!tpu.dma_semaphore, #tpu.memory_space<semaphore_mem>>) {add = true}
        %dma_wait3A_295 = arith.constant 0 : i32
        %dma_wait3A_296 = tpu.memref_slice %arg8[%add3A_176, %dma_wait3A_295] : memref<80x125xi32, #tpu.memory_space<vmem>> -> memref<1x125xi32, #tpu.memory_space<vmem>>
        %dma_wait3A_297 = tpu.memref_squeeze %dma_wait3A_296 : memref<1x125xi32, #tpu.memory_space<vmem>> -> memref<125xi32, #tpu.memory_space<vmem>>
        %dma_wait3A_298 = arith.constant 0 : i32
        %dma_wait3A_299 = arith.constant 0 : i32
        %dma_wait3A_300 = tpu.memref_slice %arg13[%dma_wait3A_298, %dma_wait3A_299] : memref<10112x64xf32, #tpu.memory_space<vmem_shared>> -> memref<10112x64xf32, #tpu.memory_space<vmem_shared>>
        tpu.wait_indirect_dma semaphore(%run_scoped3A_288 : memref<!tpu.dma_semaphore, #tpu.memory_space<semaphore_mem>>) src(%arg9 : memref<125x64xf32, #tpu.memory_space<vmem>>) dst(%dma_wait3A_300 : memref<10112x64xf32, #tpu.memory_space<vmem_shared>>)
        tpu.yield
      }) : () -> ()
      %mul3A_201 = arith.constant 4 : i32
      %mul3A_202 = arith.muli %mul3A_201, %scan3A_172 : i32
      %add3A_203 = arith.constant 1 : i32
      %add3A_204 = arith.addi %mul3A_202, %add3A_203 : i32
      %dma_wait3A_205 = arith.constant 0 : i32
      %dma_wait3A_206 = arith.constant 0 : i32
      %dma_wait3A_207 = tpu.memref_slice %arg7[%dma_wait3A_205, %dma_wait3A_206] : memref<80x125xi32, #tpu.memory_space<vmem>> -> memref<1x125xi32, #tpu.memory_space<vmem>>
      %dma_wait3A_208 = tpu.memref_squeeze %dma_wait3A_207 : memref<1x125xi32, #tpu.memory_space<vmem>> -> memref<125xi32, #tpu.memory_space<vmem>>
      %dma_wait3A_209 = arith.constant 0 : i32
      %dma_wait3A_210 = arith.constant 0 : i32
      %dma_wait3A_211 = tpu.memref_slice %arg2[%scan3A_38, %dma_wait3A_209, %dma_wait3A_210] : memref<2x10000x64xf32, #tpu.memory_space<hbm>> -> memref<1x10000x64xf32, #tpu.memory_space<hbm>>
      %dma_wait3A_212 = tpu.memref_squeeze %dma_wait3A_211 : memref<1x10000x64xf32, #tpu.memory_space<hbm>> -> memref<10000x64xf32, #tpu.memory_space<hbm>>
      %dma_wait3A_213 = arith.constant 0 : i32
      %dma_wait3A_214 = arith.constant 0 : i32
      %dma_wait3A_215 = tpu.memref_slice %dma_wait3A_212[%dma_wait3A_213, %dma_wait3A_214] : memref<10000x64xf32, #tpu.memory_space<hbm>> -> memref<10000x64xf32, #tpu.memory_space<hbm>>
      tpu.wait_indirect_dma semaphore(%arg15 : memref<!tpu.dma_semaphore, #tpu.memory_space<semaphore_mem>>) src(%dma_wait3A_215 : memref<10000x64xf32, #tpu.memory_space<hbm>>) dst(%arg10 : memref<125x64xf32, #tpu.memory_space<vmem>>)
      %add3A_216 = arith.constant 3 : i32
      %add3A_217 = arith.addi %add3A_204, %add3A_216 : i32
      %min3A_218 = arith.constant 79 : i32
      %min3A_219 = arith.minsi %add3A_217, %min3A_218 : i32
      %dma_start3A_220 = arith.constant 0 : i32
      %dma_start3A_221 = tpu.memref_slice %arg7[%min3A_219, %dma_start3A_220] : memref<80x125xi32, #tpu.memory_space<vmem>> -> memref<1x125xi32, #tpu.memory_space<vmem>>
      %dma_start3A_222 = tpu.memref_squeeze %dma_start3A_221 : memref<1x125xi32, #tpu.memory_space<vmem>> -> memref<125xi32, #tpu.memory_space<vmem>>
      %dma_start3A_223 = arith.constant 0 : i32
      %dma_start3A_224 = arith.constant 0 : i32
      %dma_start3A_225 = tpu.memref_slice %arg2[%scan3A_38, %dma_start3A_223, %dma_start3A_224] : memref<2x10000x64xf32, #tpu.memory_space<hbm>> -> memref<1x10000x64xf32, #tpu.memory_space<hbm>>
      %dma_start3A_226 = tpu.memref_squeeze %dma_start3A_225 : memref<1x10000x64xf32, #tpu.memory_space<hbm>> -> memref<10000x64xf32, #tpu.memory_space<hbm>>
      %dma_start3A_227 = arith.constant 0 : i32
      %dma_start3A_228 = arith.constant 0 : i32
      %dma_start3A_229 = tpu.memref_slice %dma_start3A_226[%dma_start3A_227, %dma_start3A_228] : memref<10000x64xf32, #tpu.memory_space<hbm>> -> memref<10000x64xf32, #tpu.memory_space<hbm>>
      tpu.enqueue_indirect_dma source(%dma_start3A_229 : memref<10000x64xf32, #tpu.memory_space<hbm>>) target(%arg9 : memref<125x64xf32, #tpu.memory_space<vmem>>) offsets(%dma_start3A_222 : memref<125xi32, #tpu.memory_space<vmem>>) semaphore(%arg14 : memref<!tpu.dma_semaphore, #tpu.memory_space<semaphore_mem>>)
      "tpu.region"() ({
        %run_scoped3A_288 = tpu.sem_alloc : memref<!tpu.dma_semaphore, #tpu.memory_space<semaphore_mem>>
        %dma_start3A_289 = arith.constant 0 : i32
        %dma_start3A_290 = tpu.memref_slice %arg8[%add3A_204, %dma_start3A_289] : memref<80x125xi32, #tpu.memory_space<vmem>> -> memref<1x125xi32, #tpu.memory_space<vmem>>
        %dma_start3A_291 = tpu.memref_squeeze %dma_start3A_290 : memref<1x125xi32, #tpu.memory_space<vmem>> -> memref<125xi32, #tpu.memory_space<vmem>>
        %dma_start3A_292 = arith.constant 0 : i32
        %dma_start3A_293 = arith.constant 0 : i32
        %dma_start3A_294 = tpu.memref_slice %arg13[%dma_start3A_292, %dma_start3A_293] : memref<10112x64xf32, #tpu.memory_space<vmem_shared>> -> memref<10112x64xf32, #tpu.memory_space<vmem_shared>>
        tpu.enqueue_indirect_dma source(%arg10 : memref<125x64xf32, #tpu.memory_space<vmem>>) target(%dma_start3A_294 : memref<10112x64xf32, #tpu.memory_space<vmem_shared>>) offsets(%dma_start3A_291 : memref<125xi32, #tpu.memory_space<vmem>>) semaphore(%run_scoped3A_288 : memref<!tpu.dma_semaphore, #tpu.memory_space<semaphore_mem>>) {add = true}
        %dma_wait3A_295 = arith.constant 0 : i32
        %dma_wait3A_296 = tpu.memref_slice %arg8[%add3A_204, %dma_wait3A_295] : memref<80x125xi32, #tpu.memory_space<vmem>> -> memref<1x125xi32, #tpu.memory_space<vmem>>
        %dma_wait3A_297 = tpu.memref_squeeze %dma_wait3A_296 : memref<1x125xi32, #tpu.memory_space<vmem>> -> memref<125xi32, #tpu.memory_space<vmem>>
        %dma_wait3A_298 = arith.constant 0 : i32
        %dma_wait3A_299 = arith.constant 0 : i32
        %dma_wait3A_300 = tpu.memref_slice %arg13[%dma_wait3A_298, %dma_wait3A_299] : memref<10112x64xf32, #tpu.memory_space<vmem_shared>> -> memref<10112x64xf32, #tpu.memory_space<vmem_shared>>
        tpu.wait_indirect_dma semaphore(%run_scoped3A_288 : memref<!tpu.dma_semaphore, #tpu.memory_space<semaphore_mem>>) src(%arg10 : memref<125x64xf32, #tpu.memory_space<vmem>>) dst(%dma_wait3A_300 : memref<10112x64xf32, #tpu.memory_space<vmem_shared>>)
        tpu.yield
      }) : () -> ()
      %mul3A_230 = arith.constant 4 : i32
      %mul3A_231 = arith.muli %mul3A_230, %scan3A_172 : i32
      %add3A_232 = arith.constant 2 : i32
      %add3A_233 = arith.addi %mul3A_231, %add3A_232 : i32
      %dma_wait3A_234 = arith.constant 0 : i32
      %dma_wait3A_235 = arith.constant 0 : i32
      %dma_wait3A_236 = tpu.memref_slice %arg7[%dma_wait3A_234, %dma_wait3A_235] : memref<80x125xi32, #tpu.memory_space<vmem>> -> memref<1x125xi32, #tpu.memory_space<vmem>>
      %dma_wait3A_237 = tpu.memref_squeeze %dma_wait3A_236 : memref<1x125xi32, #tpu.memory_space<vmem>> -> memref<125xi32, #tpu.memory_space<vmem>>
      %dma_wait3A_238 = arith.constant 0 : i32
      %dma_wait3A_239 = arith.constant 0 : i32
      %dma_wait3A_240 = tpu.memref_slice %arg2[%scan3A_38, %dma_wait3A_238, %dma_wait3A_239] : memref<2x10000x64xf32, #tpu.memory_space<hbm>> -> memref<1x10000x64xf32, #tpu.memory_space<hbm>>
      %dma_wait3A_241 = tpu.memref_squeeze %dma_wait3A_240 : memref<1x10000x64xf32, #tpu.memory_space<hbm>> -> memref<10000x64xf32, #tpu.memory_space<hbm>>
      %dma_wait3A_242 = arith.constant 0 : i32
      %dma_wait3A_243 = arith.constant 0 : i32
      %dma_wait3A_244 = tpu.memref_slice %dma_wait3A_241[%dma_wait3A_242, %dma_wait3A_243] : memref<10000x64xf32, #tpu.memory_space<hbm>> -> memref<10000x64xf32, #tpu.memory_space<hbm>>
      tpu.wait_indirect_dma semaphore(%arg16 : memref<!tpu.dma_semaphore, #tpu.memory_space<semaphore_mem>>) src(%dma_wait3A_244 : memref<10000x64xf32, #tpu.memory_space<hbm>>) dst(%arg11 : memref<125x64xf32, #tpu.memory_space<vmem>>)
      %add3A_245 = arith.constant 3 : i32
      %add3A_246 = arith.addi %add3A_233, %add3A_245 : i32
      %min3A_247 = arith.constant 79 : i32
      %min3A_248 = arith.minsi %add3A_246, %min3A_247 : i32
      %dma_start3A_249 = arith.constant 0 : i32
      %dma_start3A_250 = tpu.memref_slice %arg7[%min3A_248, %dma_start3A_249] : memref<80x125xi32, #tpu.memory_space<vmem>> -> memref<1x125xi32, #tpu.memory_space<vmem>>
      %dma_start3A_251 = tpu.memref_squeeze %dma_start3A_250 : memref<1x125xi32, #tpu.memory_space<vmem>> -> memref<125xi32, #tpu.memory_space<vmem>>
      %dma_start3A_252 = arith.constant 0 : i32
      %dma_start3A_253 = arith.constant 0 : i32
      %dma_start3A_254 = tpu.memref_slice %arg2[%scan3A_38, %dma_start3A_252, %dma_start3A_253] : memref<2x10000x64xf32, #tpu.memory_space<hbm>> -> memref<1x10000x64xf32, #tpu.memory_space<hbm>>
      %dma_start3A_255 = tpu.memref_squeeze %dma_start3A_254 : memref<1x10000x64xf32, #tpu.memory_space<hbm>> -> memref<10000x64xf32, #tpu.memory_space<hbm>>
      %dma_start3A_256 = arith.constant 0 : i32
      %dma_start3A_257 = arith.constant 0 : i32
      %dma_start3A_258 = tpu.memref_slice %dma_start3A_255[%dma_start3A_256, %dma_start3A_257] : memref<10000x64xf32, #tpu.memory_space<hbm>> -> memref<10000x64xf32, #tpu.memory_space<hbm>>
      tpu.enqueue_indirect_dma source(%dma_start3A_258 : memref<10000x64xf32, #tpu.memory_space<hbm>>) target(%arg10 : memref<125x64xf32, #tpu.memory_space<vmem>>) offsets(%dma_start3A_251 : memref<125xi32, #tpu.memory_space<vmem>>) semaphore(%arg15 : memref<!tpu.dma_semaphore, #tpu.memory_space<semaphore_mem>>)
      "tpu.region"() ({
        %run_scoped3A_288 = tpu.sem_alloc : memref<!tpu.dma_semaphore, #tpu.memory_space<semaphore_mem>>
        %dma_start3A_289 = arith.constant 0 : i32
        %dma_start3A_290 = tpu.memref_slice %arg8[%add3A_233, %dma_start3A_289] : memref<80x125xi32, #tpu.memory_space<vmem>> -> memref<1x125xi32, #tpu.memory_space<vmem>>
        %dma_start3A_291 = tpu.memref_squeeze %dma_start3A_290 : memref<1x125xi32, #tpu.memory_space<vmem>> -> memref<125xi32, #tpu.memory_space<vmem>>
        %dma_start3A_292 = arith.constant 0 : i32
        %dma_start3A_293 = arith.constant 0 : i32
        %dma_start3A_294 = tpu.memref_slice %arg13[%dma_start3A_292, %dma_start3A_293] : memref<10112x64xf32, #tpu.memory_space<vmem_shared>> -> memref<10112x64xf32, #tpu.memory_space<vmem_shared>>
        tpu.enqueue_indirect_dma source(%arg11 : memref<125x64xf32, #tpu.memory_space<vmem>>) target(%dma_start3A_294 : memref<10112x64xf32, #tpu.memory_space<vmem_shared>>) offsets(%dma_start3A_291 : memref<125xi32, #tpu.memory_space<vmem>>) semaphore(%run_scoped3A_288 : memref<!tpu.dma_semaphore, #tpu.memory_space<semaphore_mem>>) {add = true}
        %dma_wait3A_295 = arith.constant 0 : i32
        %dma_wait3A_296 = tpu.memref_slice %arg8[%add3A_233, %dma_wait3A_295] : memref<80x125xi32, #tpu.memory_space<vmem>> -> memref<1x125xi32, #tpu.memory_space<vmem>>
        %dma_wait3A_297 = tpu.memref_squeeze %dma_wait3A_296 : memref<1x125xi32, #tpu.memory_space<vmem>> -> memref<125xi32, #tpu.memory_space<vmem>>
        %dma_wait3A_298 = arith.constant 0 : i32
        %dma_wait3A_299 = arith.constant 0 : i32
        %dma_wait3A_300 = tpu.memref_slice %arg13[%dma_wait3A_298, %dma_wait3A_299] : memref<10112x64xf32, #tpu.memory_space<vmem_shared>> -> memref<10112x64xf32, #tpu.memory_space<vmem_shared>>
        tpu.wait_indirect_dma semaphore(%run_scoped3A_288 : memref<!tpu.dma_semaphore, #tpu.memory_space<semaphore_mem>>) src(%arg11 : memref<125x64xf32, #tpu.memory_space<vmem>>) dst(%dma_wait3A_300 : memref<10112x64xf32, #tpu.memory_space<vmem_shared>>)
        tpu.yield
      }) : () -> ()
      %mul3A_259 = arith.constant 4 : i32
      %mul3A_260 = arith.muli %mul3A_259, %scan3A_172 : i32
      %add3A_261 = arith.constant 3 : i32
      %add3A_262 = arith.addi %mul3A_260, %add3A_261 : i32
      %dma_wait3A_263 = arith.constant 0 : i32
      %dma_wait3A_264 = arith.constant 0 : i32
      %dma_wait3A_265 = tpu.memref_slice %arg7[%dma_wait3A_263, %dma_wait3A_264] : memref<80x125xi32, #tpu.memory_space<vmem>> -> memref<1x125xi32, #tpu.memory_space<vmem>>
      %dma_wait3A_266 = tpu.memref_squeeze %dma_wait3A_265 : memref<1x125xi32, #tpu.memory_space<vmem>> -> memref<125xi32, #tpu.memory_space<vmem>>
      %dma_wait3A_267 = arith.constant 0 : i32
      %dma_wait3A_268 = arith.constant 0 : i32
      %dma_wait3A_269 = tpu.memref_slice %arg2[%scan3A_38, %dma_wait3A_267, %dma_wait3A_268] : memref<2x10000x64xf32, #tpu.memory_space<hbm>> -> memref<1x10000x64xf32, #tpu.memory_space<hbm>>
      %dma_wait3A_270 = tpu.memref_squeeze %dma_wait3A_269 : memref<1x10000x64xf32, #tpu.memory_space<hbm>> -> memref<10000x64xf32, #tpu.memory_space<hbm>>
      %dma_wait3A_271 = arith.constant 0 : i32
      %dma_wait3A_272 = arith.constant 0 : i32
      %dma_wait3A_273 = tpu.memref_slice %dma_wait3A_270[%dma_wait3A_271, %dma_wait3A_272] : memref<10000x64xf32, #tpu.memory_space<hbm>> -> memref<10000x64xf32, #tpu.memory_space<hbm>>
      tpu.wait_indirect_dma semaphore(%arg17 : memref<!tpu.dma_semaphore, #tpu.memory_space<semaphore_mem>>) src(%dma_wait3A_273 : memref<10000x64xf32, #tpu.memory_space<hbm>>) dst(%arg12 : memref<125x64xf32, #tpu.memory_space<vmem>>)
      %add3A_274 = arith.constant 3 : i32
      %add3A_275 = arith.addi %add3A_262, %add3A_274 : i32
      %min3A_276 = arith.constant 79 : i32
      %min3A_277 = arith.minsi %add3A_275, %min3A_276 : i32
      %dma_start3A_278 = arith.constant 0 : i32
      %dma_start3A_279 = tpu.memref_slice %arg7[%min3A_277, %dma_start3A_278] : memref<80x125xi32, #tpu.memory_space<vmem>> -> memref<1x125xi32, #tpu.memory_space<vmem>>
      %dma_start3A_280 = tpu.memref_squeeze %dma_start3A_279 : memref<1x125xi32, #tpu.memory_space<vmem>> -> memref<125xi32, #tpu.memory_space<vmem>>
      %dma_start3A_281 = arith.constant 0 : i32
      %dma_start3A_282 = arith.constant 0 : i32
      %dma_start3A_283 = tpu.memref_slice %arg2[%scan3A_38, %dma_start3A_281, %dma_start3A_282] : memref<2x10000x64xf32, #tpu.memory_space<hbm>> -> memref<1x10000x64xf32, #tpu.memory_space<hbm>>
      %dma_start3A_284 = tpu.memref_squeeze %dma_start3A_283 : memref<1x10000x64xf32, #tpu.memory_space<hbm>> -> memref<10000x64xf32, #tpu.memory_space<hbm>>
      %dma_start3A_285 = arith.constant 0 : i32
      %dma_start3A_286 = arith.constant 0 : i32
      %dma_start3A_287 = tpu.memref_slice %dma_start3A_284[%dma_start3A_285, %dma_start3A_286] : memref<10000x64xf32, #tpu.memory_space<hbm>> -> memref<10000x64xf32, #tpu.memory_space<hbm>>
      tpu.enqueue_indirect_dma source(%dma_start3A_287 : memref<10000x64xf32, #tpu.memory_space<hbm>>) target(%arg11 : memref<125x64xf32, #tpu.memory_space<vmem>>) offsets(%dma_start3A_280 : memref<125xi32, #tpu.memory_space<vmem>>) semaphore(%arg16 : memref<!tpu.dma_semaphore, #tpu.memory_space<semaphore_mem>>)
      "tpu.region"() ({
        %run_scoped3A_288 = tpu.sem_alloc : memref<!tpu.dma_semaphore, #tpu.memory_space<semaphore_mem>>
        %dma_start3A_289 = arith.constant 0 : i32
        %dma_start3A_290 = tpu.memref_slice %arg8[%add3A_262, %dma_start3A_289] : memref<80x125xi32, #tpu.memory_space<vmem>> -> memref<1x125xi32, #tpu.memory_space<vmem>>
        %dma_start3A_291 = tpu.memref_squeeze %dma_start3A_290 : memref<1x125xi32, #tpu.memory_space<vmem>> -> memref<125xi32, #tpu.memory_space<vmem>>
        %dma_start3A_292 = arith.constant 0 : i32
        %dma_start3A_293 = arith.constant 0 : i32
        %dma_start3A_294 = tpu.memref_slice %arg13[%dma_start3A_292, %dma_start3A_293] : memref<10112x64xf32, #tpu.memory_space<vmem_shared>> -> memref<10112x64xf32, #tpu.memory_space<vmem_shared>>
        tpu.enqueue_indirect_dma source(%arg12 : memref<125x64xf32, #tpu.memory_space<vmem>>) target(%dma_start3A_294 : memref<10112x64xf32, #tpu.memory_space<vmem_shared>>) offsets(%dma_start3A_291 : memref<125xi32, #tpu.memory_space<vmem>>) semaphore(%run_scoped3A_288 : memref<!tpu.dma_semaphore, #tpu.memory_space<semaphore_mem>>) {add = true}
        %dma_wait3A_295 = arith.constant 0 : i32
        %dma_wait3A_296 = tpu.memref_slice %arg8[%add3A_262, %dma_wait3A_295] : memref<80x125xi32, #tpu.memory_space<vmem>> -> memref<1x125xi32, #tpu.memory_space<vmem>>
        %dma_wait3A_297 = tpu.memref_squeeze %dma_wait3A_296 : memref<1x125xi32, #tpu.memory_space<vmem>> -> memref<125xi32, #tpu.memory_space<vmem>>
        %dma_wait3A_298 = arith.constant 0 : i32
        %dma_wait3A_299 = arith.constant 0 : i32
        %dma_wait3A_300 = tpu.memref_slice %arg13[%dma_wait3A_298, %dma_wait3A_299] : memref<10112x64xf32, #tpu.memory_space<vmem_shared>> -> memref<10112x64xf32, #tpu.memory_space<vmem_shared>>
        tpu.wait_indirect_dma semaphore(%run_scoped3A_288 : memref<!tpu.dma_semaphore, #tpu.memory_space<semaphore_mem>>) src(%arg12 : memref<125x64xf32, #tpu.memory_space<vmem>>) dst(%dma_wait3A_300 : memref<10112x64xf32, #tpu.memory_space<vmem_shared>>)
        tpu.yield
      }) : () -> ()
    }
    %scan3A_43 = arith.constant 20 : i32
    %dma_wait3A = arith.constant 0 : i32
    %dma_wait3A_44 = arith.constant 0 : i32
    %dma_wait3A_45 = arith.constant 0 : i32
    %dma_wait3A_46 = tpu.memref_slice %arg7[%dma_wait3A_44, %dma_wait3A_45] : memref<80x125xi32, #tpu.memory_space<vmem>> -> memref<1x125xi32, #tpu.memory_space<vmem>>
    %dma_wait3A_47 = tpu.memref_squeeze %dma_wait3A_46 : memref<1x125xi32, #tpu.memory_space<vmem>> -> memref<125xi32, #tpu.memory_space<vmem>>
    %dma_wait3A_48 = arith.constant 0 : i32
    %dma_wait3A_49 = arith.constant 0 : i32
    %dma_wait3A_50 = tpu.memref_slice %arg2[%dma_wait3A, %dma_wait3A_48, %dma_wait3A_49] : memref<2x10000x64xf32, #tpu.memory_space<hbm>> -> memref<1x10000x64xf32, #tpu.memory_space<hbm>>
    %dma_wait3A_51 = tpu.memref_squeeze %dma_wait3A_50 : memref<1x10000x64xf32, #tpu.memory_space<hbm>> -> memref<10000x64xf32, #tpu.memory_space<hbm>>
    %dma_wait3A_52 = arith.constant 0 : i32
    %dma_wait3A_53 = arith.constant 0 : i32
    %dma_wait3A_54 = tpu.memref_slice %dma_wait3A_51[%dma_wait3A_52, %dma_wait3A_53] : memref<10000x64xf32, #tpu.memory_space<hbm>> -> memref<10000x64xf32, #tpu.memory_space<hbm>>
    tpu.wait_indirect_dma semaphore(%arg14 : memref<!tpu.dma_semaphore, #tpu.memory_space<semaphore_mem>>) src(%dma_wait3A_54 : memref<10000x64xf32, #tpu.memory_space<hbm>>) dst(%arg9 : memref<125x64xf32, #tpu.memory_space<vmem>>)
    %dma_wait3A_55 = arith.constant 0 : i32
    %dma_wait3A_56 = arith.constant 0 : i32
    %dma_wait3A_57 = arith.constant 0 : i32
    %dma_wait3A_58 = tpu.memref_slice %arg7[%dma_wait3A_56, %dma_wait3A_57] : memref<80x125xi32, #tpu.memory_space<vmem>> -> memref<1x125xi32, #tpu.memory_space<vmem>>
    %dma_wait3A_59 = tpu.memref_squeeze %dma_wait3A_58 : memref<1x125xi32, #tpu.memory_space<vmem>> -> memref<125xi32, #tpu.memory_space<vmem>>
    %dma_wait3A_60 = arith.constant 0 : i32
    %dma_wait3A_61 = arith.constant 0 : i32
    %dma_wait3A_62 = tpu.memref_slice %arg2[%dma_wait3A_55, %dma_wait3A_60, %dma_wait3A_61] : memref<2x10000x64xf32, #tpu.memory_space<hbm>> -> memref<1x10000x64xf32, #tpu.memory_space<hbm>>
    %dma_wait3A_63 = tpu.memref_squeeze %dma_wait3A_62 : memref<1x10000x64xf32, #tpu.memory_space<hbm>> -> memref<10000x64xf32, #tpu.memory_space<hbm>>
    %dma_wait3A_64 = arith.constant 0 : i32
    %dma_wait3A_65 = arith.constant 0 : i32
    %dma_wait3A_66 = tpu.memref_slice %dma_wait3A_63[%dma_wait3A_64, %dma_wait3A_65] : memref<10000x64xf32, #tpu.memory_space<hbm>> -> memref<10000x64xf32, #tpu.memory_space<hbm>>
    tpu.wait_indirect_dma semaphore(%arg15 : memref<!tpu.dma_semaphore, #tpu.memory_space<semaphore_mem>>) src(%dma_wait3A_66 : memref<10000x64xf32, #tpu.memory_space<hbm>>) dst(%arg10 : memref<125x64xf32, #tpu.memory_space<vmem>>)
    %dma_wait3A_67 = arith.constant 0 : i32
    %dma_wait3A_68 = arith.constant 0 : i32
    %dma_wait3A_69 = arith.constant 0 : i32
    %dma_wait3A_70 = tpu.memref_slice %arg7[%dma_wait3A_68, %dma_wait3A_69] : memref<80x125xi32, #tpu.memory_space<vmem>> -> memref<1x125xi32, #tpu.memory_space<vmem>>
    %dma_wait3A_71 = tpu.memref_squeeze %dma_wait3A_70 : memref<1x125xi32, #tpu.memory_space<vmem>> -> memref<125xi32, #tpu.memory_space<vmem>>
    %dma_wait3A_72 = arith.constant 0 : i32
    %dma_wait3A_73 = arith.constant 0 : i32
    %dma_wait3A_74 = tpu.memref_slice %arg2[%dma_wait3A_67, %dma_wait3A_72, %dma_wait3A_73] : memref<2x10000x64xf32, #tpu.memory_space<hbm>> -> memref<1x10000x64xf32, #tpu.memory_space<hbm>>
    %dma_wait3A_75 = tpu.memref_squeeze %dma_wait3A_74 : memref<1x10000x64xf32, #tpu.memory_space<hbm>> -> memref<10000x64xf32, #tpu.memory_space<hbm>>
    %dma_wait3A_76 = arith.constant 0 : i32
    %dma_wait3A_77 = arith.constant 0 : i32
    %dma_wait3A_78 = tpu.memref_slice %dma_wait3A_75[%dma_wait3A_76, %dma_wait3A_77] : memref<10000x64xf32, #tpu.memory_space<hbm>> -> memref<10000x64xf32, #tpu.memory_space<hbm>>
    tpu.wait_indirect_dma semaphore(%arg16 : memref<!tpu.dma_semaphore, #tpu.memory_space<semaphore_mem>>) src(%dma_wait3A_78 : memref<10000x64xf32, #tpu.memory_space<hbm>>) dst(%arg11 : memref<125x64xf32, #tpu.memory_space<vmem>>)
    %barrier3A_79 = arith.constant 0 : index
    tpu.barrier barrier_id(%barrier3A_79)
    "tpu.trace_stop"() : () -> ()
    "tpu.trace_start"() <{level = 10 : i32, message = "sc_out"}> : () -> ()
    %mul3A_80 = arith.constant 632 : i32
    %mul3A_81 = arith.muli %arg1, %mul3A_80 : i32
    %mul3A_82 = arith.constant 632 : i32
    %mul3A_83 = arith.muli %arg1, %mul3A_82 : i32
    %run_scoped3A = arith.constant 0 : i32
    "tpu.region"() ({
      %run_scoped3A_172 = tpu.sem_alloc : memref<!tpu.dma_semaphore, #tpu.memory_space<semaphore_mem>>
      %dma_start3A_173 = arith.constant 0 : i32
      %dma_start3A_174 = tpu.memref_slice %arg6[%run_scoped3A, %arg0, %mul3A_83, %dma_start3A_173] : memref<2x2x10112x64xf32, #tpu.memory_space<hbm>> -> memref<1x1x632x64xf32, #tpu.memory_space<hbm>>
      %dma_start3A_175 = tpu.memref_squeeze %dma_start3A_174 : memref<1x1x632x64xf32, #tpu.memory_space<hbm>> -> memref<632x64xf32, #tpu.memory_space<hbm>>
      %dma_start3A_176 = arith.constant 0 : i32
      %dma_start3A_177 = tpu.memref_slice %arg13[%mul3A_81, %dma_start3A_176] : memref<10112x64xf32, #tpu.memory_space<vmem_shared>> -> memref<632x64xf32, #tpu.memory_space<vmem_shared>>
      tpu.enqueue_dma source(%dma_start3A_177 : memref<632x64xf32, #tpu.memory_space<vmem_shared>>) target(%dma_start3A_175 : memref<632x64xf32, #tpu.memory_space<hbm>>) target_semaphore(%run_scoped3A_172 : memref<!tpu.dma_semaphore, #tpu.memory_space<semaphore_mem>>)
      %dma_wait3A_178 = arith.constant 0 : i32
      %dma_wait3A_179 = tpu.memref_slice %arg6[%run_scoped3A, %arg0, %mul3A_83, %dma_wait3A_178] : memref<2x2x10112x64xf32, #tpu.memory_space<hbm>> -> memref<1x1x632x64xf32, #tpu.memory_space<hbm>>
      %dma_wait3A_180 = tpu.memref_squeeze %dma_wait3A_179 : memref<1x1x632x64xf32, #tpu.memory_space<hbm>> -> memref<632x64xf32, #tpu.memory_space<hbm>>
      %dma_wait3A_181 = arith.constant 0 : i32
      %dma_wait3A_182 = tpu.memref_slice %arg13[%mul3A_81, %dma_wait3A_181] : memref<10112x64xf32, #tpu.memory_space<vmem_shared>> -> memref<632x64xf32, #tpu.memory_space<vmem_shared>>
      tpu.wait_dma2 semaphore(%run_scoped3A_172 : memref<!tpu.dma_semaphore, #tpu.memory_space<semaphore_mem>>) src(%dma_wait3A_182 : memref<632x64xf32, #tpu.memory_space<vmem_shared>>) dst(%dma_wait3A_180 : memref<632x64xf32, #tpu.memory_space<hbm>>)
      tpu.yield
    }) : () -> ()
    "tpu.trace_stop"() : () -> ()
    "tpu.trace_start"() <{level = 10 : i32, message = "sc_stage"}> : () -> ()
    %mul3A_84 = arith.constant 632 : i32
    %mul3A_85 = arith.muli %arg1, %mul3A_84 : i32
    "tpu.region"() ({
      %run_scoped3A_172 = tpu.sem_alloc : memref<!tpu.dma_semaphore, #tpu.memory_space<semaphore_mem>>
      %dma_start3A_173 = arith.constant 0 : i32
      %dma_start3A_174 = tpu.memref_slice %arg13[%mul3A_85, %dma_start3A_173] : memref<10112x64xf32, #tpu.memory_space<vmem_shared>> -> memref<632x64xf32, #tpu.memory_space<vmem_shared>>
      tpu.enqueue_dma source(%arg5 : memref<632x64xf32, #tpu.memory_space<hbm>>) target(%dma_start3A_174 : memref<632x64xf32, #tpu.memory_space<vmem_shared>>) target_semaphore(%run_scoped3A_172 : memref<!tpu.dma_semaphore, #tpu.memory_space<semaphore_mem>>)
      %dma_wait3A_175 = arith.constant 0 : i32
      %dma_wait3A_176 = tpu.memref_slice %arg13[%mul3A_85, %dma_wait3A_175] : memref<10112x64xf32, #tpu.memory_space<vmem_shared>> -> memref<632x64xf32, #tpu.memory_space<vmem_shared>>
      tpu.wait_dma2 semaphore(%run_scoped3A_172 : memref<!tpu.dma_semaphore, #tpu.memory_space<semaphore_mem>>) src(%arg5 : memref<632x64xf32, #tpu.memory_space<hbm>>) dst(%dma_wait3A_176 : memref<632x64xf32, #tpu.memory_space<vmem_shared>>)
      tpu.yield
    }) : () -> ()
    %barrier3A_86 = arith.constant 0 : index
    tpu.barrier barrier_id(%barrier3A_86)
    %dma_start3A_87 = arith.constant 1 : i32
    %dma_start3A_88 = arith.constant 0 : i32
    "tpu.trace_stop"() : () -> ()
    "tpu.trace_start"() <{level = 10 : i32, message = "sc_mainloop"}> : () -> ()
    %dma_start3A_89 = arith.constant 0 : i32
    %dma_start3A_90 = tpu.memref_slice %arg7[%dma_start3A_88, %dma_start3A_89] : memref<80x125xi32, #tpu.memory_space<vmem>> -> memref<1x125xi32, #tpu.memory_space<vmem>>
    %dma_start3A_91 = tpu.memref_squeeze %dma_start3A_90 : memref<1x125xi32, #tpu.memory_space<vmem>> -> memref<125xi32, #tpu.memory_space<vmem>>
    %dma_start3A_92 = arith.constant 0 : i32
    %dma_start3A_93 = arith.constant 0 : i32
    %dma_start3A_94 = tpu.memref_slice %arg2[%dma_start3A_87, %dma_start3A_92, %dma_start3A_93] : memref<2x10000x64xf32, #tpu.memory_space<hbm>> -> memref<1x10000x64xf32, #tpu.memory_space<hbm>>
    %dma_start3A_95 = tpu.memref_squeeze %dma_start3A_94 : memref<1x10000x64xf32, #tpu.memory_space<hbm>> -> memref<10000x64xf32, #tpu.memory_space<hbm>>
    %dma_start3A_96 = arith.constant 0 : i32
    %dma_start3A_97 = arith.constant 0 : i32
    %dma_start3A_98 = tpu.memref_slice %dma_start3A_95[%dma_start3A_96, %dma_start3A_97] : memref<10000x64xf32, #tpu.memory_space<hbm>> -> memref<10000x64xf32, #tpu.memory_space<hbm>>
    tpu.enqueue_indirect_dma source(%dma_start3A_98 : memref<10000x64xf32, #tpu.memory_space<hbm>>) target(%arg9 : memref<125x64xf32, #tpu.memory_space<vmem>>) offsets(%dma_start3A_91 : memref<125xi32, #tpu.memory_space<vmem>>) semaphore(%arg14 : memref<!tpu.dma_semaphore, #tpu.memory_space<semaphore_mem>>)
    %dma_start3A_99 = arith.constant 1 : i32
    %dma_start3A_100 = arith.constant 1 : i32
    %dma_start3A_101 = arith.constant 0 : i32
    %dma_start3A_102 = tpu.memref_slice %arg7[%dma_start3A_100, %dma_start3A_101] : memref<80x125xi32, #tpu.memory_space<vmem>> -> memref<1x125xi32, #tpu.memory_space<vmem>>
    %dma_start3A_103 = tpu.memref_squeeze %dma_start3A_102 : memref<1x125xi32, #tpu.memory_space<vmem>> -> memref<125xi32, #tpu.memory_space<vmem>>
    %dma_start3A_104 = arith.constant 0 : i32
    %dma_start3A_105 = arith.constant 0 : i32
    %dma_start3A_106 = tpu.memref_slice %arg2[%dma_start3A_99, %dma_start3A_104, %dma_start3A_105] : memref<2x10000x64xf32, #tpu.memory_space<hbm>> -> memref<1x10000x64xf32, #tpu.memory_space<hbm>>
    %dma_start3A_107 = tpu.memref_squeeze %dma_start3A_106 : memref<1x10000x64xf32, #tpu.memory_space<hbm>> -> memref<10000x64xf32, #tpu.memory_space<hbm>>
    %dma_start3A_108 = arith.constant 0 : i32
    %dma_start3A_109 = arith.constant 0 : i32
    %dma_start3A_110 = tpu.memref_slice %dma_start3A_107[%dma_start3A_108, %dma_start3A_109] : memref<10000x64xf32, #tpu.memory_space<hbm>> -> memref<10000x64xf32, #tpu.memory_space<hbm>>
    tpu.enqueue_indirect_dma source(%dma_start3A_110 : memref<10000x64xf32, #tpu.memory_space<hbm>>) target(%arg10 : memref<125x64xf32, #tpu.memory_space<vmem>>) offsets(%dma_start3A_103 : memref<125xi32, #tpu.memory_space<vmem>>) semaphore(%arg15 : memref<!tpu.dma_semaphore, #tpu.memory_space<semaphore_mem>>)
    %dma_start3A_111 = arith.constant 1 : i32
    %dma_start3A_112 = arith.constant 2 : i32
    %dma_start3A_113 = arith.constant 0 : i32
    %dma_start3A_114 = tpu.memref_slice %arg7[%dma_start3A_112, %dma_start3A_113] : memref<80x125xi32, #tpu.memory_space<vmem>> -> memref<1x125xi32, #tpu.memory_space<vmem>>
    %dma_start3A_115 = tpu.memref_squeeze %dma_start3A_114 : memref<1x125xi32, #tpu.memory_space<vmem>> -> memref<125xi32, #tpu.memory_space<vmem>>
    %dma_start3A_116 = arith.constant 0 : i32
    %dma_start3A_117 = arith.constant 0 : i32
    %dma_start3A_118 = tpu.memref_slice %arg2[%dma_start3A_111, %dma_start3A_116, %dma_start3A_117] : memref<2x10000x64xf32, #tpu.memory_space<hbm>> -> memref<1x10000x64xf32, #tpu.memory_space<hbm>>
    %dma_start3A_119 = tpu.memref_squeeze %dma_start3A_118 : memref<1x10000x64xf32, #tpu.memory_space<hbm>> -> memref<10000x64xf32, #tpu.memory_space<hbm>>
    %dma_start3A_120 = arith.constant 0 : i32
    %dma_start3A_121 = arith.constant 0 : i32
    %dma_start3A_122 = tpu.memref_slice %dma_start3A_119[%dma_start3A_120, %dma_start3A_121] : memref<10000x64xf32, #tpu.memory_space<hbm>> -> memref<10000x64xf32, #tpu.memory_space<hbm>>
    tpu.enqueue_indirect_dma source(%dma_start3A_122 : memref<10000x64xf32, #tpu.memory_space<hbm>>) target(%arg11 : memref<125x64xf32, #tpu.memory_space<vmem>>) offsets(%dma_start3A_115 : memref<125xi32, #tpu.memory_space<vmem>>) semaphore(%arg16 : memref<!tpu.dma_semaphore, #tpu.memory_space<semaphore_mem>>)
    %scan3A_123 = arith.constant 0 : i32
    %scan3A_124 = arith.constant 1 : i32
    %scan3A_125 = arith.constant 0 : i32
    %scan3A_126 = arith.constant 20 : i32
    %scan3A_127 = arith.addi %scan3A_125, %scan3A_126 : i32
    %scan3A_128 = arith.constant 1 : i32
    scf.for %scan3A_172 = %scan3A_125 to %scan3A_127 step %scan3A_128  : i32 {
      %mul3A_173 = arith.constant 4 : i32
      %mul3A_174 = arith.muli %mul3A_173, %scan3A_172 : i32
      %add3A_175 = arith.constant 0 : i32
      %add3A_176 = arith.addi %mul3A_174, %add3A_175 : i32
      %dma_wait3A_177 = arith.constant 0 : i32
      %dma_wait3A_178 = arith.constant 0 : i32
      %dma_wait3A_179 = tpu.memref_slice %arg7[%dma_wait3A_177, %dma_wait3A_178] : memref<80x125xi32, #tpu.memory_space<vmem>> -> memref<1x125xi32, #tpu.memory_space<vmem>>
      %dma_wait3A_180 = tpu.memref_squeeze %dma_wait3A_179 : memref<1x125xi32, #tpu.memory_space<vmem>> -> memref<125xi32, #tpu.memory_space<vmem>>
      %dma_wait3A_181 = arith.constant 0 : i32
      %dma_wait3A_182 = arith.constant 0 : i32
      %dma_wait3A_183 = tpu.memref_slice %arg2[%scan3A_124, %dma_wait3A_181, %dma_wait3A_182] : memref<2x10000x64xf32, #tpu.memory_space<hbm>> -> memref<1x10000x64xf32, #tpu.memory_space<hbm>>
      %dma_wait3A_184 = tpu.memref_squeeze %dma_wait3A_183 : memref<1x10000x64xf32, #tpu.memory_space<hbm>> -> memref<10000x64xf32, #tpu.memory_space<hbm>>
      %dma_wait3A_185 = arith.constant 0 : i32
      %dma_wait3A_186 = arith.constant 0 : i32
      %dma_wait3A_187 = tpu.memref_slice %dma_wait3A_184[%dma_wait3A_185, %dma_wait3A_186] : memref<10000x64xf32, #tpu.memory_space<hbm>> -> memref<10000x64xf32, #tpu.memory_space<hbm>>
      tpu.wait_indirect_dma semaphore(%arg14 : memref<!tpu.dma_semaphore, #tpu.memory_space<semaphore_mem>>) src(%dma_wait3A_187 : memref<10000x64xf32, #tpu.memory_space<hbm>>) dst(%arg9 : memref<125x64xf32, #tpu.memory_space<vmem>>)
      %add3A_188 = arith.constant 3 : i32
      %add3A_189 = arith.addi %add3A_176, %add3A_188 : i32
      %min3A = arith.constant 79 : i32
      %min3A_190 = arith.minsi %add3A_189, %min3A : i32
      %dma_start3A_191 = arith.constant 0 : i32
      %dma_start3A_192 = tpu.memref_slice %arg7[%min3A_190, %dma_start3A_191] : memref<80x125xi32, #tpu.memory_space<vmem>> -> memref<1x125xi32, #tpu.memory_space<vmem>>
      %dma_start3A_193 = tpu.memref_squeeze %dma_start3A_192 : memref<1x125xi32, #tpu.memory_space<vmem>> -> memref<125xi32, #tpu.memory_space<vmem>>
      %dma_start3A_194 = arith.constant 0 : i32
      %dma_start3A_195 = arith.constant 0 : i32
      %dma_start3A_196 = tpu.memref_slice %arg2[%scan3A_124, %dma_start3A_194, %dma_start3A_195] : memref<2x10000x64xf32, #tpu.memory_space<hbm>> -> memref<1x10000x64xf32, #tpu.memory_space<hbm>>
      %dma_start3A_197 = tpu.memref_squeeze %dma_start3A_196 : memref<1x10000x64xf32, #tpu.memory_space<hbm>> -> memref<10000x64xf32, #tpu.memory_space<hbm>>
      %dma_start3A_198 = arith.constant 0 : i32
      %dma_start3A_199 = arith.constant 0 : i32
      %dma_start3A_200 = tpu.memref_slice %dma_start3A_197[%dma_start3A_198, %dma_start3A_199] : memref<10000x64xf32, #tpu.memory_space<hbm>> -> memref<10000x64xf32, #tpu.memory_space<hbm>>
      tpu.enqueue_indirect_dma source(%dma_start3A_200 : memref<10000x64xf32, #tpu.memory_space<hbm>>) target(%arg12 : memref<125x64xf32, #tpu.memory_space<vmem>>) offsets(%dma_start3A_193 : memref<125xi32, #tpu.memory_space<vmem>>) semaphore(%arg17 : memref<!tpu.dma_semaphore, #tpu.memory_space<semaphore_mem>>)
      "tpu.region"() ({
        %run_scoped3A_288 = tpu.sem_alloc : memref<!tpu.dma_semaphore, #tpu.memory_space<semaphore_mem>>
        %dma_start3A_289 = arith.constant 0 : i32
        %dma_start3A_290 = tpu.memref_slice %arg8[%add3A_176, %dma_start3A_289] : memref<80x125xi32, #tpu.memory_space<vmem>> -> memref<1x125xi32, #tpu.memory_space<vmem>>
        %dma_start3A_291 = tpu.memref_squeeze %dma_start3A_290 : memref<1x125xi32, #tpu.memory_space<vmem>> -> memref<125xi32, #tpu.memory_space<vmem>>
        %dma_start3A_292 = arith.constant 0 : i32
        %dma_start3A_293 = arith.constant 0 : i32
        %dma_start3A_294 = tpu.memref_slice %arg13[%dma_start3A_292, %dma_start3A_293] : memref<10112x64xf32, #tpu.memory_space<vmem_shared>> -> memref<10112x64xf32, #tpu.memory_space<vmem_shared>>
        tpu.enqueue_indirect_dma source(%arg9 : memref<125x64xf32, #tpu.memory_space<vmem>>) target(%dma_start3A_294 : memref<10112x64xf32, #tpu.memory_space<vmem_shared>>) offsets(%dma_start3A_291 : memref<125xi32, #tpu.memory_space<vmem>>) semaphore(%run_scoped3A_288 : memref<!tpu.dma_semaphore, #tpu.memory_space<semaphore_mem>>) {add = true}
        %dma_wait3A_295 = arith.constant 0 : i32
        %dma_wait3A_296 = tpu.memref_slice %arg8[%add3A_176, %dma_wait3A_295] : memref<80x125xi32, #tpu.memory_space<vmem>> -> memref<1x125xi32, #tpu.memory_space<vmem>>
        %dma_wait3A_297 = tpu.memref_squeeze %dma_wait3A_296 : memref<1x125xi32, #tpu.memory_space<vmem>> -> memref<125xi32, #tpu.memory_space<vmem>>
        %dma_wait3A_298 = arith.constant 0 : i32
        %dma_wait3A_299 = arith.constant 0 : i32
        %dma_wait3A_300 = tpu.memref_slice %arg13[%dma_wait3A_298, %dma_wait3A_299] : memref<10112x64xf32, #tpu.memory_space<vmem_shared>> -> memref<10112x64xf32, #tpu.memory_space<vmem_shared>>
        tpu.wait_indirect_dma semaphore(%run_scoped3A_288 : memref<!tpu.dma_semaphore, #tpu.memory_space<semaphore_mem>>) src(%arg9 : memref<125x64xf32, #tpu.memory_space<vmem>>) dst(%dma_wait3A_300 : memref<10112x64xf32, #tpu.memory_space<vmem_shared>>)
        tpu.yield
      }) : () -> ()
      %mul3A_201 = arith.constant 4 : i32
      %mul3A_202 = arith.muli %mul3A_201, %scan3A_172 : i32
      %add3A_203 = arith.constant 1 : i32
      %add3A_204 = arith.addi %mul3A_202, %add3A_203 : i32
      %dma_wait3A_205 = arith.constant 0 : i32
      %dma_wait3A_206 = arith.constant 0 : i32
      %dma_wait3A_207 = tpu.memref_slice %arg7[%dma_wait3A_205, %dma_wait3A_206] : memref<80x125xi32, #tpu.memory_space<vmem>> -> memref<1x125xi32, #tpu.memory_space<vmem>>
      %dma_wait3A_208 = tpu.memref_squeeze %dma_wait3A_207 : memref<1x125xi32, #tpu.memory_space<vmem>> -> memref<125xi32, #tpu.memory_space<vmem>>
      %dma_wait3A_209 = arith.constant 0 : i32
      %dma_wait3A_210 = arith.constant 0 : i32
      %dma_wait3A_211 = tpu.memref_slice %arg2[%scan3A_124, %dma_wait3A_209, %dma_wait3A_210] : memref<2x10000x64xf32, #tpu.memory_space<hbm>> -> memref<1x10000x64xf32, #tpu.memory_space<hbm>>
      %dma_wait3A_212 = tpu.memref_squeeze %dma_wait3A_211 : memref<1x10000x64xf32, #tpu.memory_space<hbm>> -> memref<10000x64xf32, #tpu.memory_space<hbm>>
      %dma_wait3A_213 = arith.constant 0 : i32
      %dma_wait3A_214 = arith.constant 0 : i32
      %dma_wait3A_215 = tpu.memref_slice %dma_wait3A_212[%dma_wait3A_213, %dma_wait3A_214] : memref<10000x64xf32, #tpu.memory_space<hbm>> -> memref<10000x64xf32, #tpu.memory_space<hbm>>
      tpu.wait_indirect_dma semaphore(%arg15 : memref<!tpu.dma_semaphore, #tpu.memory_space<semaphore_mem>>) src(%dma_wait3A_215 : memref<10000x64xf32, #tpu.memory_space<hbm>>) dst(%arg10 : memref<125x64xf32, #tpu.memory_space<vmem>>)
      %add3A_216 = arith.constant 3 : i32
      %add3A_217 = arith.addi %add3A_204, %add3A_216 : i32
      %min3A_218 = arith.constant 79 : i32
      %min3A_219 = arith.minsi %add3A_217, %min3A_218 : i32
      %dma_start3A_220 = arith.constant 0 : i32
      %dma_start3A_221 = tpu.memref_slice %arg7[%min3A_219, %dma_start3A_220] : memref<80x125xi32, #tpu.memory_space<vmem>> -> memref<1x125xi32, #tpu.memory_space<vmem>>
      %dma_start3A_222 = tpu.memref_squeeze %dma_start3A_221 : memref<1x125xi32, #tpu.memory_space<vmem>> -> memref<125xi32, #tpu.memory_space<vmem>>
      %dma_start3A_223 = arith.constant 0 : i32
      %dma_start3A_224 = arith.constant 0 : i32
      %dma_start3A_225 = tpu.memref_slice %arg2[%scan3A_124, %dma_start3A_223, %dma_start3A_224] : memref<2x10000x64xf32, #tpu.memory_space<hbm>> -> memref<1x10000x64xf32, #tpu.memory_space<hbm>>
      %dma_start3A_226 = tpu.memref_squeeze %dma_start3A_225 : memref<1x10000x64xf32, #tpu.memory_space<hbm>> -> memref<10000x64xf32, #tpu.memory_space<hbm>>
      %dma_start3A_227 = arith.constant 0 : i32
      %dma_start3A_228 = arith.constant 0 : i32
      %dma_start3A_229 = tpu.memref_slice %dma_start3A_226[%dma_start3A_227, %dma_start3A_228] : memref<10000x64xf32, #tpu.memory_space<hbm>> -> memref<10000x64xf32, #tpu.memory_space<hbm>>
      tpu.enqueue_indirect_dma source(%dma_start3A_229 : memref<10000x64xf32, #tpu.memory_space<hbm>>) target(%arg9 : memref<125x64xf32, #tpu.memory_space<vmem>>) offsets(%dma_start3A_222 : memref<125xi32, #tpu.memory_space<vmem>>) semaphore(%arg14 : memref<!tpu.dma_semaphore, #tpu.memory_space<semaphore_mem>>)
      "tpu.region"() ({
        %run_scoped3A_288 = tpu.sem_alloc : memref<!tpu.dma_semaphore, #tpu.memory_space<semaphore_mem>>
        %dma_start3A_289 = arith.constant 0 : i32
        %dma_start3A_290 = tpu.memref_slice %arg8[%add3A_204, %dma_start3A_289] : memref<80x125xi32, #tpu.memory_space<vmem>> -> memref<1x125xi32, #tpu.memory_space<vmem>>
        %dma_start3A_291 = tpu.memref_squeeze %dma_start3A_290 : memref<1x125xi32, #tpu.memory_space<vmem>> -> memref<125xi32, #tpu.memory_space<vmem>>
        %dma_start3A_292 = arith.constant 0 : i32
        %dma_start3A_293 = arith.constant 0 : i32
        %dma_start3A_294 = tpu.memref_slice %arg13[%dma_start3A_292, %dma_start3A_293] : memref<10112x64xf32, #tpu.memory_space<vmem_shared>> -> memref<10112x64xf32, #tpu.memory_space<vmem_shared>>
        tpu.enqueue_indirect_dma source(%arg10 : memref<125x64xf32, #tpu.memory_space<vmem>>) target(%dma_start3A_294 : memref<10112x64xf32, #tpu.memory_space<vmem_shared>>) offsets(%dma_start3A_291 : memref<125xi32, #tpu.memory_space<vmem>>) semaphore(%run_scoped3A_288 : memref<!tpu.dma_semaphore, #tpu.memory_space<semaphore_mem>>) {add = true}
        %dma_wait3A_295 = arith.constant 0 : i32
        %dma_wait3A_296 = tpu.memref_slice %arg8[%add3A_204, %dma_wait3A_295] : memref<80x125xi32, #tpu.memory_space<vmem>> -> memref<1x125xi32, #tpu.memory_space<vmem>>
        %dma_wait3A_297 = tpu.memref_squeeze %dma_wait3A_296 : memref<1x125xi32, #tpu.memory_space<vmem>> -> memref<125xi32, #tpu.memory_space<vmem>>
        %dma_wait3A_298 = arith.constant 0 : i32
        %dma_wait3A_299 = arith.constant 0 : i32
        %dma_wait3A_300 = tpu.memref_slice %arg13[%dma_wait3A_298, %dma_wait3A_299] : memref<10112x64xf32, #tpu.memory_space<vmem_shared>> -> memref<10112x64xf32, #tpu.memory_space<vmem_shared>>
        tpu.wait_indirect_dma semaphore(%run_scoped3A_288 : memref<!tpu.dma_semaphore, #tpu.memory_space<semaphore_mem>>) src(%arg10 : memref<125x64xf32, #tpu.memory_space<vmem>>) dst(%dma_wait3A_300 : memref<10112x64xf32, #tpu.memory_space<vmem_shared>>)
        tpu.yield
      }) : () -> ()
      %mul3A_230 = arith.constant 4 : i32
      %mul3A_231 = arith.muli %mul3A_230, %scan3A_172 : i32
      %add3A_232 = arith.constant 2 : i32
      %add3A_233 = arith.addi %mul3A_231, %add3A_232 : i32
      %dma_wait3A_234 = arith.constant 0 : i32
      %dma_wait3A_235 = arith.constant 0 : i32
      %dma_wait3A_236 = tpu.memref_slice %arg7[%dma_wait3A_234, %dma_wait3A_235] : memref<80x125xi32, #tpu.memory_space<vmem>> -> memref<1x125xi32, #tpu.memory_space<vmem>>
      %dma_wait3A_237 = tpu.memref_squeeze %dma_wait3A_236 : memref<1x125xi32, #tpu.memory_space<vmem>> -> memref<125xi32, #tpu.memory_space<vmem>>
      %dma_wait3A_238 = arith.constant 0 : i32
      %dma_wait3A_239 = arith.constant 0 : i32
      %dma_wait3A_240 = tpu.memref_slice %arg2[%scan3A_124, %dma_wait3A_238, %dma_wait3A_239] : memref<2x10000x64xf32, #tpu.memory_space<hbm>> -> memref<1x10000x64xf32, #tpu.memory_space<hbm>>
      %dma_wait3A_241 = tpu.memref_squeeze %dma_wait3A_240 : memref<1x10000x64xf32, #tpu.memory_space<hbm>> -> memref<10000x64xf32, #tpu.memory_space<hbm>>
      %dma_wait3A_242 = arith.constant 0 : i32
      %dma_wait3A_243 = arith.constant 0 : i32
      %dma_wait3A_244 = tpu.memref_slice %dma_wait3A_241[%dma_wait3A_242, %dma_wait3A_243] : memref<10000x64xf32, #tpu.memory_space<hbm>> -> memref<10000x64xf32, #tpu.memory_space<hbm>>
      tpu.wait_indirect_dma semaphore(%arg16 : memref<!tpu.dma_semaphore, #tpu.memory_space<semaphore_mem>>) src(%dma_wait3A_244 : memref<10000x64xf32, #tpu.memory_space<hbm>>) dst(%arg11 : memref<125x64xf32, #tpu.memory_space<vmem>>)
      %add3A_245 = arith.constant 3 : i32
      %add3A_246 = arith.addi %add3A_233, %add3A_245 : i32
      %min3A_247 = arith.constant 79 : i32
      %min3A_248 = arith.minsi %add3A_246, %min3A_247 : i32
      %dma_start3A_249 = arith.constant 0 : i32
      %dma_start3A_250 = tpu.memref_slice %arg7[%min3A_248, %dma_start3A_249] : memref<80x125xi32, #tpu.memory_space<vmem>> -> memref<1x125xi32, #tpu.memory_space<vmem>>
      %dma_start3A_251 = tpu.memref_squeeze %dma_start3A_250 : memref<1x125xi32, #tpu.memory_space<vmem>> -> memref<125xi32, #tpu.memory_space<vmem>>
      %dma_start3A_252 = arith.constant 0 : i32
      %dma_start3A_253 = arith.constant 0 : i32
      %dma_start3A_254 = tpu.memref_slice %arg2[%scan3A_124, %dma_start3A_252, %dma_start3A_253] : memref<2x10000x64xf32, #tpu.memory_space<hbm>> -> memref<1x10000x64xf32, #tpu.memory_space<hbm>>
      %dma_start3A_255 = tpu.memref_squeeze %dma_start3A_254 : memref<1x10000x64xf32, #tpu.memory_space<hbm>> -> memref<10000x64xf32, #tpu.memory_space<hbm>>
      %dma_start3A_256 = arith.constant 0 : i32
      %dma_start3A_257 = arith.constant 0 : i32
      %dma_start3A_258 = tpu.memref_slice %dma_start3A_255[%dma_start3A_256, %dma_start3A_257] : memref<10000x64xf32, #tpu.memory_space<hbm>> -> memref<10000x64xf32, #tpu.memory_space<hbm>>
      tpu.enqueue_indirect_dma source(%dma_start3A_258 : memref<10000x64xf32, #tpu.memory_space<hbm>>) target(%arg10 : memref<125x64xf32, #tpu.memory_space<vmem>>) offsets(%dma_start3A_251 : memref<125xi32, #tpu.memory_space<vmem>>) semaphore(%arg15 : memref<!tpu.dma_semaphore, #tpu.memory_space<semaphore_mem>>)
      "tpu.region"() ({
        %run_scoped3A_288 = tpu.sem_alloc : memref<!tpu.dma_semaphore, #tpu.memory_space<semaphore_mem>>
        %dma_start3A_289 = arith.constant 0 : i32
        %dma_start3A_290 = tpu.memref_slice %arg8[%add3A_233, %dma_start3A_289] : memref<80x125xi32, #tpu.memory_space<vmem>> -> memref<1x125xi32, #tpu.memory_space<vmem>>
        %dma_start3A_291 = tpu.memref_squeeze %dma_start3A_290 : memref<1x125xi32, #tpu.memory_space<vmem>> -> memref<125xi32, #tpu.memory_space<vmem>>
        %dma_start3A_292 = arith.constant 0 : i32
        %dma_start3A_293 = arith.constant 0 : i32
        %dma_start3A_294 = tpu.memref_slice %arg13[%dma_start3A_292, %dma_start3A_293] : memref<10112x64xf32, #tpu.memory_space<vmem_shared>> -> memref<10112x64xf32, #tpu.memory_space<vmem_shared>>
        tpu.enqueue_indirect_dma source(%arg11 : memref<125x64xf32, #tpu.memory_space<vmem>>) target(%dma_start3A_294 : memref<10112x64xf32, #tpu.memory_space<vmem_shared>>) offsets(%dma_start3A_291 : memref<125xi32, #tpu.memory_space<vmem>>) semaphore(%run_scoped3A_288 : memref<!tpu.dma_semaphore, #tpu.memory_space<semaphore_mem>>) {add = true}
        %dma_wait3A_295 = arith.constant 0 : i32
        %dma_wait3A_296 = tpu.memref_slice %arg8[%add3A_233, %dma_wait3A_295] : memref<80x125xi32, #tpu.memory_space<vmem>> -> memref<1x125xi32, #tpu.memory_space<vmem>>
        %dma_wait3A_297 = tpu.memref_squeeze %dma_wait3A_296 : memref<1x125xi32, #tpu.memory_space<vmem>> -> memref<125xi32, #tpu.memory_space<vmem>>
        %dma_wait3A_298 = arith.constant 0 : i32
        %dma_wait3A_299 = arith.constant 0 : i32
        %dma_wait3A_300 = tpu.memref_slice %arg13[%dma_wait3A_298, %dma_wait3A_299] : memref<10112x64xf32, #tpu.memory_space<vmem_shared>> -> memref<10112x64xf32, #tpu.memory_space<vmem_shared>>
        tpu.wait_indirect_dma semaphore(%run_scoped3A_288 : memref<!tpu.dma_semaphore, #tpu.memory_space<semaphore_mem>>) src(%arg11 : memref<125x64xf32, #tpu.memory_space<vmem>>) dst(%dma_wait3A_300 : memref<10112x64xf32, #tpu.memory_space<vmem_shared>>)
        tpu.yield
      }) : () -> ()
      %mul3A_259 = arith.constant 4 : i32
      %mul3A_260 = arith.muli %mul3A_259, %scan3A_172 : i32
      %add3A_261 = arith.constant 3 : i32
      %add3A_262 = arith.addi %mul3A_260, %add3A_261 : i32
      %dma_wait3A_263 = arith.constant 0 : i32
      %dma_wait3A_264 = arith.constant 0 : i32
      %dma_wait3A_265 = tpu.memref_slice %arg7[%dma_wait3A_263, %dma_wait3A_264] : memref<80x125xi32, #tpu.memory_space<vmem>> -> memref<1x125xi32, #tpu.memory_space<vmem>>
      %dma_wait3A_266 = tpu.memref_squeeze %dma_wait3A_265 : memref<1x125xi32, #tpu.memory_space<vmem>> -> memref<125xi32, #tpu.memory_space<vmem>>
      %dma_wait3A_267 = arith.constant 0 : i32
      %dma_wait3A_268 = arith.constant 0 : i32
      %dma_wait3A_269 = tpu.memref_slice %arg2[%scan3A_124, %dma_wait3A_267, %dma_wait3A_268] : memref<2x10000x64xf32, #tpu.memory_space<hbm>> -> memref<1x10000x64xf32, #tpu.memory_space<hbm>>
      %dma_wait3A_270 = tpu.memref_squeeze %dma_wait3A_269 : memref<1x10000x64xf32, #tpu.memory_space<hbm>> -> memref<10000x64xf32, #tpu.memory_space<hbm>>
      %dma_wait3A_271 = arith.constant 0 : i32
      %dma_wait3A_272 = arith.constant 0 : i32
      %dma_wait3A_273 = tpu.memref_slice %dma_wait3A_270[%dma_wait3A_271, %dma_wait3A_272] : memref<10000x64xf32, #tpu.memory_space<hbm>> -> memref<10000x64xf32, #tpu.memory_space<hbm>>
      tpu.wait_indirect_dma semaphore(%arg17 : memref<!tpu.dma_semaphore, #tpu.memory_space<semaphore_mem>>) src(%dma_wait3A_273 : memref<10000x64xf32, #tpu.memory_space<hbm>>) dst(%arg12 : memref<125x64xf32, #tpu.memory_space<vmem>>)
      %add3A_274 = arith.constant 3 : i32
      %add3A_275 = arith.addi %add3A_262, %add3A_274 : i32
      %min3A_276 = arith.constant 79 : i32
      %min3A_277 = arith.minsi %add3A_275, %min3A_276 : i32
      %dma_start3A_278 = arith.constant 0 : i32
      %dma_start3A_279 = tpu.memref_slice %arg7[%min3A_277, %dma_start3A_278] : memref<80x125xi32, #tpu.memory_space<vmem>> -> memref<1x125xi32, #tpu.memory_space<vmem>>
      %dma_start3A_280 = tpu.memref_squeeze %dma_start3A_279 : memref<1x125xi32, #tpu.memory_space<vmem>> -> memref<125xi32, #tpu.memory_space<vmem>>
      %dma_start3A_281 = arith.constant 0 : i32
      %dma_start3A_282 = arith.constant 0 : i32
      %dma_start3A_283 = tpu.memref_slice %arg2[%scan3A_124, %dma_start3A_281, %dma_start3A_282] : memref<2x10000x64xf32, #tpu.memory_space<hbm>> -> memref<1x10000x64xf32, #tpu.memory_space<hbm>>
      %dma_start3A_284 = tpu.memref_squeeze %dma_start3A_283 : memref<1x10000x64xf32, #tpu.memory_space<hbm>> -> memref<10000x64xf32, #tpu.memory_space<hbm>>
      %dma_start3A_285 = arith.constant 0 : i32
      %dma_start3A_286 = arith.constant 0 : i32
      %dma_start3A_287 = tpu.memref_slice %dma_start3A_284[%dma_start3A_285, %dma_start3A_286] : memref<10000x64xf32, #tpu.memory_space<hbm>> -> memref<10000x64xf32, #tpu.memory_space<hbm>>
      tpu.enqueue_indirect_dma source(%dma_start3A_287 : memref<10000x64xf32, #tpu.memory_space<hbm>>) target(%arg11 : memref<125x64xf32, #tpu.memory_space<vmem>>) offsets(%dma_start3A_280 : memref<125xi32, #tpu.memory_space<vmem>>) semaphore(%arg16 : memref<!tpu.dma_semaphore, #tpu.memory_space<semaphore_mem>>)
      "tpu.region"() ({
        %run_scoped3A_288 = tpu.sem_alloc : memref<!tpu.dma_semaphore, #tpu.memory_space<semaphore_mem>>
        %dma_start3A_289 = arith.constant 0 : i32
        %dma_start3A_290 = tpu.memref_slice %arg8[%add3A_262, %dma_start3A_289] : memref<80x125xi32, #tpu.memory_space<vmem>> -> memref<1x125xi32, #tpu.memory_space<vmem>>
        %dma_start3A_291 = tpu.memref_squeeze %dma_start3A_290 : memref<1x125xi32, #tpu.memory_space<vmem>> -> memref<125xi32, #tpu.memory_space<vmem>>
        %dma_start3A_292 = arith.constant 0 : i32
        %dma_start3A_293 = arith.constant 0 : i32
        %dma_start3A_294 = tpu.memref_slice %arg13[%dma_start3A_292, %dma_start3A_293] : memref<10112x64xf32, #tpu.memory_space<vmem_shared>> -> memref<10112x64xf32, #tpu.memory_space<vmem_shared>>
        tpu.enqueue_indirect_dma source(%arg12 : memref<125x64xf32, #tpu.memory_space<vmem>>) target(%dma_start3A_294 : memref<10112x64xf32, #tpu.memory_space<vmem_shared>>) offsets(%dma_start3A_291 : memref<125xi32, #tpu.memory_space<vmem>>) semaphore(%run_scoped3A_288 : memref<!tpu.dma_semaphore, #tpu.memory_space<semaphore_mem>>) {add = true}
        %dma_wait3A_295 = arith.constant 0 : i32
        %dma_wait3A_296 = tpu.memref_slice %arg8[%add3A_262, %dma_wait3A_295] : memref<80x125xi32, #tpu.memory_space<vmem>> -> memref<1x125xi32, #tpu.memory_space<vmem>>
        %dma_wait3A_297 = tpu.memref_squeeze %dma_wait3A_296 : memref<1x125xi32, #tpu.memory_space<vmem>> -> memref<125xi32, #tpu.memory_space<vmem>>
        %dma_wait3A_298 = arith.constant 0 : i32
        %dma_wait3A_299 = arith.constant 0 : i32
        %dma_wait3A_300 = tpu.memref_slice %arg13[%dma_wait3A_298, %dma_wait3A_299] : memref<10112x64xf32, #tpu.memory_space<vmem_shared>> -> memref<10112x64xf32, #tpu.memory_space<vmem_shared>>
        tpu.wait_indirect_dma semaphore(%run_scoped3A_288 : memref<!tpu.dma_semaphore, #tpu.memory_space<semaphore_mem>>) src(%arg12 : memref<125x64xf32, #tpu.memory_space<vmem>>) dst(%dma_wait3A_300 : memref<10112x64xf32, #tpu.memory_space<vmem_shared>>)
        tpu.yield
      }) : () -> ()
    }
    %scan3A_129 = arith.constant 20 : i32
    %dma_wait3A_130 = arith.constant 1 : i32
    %dma_wait3A_131 = arith.constant 0 : i32
    %dma_wait3A_132 = arith.constant 0 : i32
    %dma_wait3A_133 = tpu.memref_slice %arg7[%dma_wait3A_131, %dma_wait3A_132] : memref<80x125xi32, #tpu.memory_space<vmem>> -> memref<1x125xi32, #tpu.memory_space<vmem>>
    %dma_wait3A_134 = tpu.memref_squeeze %dma_wait3A_133 : memref<1x125xi32, #tpu.memory_space<vmem>> -> memref<125xi32, #tpu.memory_space<vmem>>
    %dma_wait3A_135 = arith.constant 0 : i32
    %dma_wait3A_136 = arith.constant 0 : i32
    %dma_wait3A_137 = tpu.memref_slice %arg2[%dma_wait3A_130, %dma_wait3A_135, %dma_wait3A_136] : memref<2x10000x64xf32, #tpu.memory_space<hbm>> -> memref<1x10000x64xf32, #tpu.memory_space<hbm>>
    %dma_wait3A_138 = tpu.memref_squeeze %dma_wait3A_137 : memref<1x10000x64xf32, #tpu.memory_space<hbm>> -> memref<10000x64xf32, #tpu.memory_space<hbm>>
    %dma_wait3A_139 = arith.constant 0 : i32
    %dma_wait3A_140 = arith.constant 0 : i32
    %dma_wait3A_141 = tpu.memref_slice %dma_wait3A_138[%dma_wait3A_139, %dma_wait3A_140] : memref<10000x64xf32, #tpu.memory_space<hbm>> -> memref<10000x64xf32, #tpu.memory_space<hbm>>
    tpu.wait_indirect_dma semaphore(%arg14 : memref<!tpu.dma_semaphore, #tpu.memory_space<semaphore_mem>>) src(%dma_wait3A_141 : memref<10000x64xf32, #tpu.memory_space<hbm>>) dst(%arg9 : memref<125x64xf32, #tpu.memory_space<vmem>>)
    %dma_wait3A_142 = arith.constant 1 : i32
    %dma_wait3A_143 = arith.constant 0 : i32
    %dma_wait3A_144 = arith.constant 0 : i32
    %dma_wait3A_145 = tpu.memref_slice %arg7[%dma_wait3A_143, %dma_wait3A_144] : memref<80x125xi32, #tpu.memory_space<vmem>> -> memref<1x125xi32, #tpu.memory_space<vmem>>
    %dma_wait3A_146 = tpu.memref_squeeze %dma_wait3A_145 : memref<1x125xi32, #tpu.memory_space<vmem>> -> memref<125xi32, #tpu.memory_space<vmem>>
    %dma_wait3A_147 = arith.constant 0 : i32
    %dma_wait3A_148 = arith.constant 0 : i32
    %dma_wait3A_149 = tpu.memref_slice %arg2[%dma_wait3A_142, %dma_wait3A_147, %dma_wait3A_148] : memref<2x10000x64xf32, #tpu.memory_space<hbm>> -> memref<1x10000x64xf32, #tpu.memory_space<hbm>>
    %dma_wait3A_150 = tpu.memref_squeeze %dma_wait3A_149 : memref<1x10000x64xf32, #tpu.memory_space<hbm>> -> memref<10000x64xf32, #tpu.memory_space<hbm>>
    %dma_wait3A_151 = arith.constant 0 : i32
    %dma_wait3A_152 = arith.constant 0 : i32
    %dma_wait3A_153 = tpu.memref_slice %dma_wait3A_150[%dma_wait3A_151, %dma_wait3A_152] : memref<10000x64xf32, #tpu.memory_space<hbm>> -> memref<10000x64xf32, #tpu.memory_space<hbm>>
    tpu.wait_indirect_dma semaphore(%arg15 : memref<!tpu.dma_semaphore, #tpu.memory_space<semaphore_mem>>) src(%dma_wait3A_153 : memref<10000x64xf32, #tpu.memory_space<hbm>>) dst(%arg10 : memref<125x64xf32, #tpu.memory_space<vmem>>)
    %dma_wait3A_154 = arith.constant 1 : i32
    %dma_wait3A_155 = arith.constant 0 : i32
    %dma_wait3A_156 = arith.constant 0 : i32
    %dma_wait3A_157 = tpu.memref_slice %arg7[%dma_wait3A_155, %dma_wait3A_156] : memref<80x125xi32, #tpu.memory_space<vmem>> -> memref<1x125xi32, #tpu.memory_space<vmem>>
    %dma_wait3A_158 = tpu.memref_squeeze %dma_wait3A_157 : memref<1x125xi32, #tpu.memory_space<vmem>> -> memref<125xi32, #tpu.memory_space<vmem>>
    %dma_wait3A_159 = arith.constant 0 : i32
    %dma_wait3A_160 = arith.constant 0 : i32
    %dma_wait3A_161 = tpu.memref_slice %arg2[%dma_wait3A_154, %dma_wait3A_159, %dma_wait3A_160] : memref<2x10000x64xf32, #tpu.memory_space<hbm>> -> memref<1x10000x64xf32, #tpu.memory_space<hbm>>
    %dma_wait3A_162 = tpu.memref_squeeze %dma_wait3A_161 : memref<1x10000x64xf32, #tpu.memory_space<hbm>> -> memref<10000x64xf32, #tpu.memory_space<hbm>>
    %dma_wait3A_163 = arith.constant 0 : i32
    %dma_wait3A_164 = arith.constant 0 : i32
    %dma_wait3A_165 = tpu.memref_slice %dma_wait3A_162[%dma_wait3A_163, %dma_wait3A_164] : memref<10000x64xf32, #tpu.memory_space<hbm>> -> memref<10000x64xf32, #tpu.memory_space<hbm>>
    tpu.wait_indirect_dma semaphore(%arg16 : memref<!tpu.dma_semaphore, #tpu.memory_space<semaphore_mem>>) src(%dma_wait3A_165 : memref<10000x64xf32, #tpu.memory_space<hbm>>) dst(%arg11 : memref<125x64xf32, #tpu.memory_space<vmem>>)
    %barrier3A_166 = arith.constant 0 : index
    tpu.barrier barrier_id(%barrier3A_166)
    "tpu.trace_stop"() : () -> ()
    "tpu.trace_start"() <{level = 10 : i32, message = "sc_out"}> : () -> ()
    %mul3A_167 = arith.constant 632 : i32
    %mul3A_168 = arith.muli %arg1, %mul3A_167 : i32
    %mul3A_169 = arith.constant 632 : i32
    %mul3A_170 = arith.muli %arg1, %mul3A_169 : i32
    %run_scoped3A_171 = arith.constant 1 : i32
    "tpu.region"() ({
      %run_scoped3A_172 = tpu.sem_alloc : memref<!tpu.dma_semaphore, #tpu.memory_space<semaphore_mem>>
      %dma_start3A_173 = arith.constant 0 : i32
      %dma_start3A_174 = tpu.memref_slice %arg6[%run_scoped3A_171, %arg0, %mul3A_170, %dma_start3A_173] : memref<2x2x10112x64xf32, #tpu.memory_space<hbm>> -> memref<1x1x632x64xf32, #tpu.memory_space<hbm>>
      %dma_start3A_175 = tpu.memref_squeeze %dma_start3A_174 : memref<1x1x632x64xf32, #tpu.memory_space<hbm>> -> memref<632x64xf32, #tpu.memory_space<hbm>>
      %dma_start3A_176 = arith.constant 0 : i32
      %dma_start3A_177 = tpu.memref_slice %arg13[%mul3A_168, %dma_start3A_176] : memref<10112x64xf32, #tpu.memory_space<vmem_shared>> -> memref<632x64xf32, #tpu.memory_space<vmem_shared>>
      tpu.enqueue_dma source(%dma_start3A_177 : memref<632x64xf32, #tpu.memory_space<vmem_shared>>) target(%dma_start3A_175 : memref<632x64xf32, #tpu.memory_space<hbm>>) target_semaphore(%run_scoped3A_172 : memref<!tpu.dma_semaphore, #tpu.memory_space<semaphore_mem>>)
      %dma_wait3A_178 = arith.constant 0 : i32
      %dma_wait3A_179 = tpu.memref_slice %arg6[%run_scoped3A_171, %arg0, %mul3A_170, %dma_wait3A_178] : memref<2x2x10112x64xf32, #tpu.memory_space<hbm>> -> memref<1x1x632x64xf32, #tpu.memory_space<hbm>>
      %dma_wait3A_180 = tpu.memref_squeeze %dma_wait3A_179 : memref<1x1x632x64xf32, #tpu.memory_space<hbm>> -> memref<632x64xf32, #tpu.memory_space<hbm>>
      %dma_wait3A_181 = arith.constant 0 : i32
      %dma_wait3A_182 = tpu.memref_slice %arg13[%mul3A_168, %dma_wait3A_181] : memref<10112x64xf32, #tpu.memory_space<vmem_shared>> -> memref<632x64xf32, #tpu.memory_space<vmem_shared>>
      tpu.wait_dma2 semaphore(%run_scoped3A_172 : memref<!tpu.dma_semaphore, #tpu.memory_space<semaphore_mem>>) src(%dma_wait3A_182 : memref<632x64xf32, #tpu.memory_space<vmem_shared>>) dst(%dma_wait3A_180 : memref<632x64xf32, #tpu.memory_space<hbm>>)
      tpu.yield
    }) : () -> ()
    "tpu.trace_stop"() : () -> ()
    return
  }
}

#map = affine_map<(d0, d1) -> (0, 0, 0)>
#map1 = affine_map<(d0, d1) -> (0, 0)>
#map2 = affine_map<(d0, d1) -> (0, 0, 0, 0)>
module attributes {stable_mosaic.version = 14 : i64} {
  func.func @_segsum_sc(%arg0: i32, %arg1: i32, %arg2: memref<2x10000x64xf32, #tpu.memory_space<hbm>>, %arg3: memref<32x80x125xi32, #tpu.memory_space<hbm>>, %arg4: memref<32x80x125xi32, #tpu.memory_space<hbm>>, %arg5: memref<632x64xf32, #tpu.memory_space<hbm>>, %arg6: memref<2x2x10112x64xf32, #tpu.memory_space<hbm>>, %arg7: memref<80x125xi32, #tpu.memory_space<vmem>>, %arg8: memref<80x125xi32, #tpu.memory_space<vmem>>, %arg9: memref<125x64xf32, #tpu.memory_space<vmem>>, %arg10: memref<125x64xf32, #tpu.memory_space<vmem>>, %arg11: memref<125x64xf32, #tpu.memory_space<vmem>>, %arg12: memref<125x64xf32, #tpu.memory_space<vmem>>, %arg13: memref<10112x64xf32, #tpu.memory_space<vmem_shared>>, %arg14: memref<!tpu.dma_semaphore, #tpu.memory_space<semaphore_mem>>, %arg15: memref<!tpu.dma_semaphore, #tpu.memory_space<semaphore_mem>>, %arg16: memref<!tpu.dma_semaphore, #tpu.memory_space<semaphore_mem>>, %arg17: memref<!tpu.dma_semaphore, #tpu.memory_space<semaphore_mem>>) attributes {dimension_semantics = [#tpu.dimension_semantics<core_parallel>, #tpu.dimension_semantics<subcore_parallel>], iteration_bounds = array<i64: 2, 16>, scalar_prefetch = 0 : i64, scratch_operands = 11 : i64, tpu.core_type = #tpu.core_type<sc_vector_subcore>, window_params = [{transform_indices = #map}, {transform_indices = #map}, {transform_indices = #map}, {transform_indices = #map1}, {transform_indices = #map2}]} {
    %mul3A = arith.constant 2 : i32
    %mul3A_0 = arith.muli %arg1, %mul3A : i32
    %add3A = arith.addi %mul3A_0, %arg0 : i32
    "tpu.trace_start"() <{level = 10 : i32, message = "sc_idx"}> : () -> ()
    "tpu.region"() ({
      %run_scoped3A_172 = tpu.sem_alloc : memref<!tpu.dma_semaphore, #tpu.memory_space<semaphore_mem>>
      %dma_start3A_173 = arith.constant 0 : i32
      %dma_start3A_174 = arith.constant 0 : i32
      %dma_start3A_175 = tpu.memref_slice %arg3[%add3A, %dma_start3A_173, %dma_start3A_174] : memref<32x80x125xi32, #tpu.memory_space<hbm>> -> memref<1x80x125xi32, #tpu.memory_space<hbm>>
      %dma_start3A_176 = tpu.memref_squeeze %dma_start3A_175 : memref<1x80x125xi32, #tpu.memory_space<hbm>> -> memref<80x125xi32, #tpu.memory_space<hbm>>
      %dma_start3A_177 = arith.constant 0 : i32
      %dma_start3A_178 = arith.constant 0 : i32
      %dma_start3A_179 = tpu.memref_slice %arg3[%add3A, %dma_start3A_177, %dma_start3A_178] : memref<32x80x125xi32, #tpu.memory_space<hbm>> -> memref<1x80x125xi32, #tpu.memory_space<hbm>>
      %dma_start3A_180 = tpu.memref_squeeze %dma_start3A_179 : memref<1x80x125xi32, #tpu.memory_space<hbm>> -> memref<80x125xi32, #tpu.memory_space<hbm>>
      tpu.enqueue_dma source(%dma_start3A_180 : memref<80x125xi32, #tpu.memory_space<hbm>>) target(%arg7 : memref<80x125xi32, #tpu.memory_space<vmem>>) target_semaphore(%run_scoped3A_172 : memref<!tpu.dma_semaphore, #tpu.memory_space<semaphore_mem>>)
      %dma_wait3A_181 = arith.constant 0 : i32
      %dma_wait3A_182 = arith.constant 0 : i32
      %dma_wait3A_183 = tpu.memref_slice %arg3[%add3A, %dma_wait3A_181, %dma_wait3A_182] : memref<32x80x125xi32, #tpu.memory_space<hbm>> -> memref<1x80x125xi32, #tpu.memory_space<hbm>>
      %dma_wait3A_184 = tpu.memref_squeeze %dma_wait3A_183 : memref<1x80x125xi32, #tpu.memory_space<hbm>> -> memref<80x125xi32, #tpu.memory_space<hbm>>
      %dma_wait3A_185 = arith.constant 0 : i32
      %dma_wait3A_186 = arith.constant 0 : i32
      %dma_wait3A_187 = tpu.memref_slice %arg3[%add3A, %dma_wait3A_185, %dma_wait3A_186] : memref<32x80x125xi32, #tpu.memory_space<hbm>> -> memref<1x80x125xi32, #tpu.memory_space<hbm>>
      %dma_wait3A_188 = tpu.memref_squeeze %dma_wait3A_187 : memref<1x80x125xi32, #tpu.memory_space<hbm>> -> memref<80x125xi32, #tpu.memory_space<hbm>>
      tpu.wait_dma2 semaphore(%run_scoped3A_172 : memref<!tpu.dma_semaphore, #tpu.memory_space<semaphore_mem>>) src(%dma_wait3A_188 : memref<80x125xi32, #tpu.memory_space<hbm>>) dst(%arg7 : memref<80x125xi32, #tpu.memory_space<vmem>>)
      tpu.yield
    }) : () -> ()
    "tpu.region"() ({
      %run_scoped3A_172 = tpu.sem_alloc : memref<!tpu.dma_semaphore, #tpu.memory_space<semaphore_mem>>
      %dma_start3A_173 = arith.constant 0 : i32
      %dma_start3A_174 = arith.constant 0 : i32
      %dma_start3A_175 = tpu.memref_slice %arg4[%add3A, %dma_start3A_173, %dma_start3A_174] : memref<32x80x125xi32, #tpu.memory_space<hbm>> -> memref<1x80x125xi32, #tpu.memory_space<hbm>>
      %dma_start3A_176 = tpu.memref_squeeze %dma_start3A_175 : memref<1x80x125xi32, #tpu.memory_space<hbm>> -> memref<80x125xi32, #tpu.memory_space<hbm>>
      %dma_start3A_177 = arith.constant 0 : i32
      %dma_start3A_178 = arith.constant 0 : i32
      %dma_start3A_179 = tpu.memref_slice %arg4[%add3A, %dma_start3A_177, %dma_start3A_178] : memref<32x80x125xi32, #tpu.memory_space<hbm>> -> memref<1x80x125xi32, #tpu.memory_space<hbm>>
      %dma_start3A_180 = tpu.memref_squeeze %dma_start3A_179 : memref<1x80x125xi32, #tpu.memory_space<hbm>> -> memref<80x125xi32, #tpu.memory_space<hbm>>
      tpu.enqueue_dma source(%dma_start3A_180 : memref<80x125xi32, #tpu.memory_space<hbm>>) target(%arg8 : memref<80x125xi32, #tpu.memory_space<vmem>>) target_semaphore(%run_scoped3A_172 : memref<!tpu.dma_semaphore, #tpu.memory_space<semaphore_mem>>)
      %dma_wait3A_181 = arith.constant 0 : i32
      %dma_wait3A_182 = arith.constant 0 : i32
      %dma_wait3A_183 = tpu.memref_slice %arg4[%add3A, %dma_wait3A_181, %dma_wait3A_182] : memref<32x80x125xi32, #tpu.memory_space<hbm>> -> memref<1x80x125xi32, #tpu.memory_space<hbm>>
      %dma_wait3A_184 = tpu.memref_squeeze %dma_wait3A_183 : memref<1x80x125xi32, #tpu.memory_space<hbm>> -> memref<80x125xi32, #tpu.memory_space<hbm>>
      %dma_wait3A_185 = arith.constant 0 : i32
      %dma_wait3A_186 = arith.constant 0 : i32
      %dma_wait3A_187 = tpu.memref_slice %arg4[%add3A, %dma_wait3A_185, %dma_wait3A_186] : memref<32x80x125xi32, #tpu.memory_space<hbm>> -> memref<1x80x125xi32, #tpu.memory_space<hbm>>
      %dma_wait3A_188 = tpu.memref_squeeze %dma_wait3A_187 : memref<1x80x125xi32, #tpu.memory_space<hbm>> -> memref<80x125xi32, #tpu.memory_space<hbm>>
      tpu.wait_dma2 semaphore(%run_scoped3A_172 : memref<!tpu.dma_semaphore, #tpu.memory_space<semaphore_mem>>) src(%dma_wait3A_188 : memref<80x125xi32, #tpu.memory_space<hbm>>) dst(%arg8 : memref<80x125xi32, #tpu.memory_space<vmem>>)
      tpu.yield
    }) : () -> ()
    "tpu.trace_stop"() : () -> ()
    "tpu.trace_start"() <{level = 10 : i32, message = "sc_stage"}> : () -> ()
    %mul3A_1 = arith.constant 632 : i32
    %mul3A_2 = arith.muli %arg1, %mul3A_1 : i32
    "tpu.region"() ({
      %run_scoped3A_172 = tpu.sem_alloc : memref<!tpu.dma_semaphore, #tpu.memory_space<semaphore_mem>>
      %dma_start3A_173 = arith.constant 0 : i32
      %dma_start3A_174 = tpu.memref_slice %arg13[%mul3A_2, %dma_start3A_173] : memref<10112x64xf32, #tpu.memory_space<vmem_shared>> -> memref<632x64xf32, #tpu.memory_space<vmem_shared>>
      tpu.enqueue_dma source(%arg5 : memref<632x64xf32, #tpu.memory_space<hbm>>) target(%dma_start3A_174 : memref<632x64xf32, #tpu.memory_space<vmem_shared>>) target_semaphore(%run_scoped3A_172 : memref<!tpu.dma_semaphore, #tpu.memory_space<semaphore_mem>>)
      %dma_wait3A_175 = arith.constant 0 : i32
      %dma_wait3A_176 = tpu.memref_slice %arg13[%mul3A_2, %dma_wait3A_175] : memref<10112x64xf32, #tpu.memory_space<vmem_shared>> -> memref<632x64xf32, #tpu.memory_space<vmem_shared>>
      tpu.wait_dma2 semaphore(%run_scoped3A_172 : memref<!tpu.dma_semaphore, #tpu.memory_space<semaphore_mem>>) src(%arg5 : memref<632x64xf32, #tpu.memory_space<hbm>>) dst(%dma_wait3A_176 : memref<632x64xf32, #tpu.memory_space<vmem_shared>>)
      tpu.yield
    }) : () -> ()
    %barrier3A = arith.constant 0 : index
    tpu.barrier barrier_id(%barrier3A)
    %dma_start3A = arith.constant 0 : i32
    %dma_start3A_3 = arith.constant 0 : i32
    "tpu.trace_stop"() : () -> ()
    "tpu.trace_start"() <{level = 10 : i32, message = "sc_mainloop"}> : () -> ()
    %dma_start3A_4 = arith.constant 0 : i32
    %dma_start3A_5 = tpu.memref_slice %arg7[%dma_start3A_3, %dma_start3A_4] : memref<80x125xi32, #tpu.memory_space<vmem>> -> memref<1x125xi32, #tpu.memory_space<vmem>>
    %dma_start3A_6 = tpu.memref_squeeze %dma_start3A_5 : memref<1x125xi32, #tpu.memory_space<vmem>> -> memref<125xi32, #tpu.memory_space<vmem>>
    %dma_start3A_7 = arith.constant 0 : i32
    %dma_start3A_8 = arith.constant 0 : i32
    %dma_start3A_9 = tpu.memref_slice %arg2[%dma_start3A, %dma_start3A_7, %dma_start3A_8] : memref<2x10000x64xf32, #tpu.memory_space<hbm>> -> memref<1x10000x64xf32, #tpu.memory_space<hbm>>
    %dma_start3A_10 = tpu.memref_squeeze %dma_start3A_9 : memref<1x10000x64xf32, #tpu.memory_space<hbm>> -> memref<10000x64xf32, #tpu.memory_space<hbm>>
    %dma_start3A_11 = arith.constant 0 : i32
    %dma_start3A_12 = arith.constant 0 : i32
    %dma_start3A_13 = tpu.memref_slice %dma_start3A_10[%dma_start3A_11, %dma_start3A_12] : memref<10000x64xf32, #tpu.memory_space<hbm>> -> memref<10000x64xf32, #tpu.memory_space<hbm>>
    tpu.enqueue_indirect_dma source(%dma_start3A_13 : memref<10000x64xf32, #tpu.memory_space<hbm>>) target(%arg9 : memref<125x64xf32, #tpu.memory_space<vmem>>) offsets(%dma_start3A_6 : memref<125xi32, #tpu.memory_space<vmem>>) semaphore(%arg14 : memref<!tpu.dma_semaphore, #tpu.memory_space<semaphore_mem>>)
    %dma_start3A_14 = arith.constant 0 : i32
    %dma_start3A_15 = arith.constant 1 : i32
    %dma_start3A_16 = arith.constant 0 : i32
    %dma_start3A_17 = tpu.memref_slice %arg7[%dma_start3A_15, %dma_start3A_16] : memref<80x125xi32, #tpu.memory_space<vmem>> -> memref<1x125xi32, #tpu.memory_space<vmem>>
    %dma_start3A_18 = tpu.memref_squeeze %dma_start3A_17 : memref<1x125xi32, #tpu.memory_space<vmem>> -> memref<125xi32, #tpu.memory_space<vmem>>
    %dma_start3A_19 = arith.constant 0 : i32
    %dma_start3A_20 = arith.constant 0 : i32
    %dma_start3A_21 = tpu.memref_slice %arg2[%dma_start3A_14, %dma_start3A_19, %dma_start3A_20] : memref<2x10000x64xf32, #tpu.memory_space<hbm>> -> memref<1x10000x64xf32, #tpu.memory_space<hbm>>
    %dma_start3A_22 = tpu.memref_squeeze %dma_start3A_21 : memref<1x10000x64xf32, #tpu.memory_space<hbm>> -> memref<10000x64xf32, #tpu.memory_space<hbm>>
    %dma_start3A_23 = arith.constant 0 : i32
    %dma_start3A_24 = arith.constant 0 : i32
    %dma_start3A_25 = tpu.memref_slice %dma_start3A_22[%dma_start3A_23, %dma_start3A_24] : memref<10000x64xf32, #tpu.memory_space<hbm>> -> memref<10000x64xf32, #tpu.memory_space<hbm>>
    tpu.enqueue_indirect_dma source(%dma_start3A_25 : memref<10000x64xf32, #tpu.memory_space<hbm>>) target(%arg10 : memref<125x64xf32, #tpu.memory_space<vmem>>) offsets(%dma_start3A_18 : memref<125xi32, #tpu.memory_space<vmem>>) semaphore(%arg15 : memref<!tpu.dma_semaphore, #tpu.memory_space<semaphore_mem>>)
    %dma_start3A_26 = arith.constant 0 : i32
    %dma_start3A_27 = arith.constant 2 : i32
    %dma_start3A_28 = arith.constant 0 : i32
    %dma_start3A_29 = tpu.memref_slice %arg7[%dma_start3A_27, %dma_start3A_28] : memref<80x125xi32, #tpu.memory_space<vmem>> -> memref<1x125xi32, #tpu.memory_space<vmem>>
    %dma_start3A_30 = tpu.memref_squeeze %dma_start3A_29 : memref<1x125xi32, #tpu.memory_space<vmem>> -> memref<125xi32, #tpu.memory_space<vmem>>
    %dma_start3A_31 = arith.constant 0 : i32
    %dma_start3A_32 = arith.constant 0 : i32
    %dma_start3A_33 = tpu.memref_slice %arg2[%dma_start3A_26, %dma_start3A_31, %dma_start3A_32] : memref<2x10000x64xf32, #tpu.memory_space<hbm>> -> memref<1x10000x64xf32, #tpu.memory_space<hbm>>
    %dma_start3A_34 = tpu.memref_squeeze %dma_start3A_33 : memref<1x10000x64xf32, #tpu.memory_space<hbm>> -> memref<10000x64xf32, #tpu.memory_space<hbm>>
    %dma_start3A_35 = arith.constant 0 : i32
    %dma_start3A_36 = arith.constant 0 : i32
    %dma_start3A_37 = tpu.memref_slice %dma_start3A_34[%dma_start3A_35, %dma_start3A_36] : memref<10000x64xf32, #tpu.memory_space<hbm>> -> memref<10000x64xf32, #tpu.memory_space<hbm>>
    tpu.enqueue_indirect_dma source(%dma_start3A_37 : memref<10000x64xf32, #tpu.memory_space<hbm>>) target(%arg11 : memref<125x64xf32, #tpu.memory_space<vmem>>) offsets(%dma_start3A_30 : memref<125xi32, #tpu.memory_space<vmem>>) semaphore(%arg16 : memref<!tpu.dma_semaphore, #tpu.memory_space<semaphore_mem>>)
    %scan3A = arith.constant 0 : i32
    %scan3A_38 = arith.constant 0 : i32
    %scan3A_39 = arith.constant 0 : i32
    %scan3A_40 = arith.constant 20 : i32
    %scan3A_41 = arith.addi %scan3A_39, %scan3A_40 : i32
    %scan3A_42 = arith.constant 1 : i32
    scf.for %scan3A_172 = %scan3A_39 to %scan3A_41 step %scan3A_42  : i32 {
      %mul3A_173 = arith.constant 4 : i32
      %mul3A_174 = arith.muli %mul3A_173, %scan3A_172 : i32
      %add3A_175 = arith.constant 0 : i32
      %add3A_176 = arith.addi %mul3A_174, %add3A_175 : i32
      %dma_wait3A_177 = arith.constant 0 : i32
      %dma_wait3A_178 = arith.constant 0 : i32
      %dma_wait3A_179 = tpu.memref_slice %arg7[%dma_wait3A_177, %dma_wait3A_178] : memref<80x125xi32, #tpu.memory_space<vmem>> -> memref<1x125xi32, #tpu.memory_space<vmem>>
      %dma_wait3A_180 = tpu.memref_squeeze %dma_wait3A_179 : memref<1x125xi32, #tpu.memory_space<vmem>> -> memref<125xi32, #tpu.memory_space<vmem>>
      %dma_wait3A_181 = arith.constant 0 : i32
      %dma_wait3A_182 = arith.constant 0 : i32
      %dma_wait3A_183 = tpu.memref_slice %arg2[%scan3A_38, %dma_wait3A_181, %dma_wait3A_182] : memref<2x10000x64xf32, #tpu.memory_space<hbm>> -> memref<1x10000x64xf32, #tpu.memory_space<hbm>>
      %dma_wait3A_184 = tpu.memref_squeeze %dma_wait3A_183 : memref<1x10000x64xf32, #tpu.memory_space<hbm>> -> memref<10000x64xf32, #tpu.memory_space<hbm>>
      %dma_wait3A_185 = arith.constant 0 : i32
      %dma_wait3A_186 = arith.constant 0 : i32
      %dma_wait3A_187 = tpu.memref_slice %dma_wait3A_184[%dma_wait3A_185, %dma_wait3A_186] : memref<10000x64xf32, #tpu.memory_space<hbm>> -> memref<10000x64xf32, #tpu.memory_space<hbm>>
      tpu.wait_indirect_dma semaphore(%arg14 : memref<!tpu.dma_semaphore, #tpu.memory_space<semaphore_mem>>) src(%dma_wait3A_187 : memref<10000x64xf32, #tpu.memory_space<hbm>>) dst(%arg9 : memref<125x64xf32, #tpu.memory_space<vmem>>)
      %add3A_188 = arith.constant 3 : i32
      %add3A_189 = arith.addi %add3A_176, %add3A_188 : i32
      %min3A = arith.constant 79 : i32
      %min3A_190 = arith.minsi %add3A_189, %min3A : i32
      %dma_start3A_191 = arith.constant 0 : i32
      %dma_start3A_192 = tpu.memref_slice %arg7[%min3A_190, %dma_start3A_191] : memref<80x125xi32, #tpu.memory_space<vmem>> -> memref<1x125xi32, #tpu.memory_space<vmem>>
      %dma_start3A_193 = tpu.memref_squeeze %dma_start3A_192 : memref<1x125xi32, #tpu.memory_space<vmem>> -> memref<125xi32, #tpu.memory_space<vmem>>
      %dma_start3A_194 = arith.constant 0 : i32
      %dma_start3A_195 = arith.constant 0 : i32
      %dma_start3A_196 = tpu.memref_slice %arg2[%scan3A_38, %dma_start3A_194, %dma_start3A_195] : memref<2x10000x64xf32, #tpu.memory_space<hbm>> -> memref<1x10000x64xf32, #tpu.memory_space<hbm>>
      %dma_start3A_197 = tpu.memref_squeeze %dma_start3A_196 : memref<1x10000x64xf32, #tpu.memory_space<hbm>> -> memref<10000x64xf32, #tpu.memory_space<hbm>>
      %dma_start3A_198 = arith.constant 0 : i32
      %dma_start3A_199 = arith.constant 0 : i32
      %dma_start3A_200 = tpu.memref_slice %dma_start3A_197[%dma_start3A_198, %dma_start3A_199] : memref<10000x64xf32, #tpu.memory_space<hbm>> -> memref<10000x64xf32, #tpu.memory_space<hbm>>
      tpu.enqueue_indirect_dma source(%dma_start3A_200 : memref<10000x64xf32, #tpu.memory_space<hbm>>) target(%arg12 : memref<125x64xf32, #tpu.memory_space<vmem>>) offsets(%dma_start3A_193 : memref<125xi32, #tpu.memory_space<vmem>>) semaphore(%arg17 : memref<!tpu.dma_semaphore, #tpu.memory_space<semaphore_mem>>)
      "tpu.region"() ({
        %run_scoped3A_288 = tpu.sem_alloc : memref<!tpu.dma_semaphore, #tpu.memory_space<semaphore_mem>>
        %dma_start3A_289 = arith.constant 0 : i32
        %dma_start3A_290 = tpu.memref_slice %arg8[%add3A_176, %dma_start3A_289] : memref<80x125xi32, #tpu.memory_space<vmem>> -> memref<1x125xi32, #tpu.memory_space<vmem>>
        %dma_start3A_291 = tpu.memref_squeeze %dma_start3A_290 : memref<1x125xi32, #tpu.memory_space<vmem>> -> memref<125xi32, #tpu.memory_space<vmem>>
        %dma_start3A_292 = arith.constant 0 : i32
        %dma_start3A_293 = arith.constant 0 : i32
        %dma_start3A_294 = tpu.memref_slice %arg13[%dma_start3A_292, %dma_start3A_293] : memref<10112x64xf32, #tpu.memory_space<vmem_shared>> -> memref<10112x64xf32, #tpu.memory_space<vmem_shared>>
        tpu.enqueue_indirect_dma source(%arg9 : memref<125x64xf32, #tpu.memory_space<vmem>>) target(%dma_start3A_294 : memref<10112x64xf32, #tpu.memory_space<vmem_shared>>) offsets(%dma_start3A_291 : memref<125xi32, #tpu.memory_space<vmem>>) semaphore(%run_scoped3A_288 : memref<!tpu.dma_semaphore, #tpu.memory_space<semaphore_mem>>) {add = true}
        %dma_wait3A_295 = arith.constant 0 : i32
        %dma_wait3A_296 = tpu.memref_slice %arg8[%add3A_176, %dma_wait3A_295] : memref<80x125xi32, #tpu.memory_space<vmem>> -> memref<1x125xi32, #tpu.memory_space<vmem>>
        %dma_wait3A_297 = tpu.memref_squeeze %dma_wait3A_296 : memref<1x125xi32, #tpu.memory_space<vmem>> -> memref<125xi32, #tpu.memory_space<vmem>>
        %dma_wait3A_298 = arith.constant 0 : i32
        %dma_wait3A_299 = arith.constant 0 : i32
        %dma_wait3A_300 = tpu.memref_slice %arg13[%dma_wait3A_298, %dma_wait3A_299] : memref<10112x64xf32, #tpu.memory_space<vmem_shared>> -> memref<10112x64xf32, #tpu.memory_space<vmem_shared>>
        tpu.wait_indirect_dma semaphore(%run_scoped3A_288 : memref<!tpu.dma_semaphore, #tpu.memory_space<semaphore_mem>>) src(%arg9 : memref<125x64xf32, #tpu.memory_space<vmem>>) dst(%dma_wait3A_300 : memref<10112x64xf32, #tpu.memory_space<vmem_shared>>)
        tpu.yield
      }) : () -> ()
      %mul3A_201 = arith.constant 4 : i32
      %mul3A_202 = arith.muli %mul3A_201, %scan3A_172 : i32
      %add3A_203 = arith.constant 1 : i32
      %add3A_204 = arith.addi %mul3A_202, %add3A_203 : i32
      %dma_wait3A_205 = arith.constant 0 : i32
      %dma_wait3A_206 = arith.constant 0 : i32
      %dma_wait3A_207 = tpu.memref_slice %arg7[%dma_wait3A_205, %dma_wait3A_206] : memref<80x125xi32, #tpu.memory_space<vmem>> -> memref<1x125xi32, #tpu.memory_space<vmem>>
      %dma_wait3A_208 = tpu.memref_squeeze %dma_wait3A_207 : memref<1x125xi32, #tpu.memory_space<vmem>> -> memref<125xi32, #tpu.memory_space<vmem>>
      %dma_wait3A_209 = arith.constant 0 : i32
      %dma_wait3A_210 = arith.constant 0 : i32
      %dma_wait3A_211 = tpu.memref_slice %arg2[%scan3A_38, %dma_wait3A_209, %dma_wait3A_210] : memref<2x10000x64xf32, #tpu.memory_space<hbm>> -> memref<1x10000x64xf32, #tpu.memory_space<hbm>>
      %dma_wait3A_212 = tpu.memref_squeeze %dma_wait3A_211 : memref<1x10000x64xf32, #tpu.memory_space<hbm>> -> memref<10000x64xf32, #tpu.memory_space<hbm>>
      %dma_wait3A_213 = arith.constant 0 : i32
      %dma_wait3A_214 = arith.constant 0 : i32
      %dma_wait3A_215 = tpu.memref_slice %dma_wait3A_212[%dma_wait3A_213, %dma_wait3A_214] : memref<10000x64xf32, #tpu.memory_space<hbm>> -> memref<10000x64xf32, #tpu.memory_space<hbm>>
      tpu.wait_indirect_dma semaphore(%arg15 : memref<!tpu.dma_semaphore, #tpu.memory_space<semaphore_mem>>) src(%dma_wait3A_215 : memref<10000x64xf32, #tpu.memory_space<hbm>>) dst(%arg10 : memref<125x64xf32, #tpu.memory_space<vmem>>)
      %add3A_216 = arith.constant 3 : i32
      %add3A_217 = arith.addi %add3A_204, %add3A_216 : i32
      %min3A_218 = arith.constant 79 : i32
      %min3A_219 = arith.minsi %add3A_217, %min3A_218 : i32
      %dma_start3A_220 = arith.constant 0 : i32
      %dma_start3A_221 = tpu.memref_slice %arg7[%min3A_219, %dma_start3A_220] : memref<80x125xi32, #tpu.memory_space<vmem>> -> memref<1x125xi32, #tpu.memory_space<vmem>>
      %dma_start3A_222 = tpu.memref_squeeze %dma_start3A_221 : memref<1x125xi32, #tpu.memory_space<vmem>> -> memref<125xi32, #tpu.memory_space<vmem>>
      %dma_start3A_223 = arith.constant 0 : i32
      %dma_start3A_224 = arith.constant 0 : i32
      %dma_start3A_225 = tpu.memref_slice %arg2[%scan3A_38, %dma_start3A_223, %dma_start3A_224] : memref<2x10000x64xf32, #tpu.memory_space<hbm>> -> memref<1x10000x64xf32, #tpu.memory_space<hbm>>
      %dma_start3A_226 = tpu.memref_squeeze %dma_start3A_225 : memref<1x10000x64xf32, #tpu.memory_space<hbm>> -> memref<10000x64xf32, #tpu.memory_space<hbm>>
      %dma_start3A_227 = arith.constant 0 : i32
      %dma_start3A_228 = arith.constant 0 : i32
      %dma_start3A_229 = tpu.memref_slice %dma_start3A_226[%dma_start3A_227, %dma_start3A_228] : memref<10000x64xf32, #tpu.memory_space<hbm>> -> memref<10000x64xf32, #tpu.memory_space<hbm>>
      tpu.enqueue_indirect_dma source(%dma_start3A_229 : memref<10000x64xf32, #tpu.memory_space<hbm>>) target(%arg9 : memref<125x64xf32, #tpu.memory_space<vmem>>) offsets(%dma_start3A_222 : memref<125xi32, #tpu.memory_space<vmem>>) semaphore(%arg14 : memref<!tpu.dma_semaphore, #tpu.memory_space<semaphore_mem>>)
      "tpu.region"() ({
        %run_scoped3A_288 = tpu.sem_alloc : memref<!tpu.dma_semaphore, #tpu.memory_space<semaphore_mem>>
        %dma_start3A_289 = arith.constant 0 : i32
        %dma_start3A_290 = tpu.memref_slice %arg8[%add3A_204, %dma_start3A_289] : memref<80x125xi32, #tpu.memory_space<vmem>> -> memref<1x125xi32, #tpu.memory_space<vmem>>
        %dma_start3A_291 = tpu.memref_squeeze %dma_start3A_290 : memref<1x125xi32, #tpu.memory_space<vmem>> -> memref<125xi32, #tpu.memory_space<vmem>>
        %dma_start3A_292 = arith.constant 0 : i32
        %dma_start3A_293 = arith.constant 0 : i32
        %dma_start3A_294 = tpu.memref_slice %arg13[%dma_start3A_292, %dma_start3A_293] : memref<10112x64xf32, #tpu.memory_space<vmem_shared>> -> memref<10112x64xf32, #tpu.memory_space<vmem_shared>>
        tpu.enqueue_indirect_dma source(%arg10 : memref<125x64xf32, #tpu.memory_space<vmem>>) target(%dma_start3A_294 : memref<10112x64xf32, #tpu.memory_space<vmem_shared>>) offsets(%dma_start3A_291 : memref<125xi32, #tpu.memory_space<vmem>>) semaphore(%run_scoped3A_288 : memref<!tpu.dma_semaphore, #tpu.memory_space<semaphore_mem>>) {add = true}
        %dma_wait3A_295 = arith.constant 0 : i32
        %dma_wait3A_296 = tpu.memref_slice %arg8[%add3A_204, %dma_wait3A_295] : memref<80x125xi32, #tpu.memory_space<vmem>> -> memref<1x125xi32, #tpu.memory_space<vmem>>
        %dma_wait3A_297 = tpu.memref_squeeze %dma_wait3A_296 : memref<1x125xi32, #tpu.memory_space<vmem>> -> memref<125xi32, #tpu.memory_space<vmem>>
        %dma_wait3A_298 = arith.constant 0 : i32
        %dma_wait3A_299 = arith.constant 0 : i32
        %dma_wait3A_300 = tpu.memref_slice %arg13[%dma_wait3A_298, %dma_wait3A_299] : memref<10112x64xf32, #tpu.memory_space<vmem_shared>> -> memref<10112x64xf32, #tpu.memory_space<vmem_shared>>
        tpu.wait_indirect_dma semaphore(%run_scoped3A_288 : memref<!tpu.dma_semaphore, #tpu.memory_space<semaphore_mem>>) src(%arg10 : memref<125x64xf32, #tpu.memory_space<vmem>>) dst(%dma_wait3A_300 : memref<10112x64xf32, #tpu.memory_space<vmem_shared>>)
        tpu.yield
      }) : () -> ()
      %mul3A_230 = arith.constant 4 : i32
      %mul3A_231 = arith.muli %mul3A_230, %scan3A_172 : i32
      %add3A_232 = arith.constant 2 : i32
      %add3A_233 = arith.addi %mul3A_231, %add3A_232 : i32
      %dma_wait3A_234 = arith.constant 0 : i32
      %dma_wait3A_235 = arith.constant 0 : i32
      %dma_wait3A_236 = tpu.memref_slice %arg7[%dma_wait3A_234, %dma_wait3A_235] : memref<80x125xi32, #tpu.memory_space<vmem>> -> memref<1x125xi32, #tpu.memory_space<vmem>>
      %dma_wait3A_237 = tpu.memref_squeeze %dma_wait3A_236 : memref<1x125xi32, #tpu.memory_space<vmem>> -> memref<125xi32, #tpu.memory_space<vmem>>
      %dma_wait3A_238 = arith.constant 0 : i32
      %dma_wait3A_239 = arith.constant 0 : i32
      %dma_wait3A_240 = tpu.memref_slice %arg2[%scan3A_38, %dma_wait3A_238, %dma_wait3A_239] : memref<2x10000x64xf32, #tpu.memory_space<hbm>> -> memref<1x10000x64xf32, #tpu.memory_space<hbm>>
      %dma_wait3A_241 = tpu.memref_squeeze %dma_wait3A_240 : memref<1x10000x64xf32, #tpu.memory_space<hbm>> -> memref<10000x64xf32, #tpu.memory_space<hbm>>
      %dma_wait3A_242 = arith.constant 0 : i32
      %dma_wait3A_243 = arith.constant 0 : i32
      %dma_wait3A_244 = tpu.memref_slice %dma_wait3A_241[%dma_wait3A_242, %dma_wait3A_243] : memref<10000x64xf32, #tpu.memory_space<hbm>> -> memref<10000x64xf32, #tpu.memory_space<hbm>>
      tpu.wait_indirect_dma semaphore(%arg16 : memref<!tpu.dma_semaphore, #tpu.memory_space<semaphore_mem>>) src(%dma_wait3A_244 : memref<10000x64xf32, #tpu.memory_space<hbm>>) dst(%arg11 : memref<125x64xf32, #tpu.memory_space<vmem>>)
      %add3A_245 = arith.constant 3 : i32
      %add3A_246 = arith.addi %add3A_233, %add3A_245 : i32
      %min3A_247 = arith.constant 79 : i32
      %min3A_248 = arith.minsi %add3A_246, %min3A_247 : i32
      %dma_start3A_249 = arith.constant 0 : i32
      %dma_start3A_250 = tpu.memref_slice %arg7[%min3A_248, %dma_start3A_249] : memref<80x125xi32, #tpu.memory_space<vmem>> -> memref<1x125xi32, #tpu.memory_space<vmem>>
      %dma_start3A_251 = tpu.memref_squeeze %dma_start3A_250 : memref<1x125xi32, #tpu.memory_space<vmem>> -> memref<125xi32, #tpu.memory_space<vmem>>
      %dma_start3A_252 = arith.constant 0 : i32
      %dma_start3A_253 = arith.constant 0 : i32
      %dma_start3A_254 = tpu.memref_slice %arg2[%scan3A_38, %dma_start3A_252, %dma_start3A_253] : memref<2x10000x64xf32, #tpu.memory_space<hbm>> -> memref<1x10000x64xf32, #tpu.memory_space<hbm>>
      %dma_start3A_255 = tpu.memref_squeeze %dma_start3A_254 : memref<1x10000x64xf32, #tpu.memory_space<hbm>> -> memref<10000x64xf32, #tpu.memory_space<hbm>>
      %dma_start3A_256 = arith.constant 0 : i32
      %dma_start3A_257 = arith.constant 0 : i32
      %dma_start3A_258 = tpu.memref_slice %dma_start3A_255[%dma_start3A_256, %dma_start3A_257] : memref<10000x64xf32, #tpu.memory_space<hbm>> -> memref<10000x64xf32, #tpu.memory_space<hbm>>
      tpu.enqueue_indirect_dma source(%dma_start3A_258 : memref<10000x64xf32, #tpu.memory_space<hbm>>) target(%arg10 : memref<125x64xf32, #tpu.memory_space<vmem>>) offsets(%dma_start3A_251 : memref<125xi32, #tpu.memory_space<vmem>>) semaphore(%arg15 : memref<!tpu.dma_semaphore, #tpu.memory_space<semaphore_mem>>)
      "tpu.region"() ({
        %run_scoped3A_288 = tpu.sem_alloc : memref<!tpu.dma_semaphore, #tpu.memory_space<semaphore_mem>>
        %dma_start3A_289 = arith.constant 0 : i32
        %dma_start3A_290 = tpu.memref_slice %arg8[%add3A_233, %dma_start3A_289] : memref<80x125xi32, #tpu.memory_space<vmem>> -> memref<1x125xi32, #tpu.memory_space<vmem>>
        %dma_start3A_291 = tpu.memref_squeeze %dma_start3A_290 : memref<1x125xi32, #tpu.memory_space<vmem>> -> memref<125xi32, #tpu.memory_space<vmem>>
        %dma_start3A_292 = arith.constant 0 : i32
        %dma_start3A_293 = arith.constant 0 : i32
        %dma_start3A_294 = tpu.memref_slice %arg13[%dma_start3A_292, %dma_start3A_293] : memref<10112x64xf32, #tpu.memory_space<vmem_shared>> -> memref<10112x64xf32, #tpu.memory_space<vmem_shared>>
        tpu.enqueue_indirect_dma source(%arg11 : memref<125x64xf32, #tpu.memory_space<vmem>>) target(%dma_start3A_294 : memref<10112x64xf32, #tpu.memory_space<vmem_shared>>) offsets(%dma_start3A_291 : memref<125xi32, #tpu.memory_space<vmem>>) semaphore(%run_scoped3A_288 : memref<!tpu.dma_semaphore, #tpu.memory_space<semaphore_mem>>) {add = true}
        %dma_wait3A_295 = arith.constant 0 : i32
        %dma_wait3A_296 = tpu.memref_slice %arg8[%add3A_233, %dma_wait3A_295] : memref<80x125xi32, #tpu.memory_space<vmem>> -> memref<1x125xi32, #tpu.memory_space<vmem>>
        %dma_wait3A_297 = tpu.memref_squeeze %dma_wait3A_296 : memref<1x125xi32, #tpu.memory_space<vmem>> -> memref<125xi32, #tpu.memory_space<vmem>>
        %dma_wait3A_298 = arith.constant 0 : i32
        %dma_wait3A_299 = arith.constant 0 : i32
        %dma_wait3A_300 = tpu.memref_slice %arg13[%dma_wait3A_298, %dma_wait3A_299] : memref<10112x64xf32, #tpu.memory_space<vmem_shared>> -> memref<10112x64xf32, #tpu.memory_space<vmem_shared>>
        tpu.wait_indirect_dma semaphore(%run_scoped3A_288 : memref<!tpu.dma_semaphore, #tpu.memory_space<semaphore_mem>>) src(%arg11 : memref<125x64xf32, #tpu.memory_space<vmem>>) dst(%dma_wait3A_300 : memref<10112x64xf32, #tpu.memory_space<vmem_shared>>)
        tpu.yield
      }) : () -> ()
      %mul3A_259 = arith.constant 4 : i32
      %mul3A_260 = arith.muli %mul3A_259, %scan3A_172 : i32
      %add3A_261 = arith.constant 3 : i32
      %add3A_262 = arith.addi %mul3A_260, %add3A_261 : i32
      %dma_wait3A_263 = arith.constant 0 : i32
      %dma_wait3A_264 = arith.constant 0 : i32
      %dma_wait3A_265 = tpu.memref_slice %arg7[%dma_wait3A_263, %dma_wait3A_264] : memref<80x125xi32, #tpu.memory_space<vmem>> -> memref<1x125xi32, #tpu.memory_space<vmem>>
      %dma_wait3A_266 = tpu.memref_squeeze %dma_wait3A_265 : memref<1x125xi32, #tpu.memory_space<vmem>> -> memref<125xi32, #tpu.memory_space<vmem>>
      %dma_wait3A_267 = arith.constant 0 : i32
      %dma_wait3A_268 = arith.constant 0 : i32
      %dma_wait3A_269 = tpu.memref_slice %arg2[%scan3A_38, %dma_wait3A_267, %dma_wait3A_268] : memref<2x10000x64xf32, #tpu.memory_space<hbm>> -> memref<1x10000x64xf32, #tpu.memory_space<hbm>>
      %dma_wait3A_270 = tpu.memref_squeeze %dma_wait3A_269 : memref<1x10000x64xf32, #tpu.memory_space<hbm>> -> memref<10000x64xf32, #tpu.memory_space<hbm>>
      %dma_wait3A_271 = arith.constant 0 : i32
      %dma_wait3A_272 = arith.constant 0 : i32
      %dma_wait3A_273 = tpu.memref_slice %dma_wait3A_270[%dma_wait3A_271, %dma_wait3A_272] : memref<10000x64xf32, #tpu.memory_space<hbm>> -> memref<10000x64xf32, #tpu.memory_space<hbm>>
      tpu.wait_indirect_dma semaphore(%arg17 : memref<!tpu.dma_semaphore, #tpu.memory_space<semaphore_mem>>) src(%dma_wait3A_273 : memref<10000x64xf32, #tpu.memory_space<hbm>>) dst(%arg12 : memref<125x64xf32, #tpu.memory_space<vmem>>)
      %add3A_274 = arith.constant 3 : i32
      %add3A_275 = arith.addi %add3A_262, %add3A_274 : i32
      %min3A_276 = arith.constant 79 : i32
      %min3A_277 = arith.minsi %add3A_275, %min3A_276 : i32
      %dma_start3A_278 = arith.constant 0 : i32
      %dma_start3A_279 = tpu.memref_slice %arg7[%min3A_277, %dma_start3A_278] : memref<80x125xi32, #tpu.memory_space<vmem>> -> memref<1x125xi32, #tpu.memory_space<vmem>>
      %dma_start3A_280 = tpu.memref_squeeze %dma_start3A_279 : memref<1x125xi32, #tpu.memory_space<vmem>> -> memref<125xi32, #tpu.memory_space<vmem>>
      %dma_start3A_281 = arith.constant 0 : i32
      %dma_start3A_282 = arith.constant 0 : i32
      %dma_start3A_283 = tpu.memref_slice %arg2[%scan3A_38, %dma_start3A_281, %dma_start3A_282] : memref<2x10000x64xf32, #tpu.memory_space<hbm>> -> memref<1x10000x64xf32, #tpu.memory_space<hbm>>
      %dma_start3A_284 = tpu.memref_squeeze %dma_start3A_283 : memref<1x10000x64xf32, #tpu.memory_space<hbm>> -> memref<10000x64xf32, #tpu.memory_space<hbm>>
      %dma_start3A_285 = arith.constant 0 : i32
      %dma_start3A_286 = arith.constant 0 : i32
      %dma_start3A_287 = tpu.memref_slice %dma_start3A_284[%dma_start3A_285, %dma_start3A_286] : memref<10000x64xf32, #tpu.memory_space<hbm>> -> memref<10000x64xf32, #tpu.memory_space<hbm>>
      tpu.enqueue_indirect_dma source(%dma_start3A_287 : memref<10000x64xf32, #tpu.memory_space<hbm>>) target(%arg11 : memref<125x64xf32, #tpu.memory_space<vmem>>) offsets(%dma_start3A_280 : memref<125xi32, #tpu.memory_space<vmem>>) semaphore(%arg16 : memref<!tpu.dma_semaphore, #tpu.memory_space<semaphore_mem>>)
      "tpu.region"() ({
        %run_scoped3A_288 = tpu.sem_alloc : memref<!tpu.dma_semaphore, #tpu.memory_space<semaphore_mem>>
        %dma_start3A_289 = arith.constant 0 : i32
        %dma_start3A_290 = tpu.memref_slice %arg8[%add3A_262, %dma_start3A_289] : memref<80x125xi32, #tpu.memory_space<vmem>> -> memref<1x125xi32, #tpu.memory_space<vmem>>
        %dma_start3A_291 = tpu.memref_squeeze %dma_start3A_290 : memref<1x125xi32, #tpu.memory_space<vmem>> -> memref<125xi32, #tpu.memory_space<vmem>>
        %dma_start3A_292 = arith.constant 0 : i32
        %dma_start3A_293 = arith.constant 0 : i32
        %dma_start3A_294 = tpu.memref_slice %arg13[%dma_start3A_292, %dma_start3A_293] : memref<10112x64xf32, #tpu.memory_space<vmem_shared>> -> memref<10112x64xf32, #tpu.memory_space<vmem_shared>>
        tpu.enqueue_indirect_dma source(%arg12 : memref<125x64xf32, #tpu.memory_space<vmem>>) target(%dma_start3A_294 : memref<10112x64xf32, #tpu.memory_space<vmem_shared>>) offsets(%dma_start3A_291 : memref<125xi32, #tpu.memory_space<vmem>>) semaphore(%run_scoped3A_288 : memref<!tpu.dma_semaphore, #tpu.memory_space<semaphore_mem>>) {add = true}
        %dma_wait3A_295 = arith.constant 0 : i32
        %dma_wait3A_296 = tpu.memref_slice %arg8[%add3A_262, %dma_wait3A_295] : memref<80x125xi32, #tpu.memory_space<vmem>> -> memref<1x125xi32, #tpu.memory_space<vmem>>
        %dma_wait3A_297 = tpu.memref_squeeze %dma_wait3A_296 : memref<1x125xi32, #tpu.memory_space<vmem>> -> memref<125xi32, #tpu.memory_space<vmem>>
        %dma_wait3A_298 = arith.constant 0 : i32
        %dma_wait3A_299 = arith.constant 0 : i32
        %dma_wait3A_300 = tpu.memref_slice %arg13[%dma_wait3A_298, %dma_wait3A_299] : memref<10112x64xf32, #tpu.memory_space<vmem_shared>> -> memref<10112x64xf32, #tpu.memory_space<vmem_shared>>
        tpu.wait_indirect_dma semaphore(%run_scoped3A_288 : memref<!tpu.dma_semaphore, #tpu.memory_space<semaphore_mem>>) src(%arg12 : memref<125x64xf32, #tpu.memory_space<vmem>>) dst(%dma_wait3A_300 : memref<10112x64xf32, #tpu.memory_space<vmem_shared>>)
        tpu.yield
      }) : () -> ()
    }
    %scan3A_43 = arith.constant 20 : i32
    %dma_wait3A = arith.constant 0 : i32
    %dma_wait3A_44 = arith.constant 0 : i32
    %dma_wait3A_45 = arith.constant 0 : i32
    %dma_wait3A_46 = tpu.memref_slice %arg7[%dma_wait3A_44, %dma_wait3A_45] : memref<80x125xi32, #tpu.memory_space<vmem>> -> memref<1x125xi32, #tpu.memory_space<vmem>>
    %dma_wait3A_47 = tpu.memref_squeeze %dma_wait3A_46 : memref<1x125xi32, #tpu.memory_space<vmem>> -> memref<125xi32, #tpu.memory_space<vmem>>
    %dma_wait3A_48 = arith.constant 0 : i32
    %dma_wait3A_49 = arith.constant 0 : i32
    %dma_wait3A_50 = tpu.memref_slice %arg2[%dma_wait3A, %dma_wait3A_48, %dma_wait3A_49] : memref<2x10000x64xf32, #tpu.memory_space<hbm>> -> memref<1x10000x64xf32, #tpu.memory_space<hbm>>
    %dma_wait3A_51 = tpu.memref_squeeze %dma_wait3A_50 : memref<1x10000x64xf32, #tpu.memory_space<hbm>> -> memref<10000x64xf32, #tpu.memory_space<hbm>>
    %dma_wait3A_52 = arith.constant 0 : i32
    %dma_wait3A_53 = arith.constant 0 : i32
    %dma_wait3A_54 = tpu.memref_slice %dma_wait3A_51[%dma_wait3A_52, %dma_wait3A_53] : memref<10000x64xf32, #tpu.memory_space<hbm>> -> memref<10000x64xf32, #tpu.memory_space<hbm>>
    tpu.wait_indirect_dma semaphore(%arg14 : memref<!tpu.dma_semaphore, #tpu.memory_space<semaphore_mem>>) src(%dma_wait3A_54 : memref<10000x64xf32, #tpu.memory_space<hbm>>) dst(%arg9 : memref<125x64xf32, #tpu.memory_space<vmem>>)
    %dma_wait3A_55 = arith.constant 0 : i32
    %dma_wait3A_56 = arith.constant 0 : i32
    %dma_wait3A_57 = arith.constant 0 : i32
    %dma_wait3A_58 = tpu.memref_slice %arg7[%dma_wait3A_56, %dma_wait3A_57] : memref<80x125xi32, #tpu.memory_space<vmem>> -> memref<1x125xi32, #tpu.memory_space<vmem>>
    %dma_wait3A_59 = tpu.memref_squeeze %dma_wait3A_58 : memref<1x125xi32, #tpu.memory_space<vmem>> -> memref<125xi32, #tpu.memory_space<vmem>>
    %dma_wait3A_60 = arith.constant 0 : i32
    %dma_wait3A_61 = arith.constant 0 : i32
    %dma_wait3A_62 = tpu.memref_slice %arg2[%dma_wait3A_55, %dma_wait3A_60, %dma_wait3A_61] : memref<2x10000x64xf32, #tpu.memory_space<hbm>> -> memref<1x10000x64xf32, #tpu.memory_space<hbm>>
    %dma_wait3A_63 = tpu.memref_squeeze %dma_wait3A_62 : memref<1x10000x64xf32, #tpu.memory_space<hbm>> -> memref<10000x64xf32, #tpu.memory_space<hbm>>
    %dma_wait3A_64 = arith.constant 0 : i32
    %dma_wait3A_65 = arith.constant 0 : i32
    %dma_wait3A_66 = tpu.memref_slice %dma_wait3A_63[%dma_wait3A_64, %dma_wait3A_65] : memref<10000x64xf32, #tpu.memory_space<hbm>> -> memref<10000x64xf32, #tpu.memory_space<hbm>>
    tpu.wait_indirect_dma semaphore(%arg15 : memref<!tpu.dma_semaphore, #tpu.memory_space<semaphore_mem>>) src(%dma_wait3A_66 : memref<10000x64xf32, #tpu.memory_space<hbm>>) dst(%arg10 : memref<125x64xf32, #tpu.memory_space<vmem>>)
    %dma_wait3A_67 = arith.constant 0 : i32
    %dma_wait3A_68 = arith.constant 0 : i32
    %dma_wait3A_69 = arith.constant 0 : i32
    %dma_wait3A_70 = tpu.memref_slice %arg7[%dma_wait3A_68, %dma_wait3A_69] : memref<80x125xi32, #tpu.memory_space<vmem>> -> memref<1x125xi32, #tpu.memory_space<vmem>>
    %dma_wait3A_71 = tpu.memref_squeeze %dma_wait3A_70 : memref<1x125xi32, #tpu.memory_space<vmem>> -> memref<125xi32, #tpu.memory_space<vmem>>
    %dma_wait3A_72 = arith.constant 0 : i32
    %dma_wait3A_73 = arith.constant 0 : i32
    %dma_wait3A_74 = tpu.memref_slice %arg2[%dma_wait3A_67, %dma_wait3A_72, %dma_wait3A_73] : memref<2x10000x64xf32, #tpu.memory_space<hbm>> -> memref<1x10000x64xf32, #tpu.memory_space<hbm>>
    %dma_wait3A_75 = tpu.memref_squeeze %dma_wait3A_74 : memref<1x10000x64xf32, #tpu.memory_space<hbm>> -> memref<10000x64xf32, #tpu.memory_space<hbm>>
    %dma_wait3A_76 = arith.constant 0 : i32
    %dma_wait3A_77 = arith.constant 0 : i32
    %dma_wait3A_78 = tpu.memref_slice %dma_wait3A_75[%dma_wait3A_76, %dma_wait3A_77] : memref<10000x64xf32, #tpu.memory_space<hbm>> -> memref<10000x64xf32, #tpu.memory_space<hbm>>
    tpu.wait_indirect_dma semaphore(%arg16 : memref<!tpu.dma_semaphore, #tpu.memory_space<semaphore_mem>>) src(%dma_wait3A_78 : memref<10000x64xf32, #tpu.memory_space<hbm>>) dst(%arg11 : memref<125x64xf32, #tpu.memory_space<vmem>>)
    %barrier3A_79 = arith.constant 0 : index
    tpu.barrier barrier_id(%barrier3A_79)
    "tpu.trace_stop"() : () -> ()
    "tpu.trace_start"() <{level = 10 : i32, message = "sc_out"}> : () -> ()
    %mul3A_80 = arith.constant 632 : i32
    %mul3A_81 = arith.muli %arg1, %mul3A_80 : i32
    %mul3A_82 = arith.constant 632 : i32
    %mul3A_83 = arith.muli %arg1, %mul3A_82 : i32
    %run_scoped3A = arith.constant 0 : i32
    "tpu.region"() ({
      %run_scoped3A_172 = tpu.sem_alloc : memref<!tpu.dma_semaphore, #tpu.memory_space<semaphore_mem>>
      %dma_start3A_173 = arith.constant 0 : i32
      %dma_start3A_174 = tpu.memref_slice %arg6[%run_scoped3A, %arg0, %mul3A_83, %dma_start3A_173] : memref<2x2x10112x64xf32, #tpu.memory_space<hbm>> -> memref<1x1x632x64xf32, #tpu.memory_space<hbm>>
      %dma_start3A_175 = tpu.memref_squeeze %dma_start3A_174 : memref<1x1x632x64xf32, #tpu.memory_space<hbm>> -> memref<632x64xf32, #tpu.memory_space<hbm>>
      %dma_start3A_176 = arith.constant 0 : i32
      %dma_start3A_177 = tpu.memref_slice %arg13[%mul3A_81, %dma_start3A_176] : memref<10112x64xf32, #tpu.memory_space<vmem_shared>> -> memref<632x64xf32, #tpu.memory_space<vmem_shared>>
      tpu.enqueue_dma source(%dma_start3A_177 : memref<632x64xf32, #tpu.memory_space<vmem_shared>>) target(%dma_start3A_175 : memref<632x64xf32, #tpu.memory_space<hbm>>) target_semaphore(%run_scoped3A_172 : memref<!tpu.dma_semaphore, #tpu.memory_space<semaphore_mem>>)
      %dma_wait3A_178 = arith.constant 0 : i32
      %dma_wait3A_179 = tpu.memref_slice %arg6[%run_scoped3A, %arg0, %mul3A_83, %dma_wait3A_178] : memref<2x2x10112x64xf32, #tpu.memory_space<hbm>> -> memref<1x1x632x64xf32, #tpu.memory_space<hbm>>
      %dma_wait3A_180 = tpu.memref_squeeze %dma_wait3A_179 : memref<1x1x632x64xf32, #tpu.memory_space<hbm>> -> memref<632x64xf32, #tpu.memory_space<hbm>>
      %dma_wait3A_181 = arith.constant 0 : i32
      %dma_wait3A_182 = tpu.memref_slice %arg13[%mul3A_81, %dma_wait3A_181] : memref<10112x64xf32, #tpu.memory_space<vmem_shared>> -> memref<632x64xf32, #tpu.memory_space<vmem_shared>>
      tpu.wait_dma2 semaphore(%run_scoped3A_172 : memref<!tpu.dma_semaphore, #tpu.memory_space<semaphore_mem>>) src(%dma_wait3A_182 : memref<632x64xf32, #tpu.memory_space<vmem_shared>>) dst(%dma_wait3A_180 : memref<632x64xf32, #tpu.memory_space<hbm>>)
      tpu.yield
    }) : () -> ()
    "tpu.trace_stop"() : () -> ()
    "tpu.trace_start"() <{level = 10 : i32, message = "sc_stage"}> : () -> ()
    %mul3A_84 = arith.constant 632 : i32
    %mul3A_85 = arith.muli %arg1, %mul3A_84 : i32
    "tpu.region"() ({
      %run_scoped3A_172 = tpu.sem_alloc : memref<!tpu.dma_semaphore, #tpu.memory_space<semaphore_mem>>
      %dma_start3A_173 = arith.constant 0 : i32
      %dma_start3A_174 = tpu.memref_slice %arg13[%mul3A_85, %dma_start3A_173] : memref<10112x64xf32, #tpu.memory_space<vmem_shared>> -> memref<632x64xf32, #tpu.memory_space<vmem_shared>>
      tpu.enqueue_dma source(%arg5 : memref<632x64xf32, #tpu.memory_space<hbm>>) target(%dma_start3A_174 : memref<632x64xf32, #tpu.memory_space<vmem_shared>>) target_semaphore(%run_scoped3A_172 : memref<!tpu.dma_semaphore, #tpu.memory_space<semaphore_mem>>)
      %dma_wait3A_175 = arith.constant 0 : i32
      %dma_wait3A_176 = tpu.memref_slice %arg13[%mul3A_85, %dma_wait3A_175] : memref<10112x64xf32, #tpu.memory_space<vmem_shared>> -> memref<632x64xf32, #tpu.memory_space<vmem_shared>>
      tpu.wait_dma2 semaphore(%run_scoped3A_172 : memref<!tpu.dma_semaphore, #tpu.memory_space<semaphore_mem>>) src(%arg5 : memref<632x64xf32, #tpu.memory_space<hbm>>) dst(%dma_wait3A_176 : memref<632x64xf32, #tpu.memory_space<vmem_shared>>)
      tpu.yield
    }) : () -> ()
    %barrier3A_86 = arith.constant 0 : index
    tpu.barrier barrier_id(%barrier3A_86)
    %dma_start3A_87 = arith.constant 1 : i32
    %dma_start3A_88 = arith.constant 0 : i32
    "tpu.trace_stop"() : () -> ()
    "tpu.trace_start"() <{level = 10 : i32, message = "sc_mainloop"}> : () -> ()
    %dma_start3A_89 = arith.constant 0 : i32
    %dma_start3A_90 = tpu.memref_slice %arg7[%dma_start3A_88, %dma_start3A_89] : memref<80x125xi32, #tpu.memory_space<vmem>> -> memref<1x125xi32, #tpu.memory_space<vmem>>
    %dma_start3A_91 = tpu.memref_squeeze %dma_start3A_90 : memref<1x125xi32, #tpu.memory_space<vmem>> -> memref<125xi32, #tpu.memory_space<vmem>>
    %dma_start3A_92 = arith.constant 0 : i32
    %dma_start3A_93 = arith.constant 0 : i32
    %dma_start3A_94 = tpu.memref_slice %arg2[%dma_start3A_87, %dma_start3A_92, %dma_start3A_93] : memref<2x10000x64xf32, #tpu.memory_space<hbm>> -> memref<1x10000x64xf32, #tpu.memory_space<hbm>>
    %dma_start3A_95 = tpu.memref_squeeze %dma_start3A_94 : memref<1x10000x64xf32, #tpu.memory_space<hbm>> -> memref<10000x64xf32, #tpu.memory_space<hbm>>
    %dma_start3A_96 = arith.constant 0 : i32
    %dma_start3A_97 = arith.constant 0 : i32
    %dma_start3A_98 = tpu.memref_slice %dma_start3A_95[%dma_start3A_96, %dma_start3A_97] : memref<10000x64xf32, #tpu.memory_space<hbm>> -> memref<10000x64xf32, #tpu.memory_space<hbm>>
    tpu.enqueue_indirect_dma source(%dma_start3A_98 : memref<10000x64xf32, #tpu.memory_space<hbm>>) target(%arg9 : memref<125x64xf32, #tpu.memory_space<vmem>>) offsets(%dma_start3A_91 : memref<125xi32, #tpu.memory_space<vmem>>) semaphore(%arg14 : memref<!tpu.dma_semaphore, #tpu.memory_space<semaphore_mem>>)
    %dma_start3A_99 = arith.constant 1 : i32
    %dma_start3A_100 = arith.constant 1 : i32
    %dma_start3A_101 = arith.constant 0 : i32
    %dma_start3A_102 = tpu.memref_slice %arg7[%dma_start3A_100, %dma_start3A_101] : memref<80x125xi32, #tpu.memory_space<vmem>> -> memref<1x125xi32, #tpu.memory_space<vmem>>
    %dma_start3A_103 = tpu.memref_squeeze %dma_start3A_102 : memref<1x125xi32, #tpu.memory_space<vmem>> -> memref<125xi32, #tpu.memory_space<vmem>>
    %dma_start3A_104 = arith.constant 0 : i32
    %dma_start3A_105 = arith.constant 0 : i32
    %dma_start3A_106 = tpu.memref_slice %arg2[%dma_start3A_99, %dma_start3A_104, %dma_start3A_105] : memref<2x10000x64xf32, #tpu.memory_space<hbm>> -> memref<1x10000x64xf32, #tpu.memory_space<hbm>>
    %dma_start3A_107 = tpu.memref_squeeze %dma_start3A_106 : memref<1x10000x64xf32, #tpu.memory_space<hbm>> -> memref<10000x64xf32, #tpu.memory_space<hbm>>
    %dma_start3A_108 = arith.constant 0 : i32
    %dma_start3A_109 = arith.constant 0 : i32
    %dma_start3A_110 = tpu.memref_slice %dma_start3A_107[%dma_start3A_108, %dma_start3A_109] : memref<10000x64xf32, #tpu.memory_space<hbm>> -> memref<10000x64xf32, #tpu.memory_space<hbm>>
    tpu.enqueue_indirect_dma source(%dma_start3A_110 : memref<10000x64xf32, #tpu.memory_space<hbm>>) target(%arg10 : memref<125x64xf32, #tpu.memory_space<vmem>>) offsets(%dma_start3A_103 : memref<125xi32, #tpu.memory_space<vmem>>) semaphore(%arg15 : memref<!tpu.dma_semaphore, #tpu.memory_space<semaphore_mem>>)
    %dma_start3A_111 = arith.constant 1 : i32
    %dma_start3A_112 = arith.constant 2 : i32
    %dma_start3A_113 = arith.constant 0 : i32
    %dma_start3A_114 = tpu.memref_slice %arg7[%dma_start3A_112, %dma_start3A_113] : memref<80x125xi32, #tpu.memory_space<vmem>> -> memref<1x125xi32, #tpu.memory_space<vmem>>
    %dma_start3A_115 = tpu.memref_squeeze %dma_start3A_114 : memref<1x125xi32, #tpu.memory_space<vmem>> -> memref<125xi32, #tpu.memory_space<vmem>>
    %dma_start3A_116 = arith.constant 0 : i32
    %dma_start3A_117 = arith.constant 0 : i32
    %dma_start3A_118 = tpu.memref_slice %arg2[%dma_start3A_111, %dma_start3A_116, %dma_start3A_117] : memref<2x10000x64xf32, #tpu.memory_space<hbm>> -> memref<1x10000x64xf32, #tpu.memory_space<hbm>>
    %dma_start3A_119 = tpu.memref_squeeze %dma_start3A_118 : memref<1x10000x64xf32, #tpu.memory_space<hbm>> -> memref<10000x64xf32, #tpu.memory_space<hbm>>
    %dma_start3A_120 = arith.constant 0 : i32
    %dma_start3A_121 = arith.constant 0 : i32
    %dma_start3A_122 = tpu.memref_slice %dma_start3A_119[%dma_start3A_120, %dma_start3A_121] : memref<10000x64xf32, #tpu.memory_space<hbm>> -> memref<10000x64xf32, #tpu.memory_space<hbm>>
    tpu.enqueue_indirect_dma source(%dma_start3A_122 : memref<10000x64xf32, #tpu.memory_space<hbm>>) target(%arg11 : memref<125x64xf32, #tpu.memory_space<vmem>>) offsets(%dma_start3A_115 : memref<125xi32, #tpu.memory_space<vmem>>) semaphore(%arg16 : memref<!tpu.dma_semaphore, #tpu.memory_space<semaphore_mem>>)
    %scan3A_123 = arith.constant 0 : i32
    %scan3A_124 = arith.constant 1 : i32
    %scan3A_125 = arith.constant 0 : i32
    %scan3A_126 = arith.constant 20 : i32
    %scan3A_127 = arith.addi %scan3A_125, %scan3A_126 : i32
    %scan3A_128 = arith.constant 1 : i32
    scf.for %scan3A_172 = %scan3A_125 to %scan3A_127 step %scan3A_128  : i32 {
      %mul3A_173 = arith.constant 4 : i32
      %mul3A_174 = arith.muli %mul3A_173, %scan3A_172 : i32
      %add3A_175 = arith.constant 0 : i32
      %add3A_176 = arith.addi %mul3A_174, %add3A_175 : i32
      %dma_wait3A_177 = arith.constant 0 : i32
      %dma_wait3A_178 = arith.constant 0 : i32
      %dma_wait3A_179 = tpu.memref_slice %arg7[%dma_wait3A_177, %dma_wait3A_178] : memref<80x125xi32, #tpu.memory_space<vmem>> -> memref<1x125xi32, #tpu.memory_space<vmem>>
      %dma_wait3A_180 = tpu.memref_squeeze %dma_wait3A_179 : memref<1x125xi32, #tpu.memory_space<vmem>> -> memref<125xi32, #tpu.memory_space<vmem>>
      %dma_wait3A_181 = arith.constant 0 : i32
      %dma_wait3A_182 = arith.constant 0 : i32
      %dma_wait3A_183 = tpu.memref_slice %arg2[%scan3A_124, %dma_wait3A_181, %dma_wait3A_182] : memref<2x10000x64xf32, #tpu.memory_space<hbm>> -> memref<1x10000x64xf32, #tpu.memory_space<hbm>>
      %dma_wait3A_184 = tpu.memref_squeeze %dma_wait3A_183 : memref<1x10000x64xf32, #tpu.memory_space<hbm>> -> memref<10000x64xf32, #tpu.memory_space<hbm>>
      %dma_wait3A_185 = arith.constant 0 : i32
      %dma_wait3A_186 = arith.constant 0 : i32
      %dma_wait3A_187 = tpu.memref_slice %dma_wait3A_184[%dma_wait3A_185, %dma_wait3A_186] : memref<10000x64xf32, #tpu.memory_space<hbm>> -> memref<10000x64xf32, #tpu.memory_space<hbm>>
      tpu.wait_indirect_dma semaphore(%arg14 : memref<!tpu.dma_semaphore, #tpu.memory_space<semaphore_mem>>) src(%dma_wait3A_187 : memref<10000x64xf32, #tpu.memory_space<hbm>>) dst(%arg9 : memref<125x64xf32, #tpu.memory_space<vmem>>)
      %add3A_188 = arith.constant 3 : i32
      %add3A_189 = arith.addi %add3A_176, %add3A_188 : i32
      %min3A = arith.constant 79 : i32
      %min3A_190 = arith.minsi %add3A_189, %min3A : i32
      %dma_start3A_191 = arith.constant 0 : i32
      %dma_start3A_192 = tpu.memref_slice %arg7[%min3A_190, %dma_start3A_191] : memref<80x125xi32, #tpu.memory_space<vmem>> -> memref<1x125xi32, #tpu.memory_space<vmem>>
      %dma_start3A_193 = tpu.memref_squeeze %dma_start3A_192 : memref<1x125xi32, #tpu.memory_space<vmem>> -> memref<125xi32, #tpu.memory_space<vmem>>
      %dma_start3A_194 = arith.constant 0 : i32
      %dma_start3A_195 = arith.constant 0 : i32
      %dma_start3A_196 = tpu.memref_slice %arg2[%scan3A_124, %dma_start3A_194, %dma_start3A_195] : memref<2x10000x64xf32, #tpu.memory_space<hbm>> -> memref<1x10000x64xf32, #tpu.memory_space<hbm>>
      %dma_start3A_197 = tpu.memref_squeeze %dma_start3A_196 : memref<1x10000x64xf32, #tpu.memory_space<hbm>> -> memref<10000x64xf32, #tpu.memory_space<hbm>>
      %dma_start3A_198 = arith.constant 0 : i32
      %dma_start3A_199 = arith.constant 0 : i32
      %dma_start3A_200 = tpu.memref_slice %dma_start3A_197[%dma_start3A_198, %dma_start3A_199] : memref<10000x64xf32, #tpu.memory_space<hbm>> -> memref<10000x64xf32, #tpu.memory_space<hbm>>
      tpu.enqueue_indirect_dma source(%dma_start3A_200 : memref<10000x64xf32, #tpu.memory_space<hbm>>) target(%arg12 : memref<125x64xf32, #tpu.memory_space<vmem>>) offsets(%dma_start3A_193 : memref<125xi32, #tpu.memory_space<vmem>>) semaphore(%arg17 : memref<!tpu.dma_semaphore, #tpu.memory_space<semaphore_mem>>)
      "tpu.region"() ({
        %run_scoped3A_288 = tpu.sem_alloc : memref<!tpu.dma_semaphore, #tpu.memory_space<semaphore_mem>>
        %dma_start3A_289 = arith.constant 0 : i32
        %dma_start3A_290 = tpu.memref_slice %arg8[%add3A_176, %dma_start3A_289] : memref<80x125xi32, #tpu.memory_space<vmem>> -> memref<1x125xi32, #tpu.memory_space<vmem>>
        %dma_start3A_291 = tpu.memref_squeeze %dma_start3A_290 : memref<1x125xi32, #tpu.memory_space<vmem>> -> memref<125xi32, #tpu.memory_space<vmem>>
        %dma_start3A_292 = arith.constant 0 : i32
        %dma_start3A_293 = arith.constant 0 : i32
        %dma_start3A_294 = tpu.memref_slice %arg13[%dma_start3A_292, %dma_start3A_293] : memref<10112x64xf32, #tpu.memory_space<vmem_shared>> -> memref<10112x64xf32, #tpu.memory_space<vmem_shared>>
        tpu.enqueue_indirect_dma source(%arg9 : memref<125x64xf32, #tpu.memory_space<vmem>>) target(%dma_start3A_294 : memref<10112x64xf32, #tpu.memory_space<vmem_shared>>) offsets(%dma_start3A_291 : memref<125xi32, #tpu.memory_space<vmem>>) semaphore(%run_scoped3A_288 : memref<!tpu.dma_semaphore, #tpu.memory_space<semaphore_mem>>) {add = true}
        %dma_wait3A_295 = arith.constant 0 : i32
        %dma_wait3A_296 = tpu.memref_slice %arg8[%add3A_176, %dma_wait3A_295] : memref<80x125xi32, #tpu.memory_space<vmem>> -> memref<1x125xi32, #tpu.memory_space<vmem>>
        %dma_wait3A_297 = tpu.memref_squeeze %dma_wait3A_296 : memref<1x125xi32, #tpu.memory_space<vmem>> -> memref<125xi32, #tpu.memory_space<vmem>>
        %dma_wait3A_298 = arith.constant 0 : i32
        %dma_wait3A_299 = arith.constant 0 : i32
        %dma_wait3A_300 = tpu.memref_slice %arg13[%dma_wait3A_298, %dma_wait3A_299] : memref<10112x64xf32, #tpu.memory_space<vmem_shared>> -> memref<10112x64xf32, #tpu.memory_space<vmem_shared>>
        tpu.wait_indirect_dma semaphore(%run_scoped3A_288 : memref<!tpu.dma_semaphore, #tpu.memory_space<semaphore_mem>>) src(%arg9 : memref<125x64xf32, #tpu.memory_space<vmem>>) dst(%dma_wait3A_300 : memref<10112x64xf32, #tpu.memory_space<vmem_shared>>)
        tpu.yield
      }) : () -> ()
      %mul3A_201 = arith.constant 4 : i32
      %mul3A_202 = arith.muli %mul3A_201, %scan3A_172 : i32
      %add3A_203 = arith.constant 1 : i32
      %add3A_204 = arith.addi %mul3A_202, %add3A_203 : i32
      %dma_wait3A_205 = arith.constant 0 : i32
      %dma_wait3A_206 = arith.constant 0 : i32
      %dma_wait3A_207 = tpu.memref_slice %arg7[%dma_wait3A_205, %dma_wait3A_206] : memref<80x125xi32, #tpu.memory_space<vmem>> -> memref<1x125xi32, #tpu.memory_space<vmem>>
      %dma_wait3A_208 = tpu.memref_squeeze %dma_wait3A_207 : memref<1x125xi32, #tpu.memory_space<vmem>> -> memref<125xi32, #tpu.memory_space<vmem>>
      %dma_wait3A_209 = arith.constant 0 : i32
      %dma_wait3A_210 = arith.constant 0 : i32
      %dma_wait3A_211 = tpu.memref_slice %arg2[%scan3A_124, %dma_wait3A_209, %dma_wait3A_210] : memref<2x10000x64xf32, #tpu.memory_space<hbm>> -> memref<1x10000x64xf32, #tpu.memory_space<hbm>>
      %dma_wait3A_212 = tpu.memref_squeeze %dma_wait3A_211 : memref<1x10000x64xf32, #tpu.memory_space<hbm>> -> memref<10000x64xf32, #tpu.memory_space<hbm>>
      %dma_wait3A_213 = arith.constant 0 : i32
      %dma_wait3A_214 = arith.constant 0 : i32
      %dma_wait3A_215 = tpu.memref_slice %dma_wait3A_212[%dma_wait3A_213, %dma_wait3A_214] : memref<10000x64xf32, #tpu.memory_space<hbm>> -> memref<10000x64xf32, #tpu.memory_space<hbm>>
      tpu.wait_indirect_dma semaphore(%arg15 : memref<!tpu.dma_semaphore, #tpu.memory_space<semaphore_mem>>) src(%dma_wait3A_215 : memref<10000x64xf32, #tpu.memory_space<hbm>>) dst(%arg10 : memref<125x64xf32, #tpu.memory_space<vmem>>)
      %add3A_216 = arith.constant 3 : i32
      %add3A_217 = arith.addi %add3A_204, %add3A_216 : i32
      %min3A_218 = arith.constant 79 : i32
      %min3A_219 = arith.minsi %add3A_217, %min3A_218 : i32
      %dma_start3A_220 = arith.constant 0 : i32
      %dma_start3A_221 = tpu.memref_slice %arg7[%min3A_219, %dma_start3A_220] : memref<80x125xi32, #tpu.memory_space<vmem>> -> memref<1x125xi32, #tpu.memory_space<vmem>>
      %dma_start3A_222 = tpu.memref_squeeze %dma_start3A_221 : memref<1x125xi32, #tpu.memory_space<vmem>> -> memref<125xi32, #tpu.memory_space<vmem>>
      %dma_start3A_223 = arith.constant 0 : i32
      %dma_start3A_224 = arith.constant 0 : i32
      %dma_start3A_225 = tpu.memref_slice %arg2[%scan3A_124, %dma_start3A_223, %dma_start3A_224] : memref<2x10000x64xf32, #tpu.memory_space<hbm>> -> memref<1x10000x64xf32, #tpu.memory_space<hbm>>
      %dma_start3A_226 = tpu.memref_squeeze %dma_start3A_225 : memref<1x10000x64xf32, #tpu.memory_space<hbm>> -> memref<10000x64xf32, #tpu.memory_space<hbm>>
      %dma_start3A_227 = arith.constant 0 : i32
      %dma_start3A_228 = arith.constant 0 : i32
      %dma_start3A_229 = tpu.memref_slice %dma_start3A_226[%dma_start3A_227, %dma_start3A_228] : memref<10000x64xf32, #tpu.memory_space<hbm>> -> memref<10000x64xf32, #tpu.memory_space<hbm>>
      tpu.enqueue_indirect_dma source(%dma_start3A_229 : memref<10000x64xf32, #tpu.memory_space<hbm>>) target(%arg9 : memref<125x64xf32, #tpu.memory_space<vmem>>) offsets(%dma_start3A_222 : memref<125xi32, #tpu.memory_space<vmem>>) semaphore(%arg14 : memref<!tpu.dma_semaphore, #tpu.memory_space<semaphore_mem>>)
      "tpu.region"() ({
        %run_scoped3A_288 = tpu.sem_alloc : memref<!tpu.dma_semaphore, #tpu.memory_space<semaphore_mem>>
        %dma_start3A_289 = arith.constant 0 : i32
        %dma_start3A_290 = tpu.memref_slice %arg8[%add3A_204, %dma_start3A_289] : memref<80x125xi32, #tpu.memory_space<vmem>> -> memref<1x125xi32, #tpu.memory_space<vmem>>
        %dma_start3A_291 = tpu.memref_squeeze %dma_start3A_290 : memref<1x125xi32, #tpu.memory_space<vmem>> -> memref<125xi32, #tpu.memory_space<vmem>>
        %dma_start3A_292 = arith.constant 0 : i32
        %dma_start3A_293 = arith.constant 0 : i32
        %dma_start3A_294 = tpu.memref_slice %arg13[%dma_start3A_292, %dma_start3A_293] : memref<10112x64xf32, #tpu.memory_space<vmem_shared>> -> memref<10112x64xf32, #tpu.memory_space<vmem_shared>>
        tpu.enqueue_indirect_dma source(%arg10 : memref<125x64xf32, #tpu.memory_space<vmem>>) target(%dma_start3A_294 : memref<10112x64xf32, #tpu.memory_space<vmem_shared>>) offsets(%dma_start3A_291 : memref<125xi32, #tpu.memory_space<vmem>>) semaphore(%run_scoped3A_288 : memref<!tpu.dma_semaphore, #tpu.memory_space<semaphore_mem>>) {add = true}
        %dma_wait3A_295 = arith.constant 0 : i32
        %dma_wait3A_296 = tpu.memref_slice %arg8[%add3A_204, %dma_wait3A_295] : memref<80x125xi32, #tpu.memory_space<vmem>> -> memref<1x125xi32, #tpu.memory_space<vmem>>
        %dma_wait3A_297 = tpu.memref_squeeze %dma_wait3A_296 : memref<1x125xi32, #tpu.memory_space<vmem>> -> memref<125xi32, #tpu.memory_space<vmem>>
        %dma_wait3A_298 = arith.constant 0 : i32
        %dma_wait3A_299 = arith.constant 0 : i32
        %dma_wait3A_300 = tpu.memref_slice %arg13[%dma_wait3A_298, %dma_wait3A_299] : memref<10112x64xf32, #tpu.memory_space<vmem_shared>> -> memref<10112x64xf32, #tpu.memory_space<vmem_shared>>
        tpu.wait_indirect_dma semaphore(%run_scoped3A_288 : memref<!tpu.dma_semaphore, #tpu.memory_space<semaphore_mem>>) src(%arg10 : memref<125x64xf32, #tpu.memory_space<vmem>>) dst(%dma_wait3A_300 : memref<10112x64xf32, #tpu.memory_space<vmem_shared>>)
        tpu.yield
      }) : () -> ()
      %mul3A_230 = arith.constant 4 : i32
      %mul3A_231 = arith.muli %mul3A_230, %scan3A_172 : i32
      %add3A_232 = arith.constant 2 : i32
      %add3A_233 = arith.addi %mul3A_231, %add3A_232 : i32
      %dma_wait3A_234 = arith.constant 0 : i32
      %dma_wait3A_235 = arith.constant 0 : i32
      %dma_wait3A_236 = tpu.memref_slice %arg7[%dma_wait3A_234, %dma_wait3A_235] : memref<80x125xi32, #tpu.memory_space<vmem>> -> memref<1x125xi32, #tpu.memory_space<vmem>>
      %dma_wait3A_237 = tpu.memref_squeeze %dma_wait3A_236 : memref<1x125xi32, #tpu.memory_space<vmem>> -> memref<125xi32, #tpu.memory_space<vmem>>
      %dma_wait3A_238 = arith.constant 0 : i32
      %dma_wait3A_239 = arith.constant 0 : i32
      %dma_wait3A_240 = tpu.memref_slice %arg2[%scan3A_124, %dma_wait3A_238, %dma_wait3A_239] : memref<2x10000x64xf32, #tpu.memory_space<hbm>> -> memref<1x10000x64xf32, #tpu.memory_space<hbm>>
      %dma_wait3A_241 = tpu.memref_squeeze %dma_wait3A_240 : memref<1x10000x64xf32, #tpu.memory_space<hbm>> -> memref<10000x64xf32, #tpu.memory_space<hbm>>
      %dma_wait3A_242 = arith.constant 0 : i32
      %dma_wait3A_243 = arith.constant 0 : i32
      %dma_wait3A_244 = tpu.memref_slice %dma_wait3A_241[%dma_wait3A_242, %dma_wait3A_243] : memref<10000x64xf32, #tpu.memory_space<hbm>> -> memref<10000x64xf32, #tpu.memory_space<hbm>>
      tpu.wait_indirect_dma semaphore(%arg16 : memref<!tpu.dma_semaphore, #tpu.memory_space<semaphore_mem>>) src(%dma_wait3A_244 : memref<10000x64xf32, #tpu.memory_space<hbm>>) dst(%arg11 : memref<125x64xf32, #tpu.memory_space<vmem>>)
      %add3A_245 = arith.constant 3 : i32
      %add3A_246 = arith.addi %add3A_233, %add3A_245 : i32
      %min3A_247 = arith.constant 79 : i32
      %min3A_248 = arith.minsi %add3A_246, %min3A_247 : i32
      %dma_start3A_249 = arith.constant 0 : i32
      %dma_start3A_250 = tpu.memref_slice %arg7[%min3A_248, %dma_start3A_249] : memref<80x125xi32, #tpu.memory_space<vmem>> -> memref<1x125xi32, #tpu.memory_space<vmem>>
      %dma_start3A_251 = tpu.memref_squeeze %dma_start3A_250 : memref<1x125xi32, #tpu.memory_space<vmem>> -> memref<125xi32, #tpu.memory_space<vmem>>
      %dma_start3A_252 = arith.constant 0 : i32
      %dma_start3A_253 = arith.constant 0 : i32
      %dma_start3A_254 = tpu.memref_slice %arg2[%scan3A_124, %dma_start3A_252, %dma_start3A_253] : memref<2x10000x64xf32, #tpu.memory_space<hbm>> -> memref<1x10000x64xf32, #tpu.memory_space<hbm>>
      %dma_start3A_255 = tpu.memref_squeeze %dma_start3A_254 : memref<1x10000x64xf32, #tpu.memory_space<hbm>> -> memref<10000x64xf32, #tpu.memory_space<hbm>>
      %dma_start3A_256 = arith.constant 0 : i32
      %dma_start3A_257 = arith.constant 0 : i32
      %dma_start3A_258 = tpu.memref_slice %dma_start3A_255[%dma_start3A_256, %dma_start3A_257] : memref<10000x64xf32, #tpu.memory_space<hbm>> -> memref<10000x64xf32, #tpu.memory_space<hbm>>
      tpu.enqueue_indirect_dma source(%dma_start3A_258 : memref<10000x64xf32, #tpu.memory_space<hbm>>) target(%arg10 : memref<125x64xf32, #tpu.memory_space<vmem>>) offsets(%dma_start3A_251 : memref<125xi32, #tpu.memory_space<vmem>>) semaphore(%arg15 : memref<!tpu.dma_semaphore, #tpu.memory_space<semaphore_mem>>)
      "tpu.region"() ({
        %run_scoped3A_288 = tpu.sem_alloc : memref<!tpu.dma_semaphore, #tpu.memory_space<semaphore_mem>>
        %dma_start3A_289 = arith.constant 0 : i32
        %dma_start3A_290 = tpu.memref_slice %arg8[%add3A_233, %dma_start3A_289] : memref<80x125xi32, #tpu.memory_space<vmem>> -> memref<1x125xi32, #tpu.memory_space<vmem>>
        %dma_start3A_291 = tpu.memref_squeeze %dma_start3A_290 : memref<1x125xi32, #tpu.memory_space<vmem>> -> memref<125xi32, #tpu.memory_space<vmem>>
        %dma_start3A_292 = arith.constant 0 : i32
        %dma_start3A_293 = arith.constant 0 : i32
        %dma_start3A_294 = tpu.memref_slice %arg13[%dma_start3A_292, %dma_start3A_293] : memref<10112x64xf32, #tpu.memory_space<vmem_shared>> -> memref<10112x64xf32, #tpu.memory_space<vmem_shared>>
        tpu.enqueue_indirect_dma source(%arg11 : memref<125x64xf32, #tpu.memory_space<vmem>>) target(%dma_start3A_294 : memref<10112x64xf32, #tpu.memory_space<vmem_shared>>) offsets(%dma_start3A_291 : memref<125xi32, #tpu.memory_space<vmem>>) semaphore(%run_scoped3A_288 : memref<!tpu.dma_semaphore, #tpu.memory_space<semaphore_mem>>) {add = true}
        %dma_wait3A_295 = arith.constant 0 : i32
        %dma_wait3A_296 = tpu.memref_slice %arg8[%add3A_233, %dma_wait3A_295] : memref<80x125xi32, #tpu.memory_space<vmem>> -> memref<1x125xi32, #tpu.memory_space<vmem>>
        %dma_wait3A_297 = tpu.memref_squeeze %dma_wait3A_296 : memref<1x125xi32, #tpu.memory_space<vmem>> -> memref<125xi32, #tpu.memory_space<vmem>>
        %dma_wait3A_298 = arith.constant 0 : i32
        %dma_wait3A_299 = arith.constant 0 : i32
        %dma_wait3A_300 = tpu.memref_slice %arg13[%dma_wait3A_298, %dma_wait3A_299] : memref<10112x64xf32, #tpu.memory_space<vmem_shared>> -> memref<10112x64xf32, #tpu.memory_space<vmem_shared>>
        tpu.wait_indirect_dma semaphore(%run_scoped3A_288 : memref<!tpu.dma_semaphore, #tpu.memory_space<semaphore_mem>>) src(%arg11 : memref<125x64xf32, #tpu.memory_space<vmem>>) dst(%dma_wait3A_300 : memref<10112x64xf32, #tpu.memory_space<vmem_shared>>)
        tpu.yield
      }) : () -> ()
      %mul3A_259 = arith.constant 4 : i32
      %mul3A_260 = arith.muli %mul3A_259, %scan3A_172 : i32
      %add3A_261 = arith.constant 3 : i32
      %add3A_262 = arith.addi %mul3A_260, %add3A_261 : i32
      %dma_wait3A_263 = arith.constant 0 : i32
      %dma_wait3A_264 = arith.constant 0 : i32
      %dma_wait3A_265 = tpu.memref_slice %arg7[%dma_wait3A_263, %dma_wait3A_264] : memref<80x125xi32, #tpu.memory_space<vmem>> -> memref<1x125xi32, #tpu.memory_space<vmem>>
      %dma_wait3A_266 = tpu.memref_squeeze %dma_wait3A_265 : memref<1x125xi32, #tpu.memory_space<vmem>> -> memref<125xi32, #tpu.memory_space<vmem>>
      %dma_wait3A_267 = arith.constant 0 : i32
      %dma_wait3A_268 = arith.constant 0 : i32
      %dma_wait3A_269 = tpu.memref_slice %arg2[%scan3A_124, %dma_wait3A_267, %dma_wait3A_268] : memref<2x10000x64xf32, #tpu.memory_space<hbm>> -> memref<1x10000x64xf32, #tpu.memory_space<hbm>>
      %dma_wait3A_270 = tpu.memref_squeeze %dma_wait3A_269 : memref<1x10000x64xf32, #tpu.memory_space<hbm>> -> memref<10000x64xf32, #tpu.memory_space<hbm>>
      %dma_wait3A_271 = arith.constant 0 : i32
      %dma_wait3A_272 = arith.constant 0 : i32
      %dma_wait3A_273 = tpu.memref_slice %dma_wait3A_270[%dma_wait3A_271, %dma_wait3A_272] : memref<10000x64xf32, #tpu.memory_space<hbm>> -> memref<10000x64xf32, #tpu.memory_space<hbm>>
      tpu.wait_indirect_dma semaphore(%arg17 : memref<!tpu.dma_semaphore, #tpu.memory_space<semaphore_mem>>) src(%dma_wait3A_273 : memref<10000x64xf32, #tpu.memory_space<hbm>>) dst(%arg12 : memref<125x64xf32, #tpu.memory_space<vmem>>)
      %add3A_274 = arith.constant 3 : i32
      %add3A_275 = arith.addi %add3A_262, %add3A_274 : i32
      %min3A_276 = arith.constant 79 : i32
      %min3A_277 = arith.minsi %add3A_275, %min3A_276 : i32
      %dma_start3A_278 = arith.constant 0 : i32
      %dma_start3A_279 = tpu.memref_slice %arg7[%min3A_277, %dma_start3A_278] : memref<80x125xi32, #tpu.memory_space<vmem>> -> memref<1x125xi32, #tpu.memory_space<vmem>>
      %dma_start3A_280 = tpu.memref_squeeze %dma_start3A_279 : memref<1x125xi32, #tpu.memory_space<vmem>> -> memref<125xi32, #tpu.memory_space<vmem>>
      %dma_start3A_281 = arith.constant 0 : i32
      %dma_start3A_282 = arith.constant 0 : i32
      %dma_start3A_283 = tpu.memref_slice %arg2[%scan3A_124, %dma_start3A_281, %dma_start3A_282] : memref<2x10000x64xf32, #tpu.memory_space<hbm>> -> memref<1x10000x64xf32, #tpu.memory_space<hbm>>
      %dma_start3A_284 = tpu.memref_squeeze %dma_start3A_283 : memref<1x10000x64xf32, #tpu.memory_space<hbm>> -> memref<10000x64xf32, #tpu.memory_space<hbm>>
      %dma_start3A_285 = arith.constant 0 : i32
      %dma_start3A_286 = arith.constant 0 : i32
      %dma_start3A_287 = tpu.memref_slice %dma_start3A_284[%dma_start3A_285, %dma_start3A_286] : memref<10000x64xf32, #tpu.memory_space<hbm>> -> memref<10000x64xf32, #tpu.memory_space<hbm>>
      tpu.enqueue_indirect_dma source(%dma_start3A_287 : memref<10000x64xf32, #tpu.memory_space<hbm>>) target(%arg11 : memref<125x64xf32, #tpu.memory_space<vmem>>) offsets(%dma_start3A_280 : memref<125xi32, #tpu.memory_space<vmem>>) semaphore(%arg16 : memref<!tpu.dma_semaphore, #tpu.memory_space<semaphore_mem>>)
      "tpu.region"() ({
        %run_scoped3A_288 = tpu.sem_alloc : memref<!tpu.dma_semaphore, #tpu.memory_space<semaphore_mem>>
        %dma_start3A_289 = arith.constant 0 : i32
        %dma_start3A_290 = tpu.memref_slice %arg8[%add3A_262, %dma_start3A_289] : memref<80x125xi32, #tpu.memory_space<vmem>> -> memref<1x125xi32, #tpu.memory_space<vmem>>
        %dma_start3A_291 = tpu.memref_squeeze %dma_start3A_290 : memref<1x125xi32, #tpu.memory_space<vmem>> -> memref<125xi32, #tpu.memory_space<vmem>>
        %dma_start3A_292 = arith.constant 0 : i32
        %dma_start3A_293 = arith.constant 0 : i32
        %dma_start3A_294 = tpu.memref_slice %arg13[%dma_start3A_292, %dma_start3A_293] : memref<10112x64xf32, #tpu.memory_space<vmem_shared>> -> memref<10112x64xf32, #tpu.memory_space<vmem_shared>>
        tpu.enqueue_indirect_dma source(%arg12 : memref<125x64xf32, #tpu.memory_space<vmem>>) target(%dma_start3A_294 : memref<10112x64xf32, #tpu.memory_space<vmem_shared>>) offsets(%dma_start3A_291 : memref<125xi32, #tpu.memory_space<vmem>>) semaphore(%run_scoped3A_288 : memref<!tpu.dma_semaphore, #tpu.memory_space<semaphore_mem>>) {add = true}
        %dma_wait3A_295 = arith.constant 0 : i32
        %dma_wait3A_296 = tpu.memref_slice %arg8[%add3A_262, %dma_wait3A_295] : memref<80x125xi32, #tpu.memory_space<vmem>> -> memref<1x125xi32, #tpu.memory_space<vmem>>
        %dma_wait3A_297 = tpu.memref_squeeze %dma_wait3A_296 : memref<1x125xi32, #tpu.memory_space<vmem>> -> memref<125xi32, #tpu.memory_space<vmem>>
        %dma_wait3A_298 = arith.constant 0 : i32
        %dma_wait3A_299 = arith.constant 0 : i32
        %dma_wait3A_300 = tpu.memref_slice %arg13[%dma_wait3A_298, %dma_wait3A_299] : memref<10112x64xf32, #tpu.memory_space<vmem_shared>> -> memref<10112x64xf32, #tpu.memory_space<vmem_shared>>
        tpu.wait_indirect_dma semaphore(%run_scoped3A_288 : memref<!tpu.dma_semaphore, #tpu.memory_space<semaphore_mem>>) src(%arg12 : memref<125x64xf32, #tpu.memory_space<vmem>>) dst(%dma_wait3A_300 : memref<10112x64xf32, #tpu.memory_space<vmem_shared>>)
        tpu.yield
      }) : () -> ()
    }
    %scan3A_129 = arith.constant 20 : i32
    %dma_wait3A_130 = arith.constant 1 : i32
    %dma_wait3A_131 = arith.constant 0 : i32
    %dma_wait3A_132 = arith.constant 0 : i32
    %dma_wait3A_133 = tpu.memref_slice %arg7[%dma_wait3A_131, %dma_wait3A_132] : memref<80x125xi32, #tpu.memory_space<vmem>> -> memref<1x125xi32, #tpu.memory_space<vmem>>
    %dma_wait3A_134 = tpu.memref_squeeze %dma_wait3A_133 : memref<1x125xi32, #tpu.memory_space<vmem>> -> memref<125xi32, #tpu.memory_space<vmem>>
    %dma_wait3A_135 = arith.constant 0 : i32
    %dma_wait3A_136 = arith.constant 0 : i32
    %dma_wait3A_137 = tpu.memref_slice %arg2[%dma_wait3A_130, %dma_wait3A_135, %dma_wait3A_136] : memref<2x10000x64xf32, #tpu.memory_space<hbm>> -> memref<1x10000x64xf32, #tpu.memory_space<hbm>>
    %dma_wait3A_138 = tpu.memref_squeeze %dma_wait3A_137 : memref<1x10000x64xf32, #tpu.memory_space<hbm>> -> memref<10000x64xf32, #tpu.memory_space<hbm>>
    %dma_wait3A_139 = arith.constant 0 : i32
    %dma_wait3A_140 = arith.constant 0 : i32
    %dma_wait3A_141 = tpu.memref_slice %dma_wait3A_138[%dma_wait3A_139, %dma_wait3A_140] : memref<10000x64xf32, #tpu.memory_space<hbm>> -> memref<10000x64xf32, #tpu.memory_space<hbm>>
    tpu.wait_indirect_dma semaphore(%arg14 : memref<!tpu.dma_semaphore, #tpu.memory_space<semaphore_mem>>) src(%dma_wait3A_141 : memref<10000x64xf32, #tpu.memory_space<hbm>>) dst(%arg9 : memref<125x64xf32, #tpu.memory_space<vmem>>)
    %dma_wait3A_142 = arith.constant 1 : i32
    %dma_wait3A_143 = arith.constant 0 : i32
    %dma_wait3A_144 = arith.constant 0 : i32
    %dma_wait3A_145 = tpu.memref_slice %arg7[%dma_wait3A_143, %dma_wait3A_144] : memref<80x125xi32, #tpu.memory_space<vmem>> -> memref<1x125xi32, #tpu.memory_space<vmem>>
    %dma_wait3A_146 = tpu.memref_squeeze %dma_wait3A_145 : memref<1x125xi32, #tpu.memory_space<vmem>> -> memref<125xi32, #tpu.memory_space<vmem>>
    %dma_wait3A_147 = arith.constant 0 : i32
    %dma_wait3A_148 = arith.constant 0 : i32
    %dma_wait3A_149 = tpu.memref_slice %arg2[%dma_wait3A_142, %dma_wait3A_147, %dma_wait3A_148] : memref<2x10000x64xf32, #tpu.memory_space<hbm>> -> memref<1x10000x64xf32, #tpu.memory_space<hbm>>
    %dma_wait3A_150 = tpu.memref_squeeze %dma_wait3A_149 : memref<1x10000x64xf32, #tpu.memory_space<hbm>> -> memref<10000x64xf32, #tpu.memory_space<hbm>>
    %dma_wait3A_151 = arith.constant 0 : i32
    %dma_wait3A_152 = arith.constant 0 : i32
    %dma_wait3A_153 = tpu.memref_slice %dma_wait3A_150[%dma_wait3A_151, %dma_wait3A_152] : memref<10000x64xf32, #tpu.memory_space<hbm>> -> memref<10000x64xf32, #tpu.memory_space<hbm>>
    tpu.wait_indirect_dma semaphore(%arg15 : memref<!tpu.dma_semaphore, #tpu.memory_space<semaphore_mem>>) src(%dma_wait3A_153 : memref<10000x64xf32, #tpu.memory_space<hbm>>) dst(%arg10 : memref<125x64xf32, #tpu.memory_space<vmem>>)
    %dma_wait3A_154 = arith.constant 1 : i32
    %dma_wait3A_155 = arith.constant 0 : i32
    %dma_wait3A_156 = arith.constant 0 : i32
    %dma_wait3A_157 = tpu.memref_slice %arg7[%dma_wait3A_155, %dma_wait3A_156] : memref<80x125xi32, #tpu.memory_space<vmem>> -> memref<1x125xi32, #tpu.memory_space<vmem>>
    %dma_wait3A_158 = tpu.memref_squeeze %dma_wait3A_157 : memref<1x125xi32, #tpu.memory_space<vmem>> -> memref<125xi32, #tpu.memory_space<vmem>>
    %dma_wait3A_159 = arith.constant 0 : i32
    %dma_wait3A_160 = arith.constant 0 : i32
    %dma_wait3A_161 = tpu.memref_slice %arg2[%dma_wait3A_154, %dma_wait3A_159, %dma_wait3A_160] : memref<2x10000x64xf32, #tpu.memory_space<hbm>> -> memref<1x10000x64xf32, #tpu.memory_space<hbm>>
    %dma_wait3A_162 = tpu.memref_squeeze %dma_wait3A_161 : memref<1x10000x64xf32, #tpu.memory_space<hbm>> -> memref<10000x64xf32, #tpu.memory_space<hbm>>
    %dma_wait3A_163 = arith.constant 0 : i32
    %dma_wait3A_164 = arith.constant 0 : i32
    %dma_wait3A_165 = tpu.memref_slice %dma_wait3A_162[%dma_wait3A_163, %dma_wait3A_164] : memref<10000x64xf32, #tpu.memory_space<hbm>> -> memref<10000x64xf32, #tpu.memory_space<hbm>>
    tpu.wait_indirect_dma semaphore(%arg16 : memref<!tpu.dma_semaphore, #tpu.memory_space<semaphore_mem>>) src(%dma_wait3A_165 : memref<10000x64xf32, #tpu.memory_space<hbm>>) dst(%arg11 : memref<125x64xf32, #tpu.memory_space<vmem>>)
    %barrier3A_166 = arith.constant 0 : index
    tpu.barrier barrier_id(%barrier3A_166)
    "tpu.trace_stop"() : () -> ()
    "tpu.trace_start"() <{level = 10 : i32, message = "sc_out"}> : () -> ()
    %mul3A_167 = arith.constant 632 : i32
    %mul3A_168 = arith.muli %arg1, %mul3A_167 : i32
    %mul3A_169 = arith.constant 632 : i32
    %mul3A_170 = arith.muli %arg1, %mul3A_169 : i32
    %run_scoped3A_171 = arith.constant 1 : i32
    "tpu.region"() ({
      %run_scoped3A_172 = tpu.sem_alloc : memref<!tpu.dma_semaphore, #tpu.memory_space<semaphore_mem>>
      %dma_start3A_173 = arith.constant 0 : i32
      %dma_start3A_174 = tpu.memref_slice %arg6[%run_scoped3A_171, %arg0, %mul3A_170, %dma_start3A_173] : memref<2x2x10112x64xf32, #tpu.memory_space<hbm>> -> memref<1x1x632x64xf32, #tpu.memory_space<hbm>>
      %dma_start3A_175 = tpu.memref_squeeze %dma_start3A_174 : memref<1x1x632x64xf32, #tpu.memory_space<hbm>> -> memref<632x64xf32, #tpu.memory_space<hbm>>
      %dma_start3A_176 = arith.constant 0 : i32
      %dma_start3A_177 = tpu.memref_slice %arg13[%mul3A_168, %dma_start3A_176] : memref<10112x64xf32, #tpu.memory_space<vmem_shared>> -> memref<632x64xf32, #tpu.memory_space<vmem_shared>>
      tpu.enqueue_dma source(%dma_start3A_177 : memref<632x64xf32, #tpu.memory_space<vmem_shared>>) target(%dma_start3A_175 : memref<632x64xf32, #tpu.memory_space<hbm>>) target_semaphore(%run_scoped3A_172 : memref<!tpu.dma_semaphore, #tpu.memory_space<semaphore_mem>>)
      %dma_wait3A_178 = arith.constant 0 : i32
      %dma_wait3A_179 = tpu.memref_slice %arg6[%run_scoped3A_171, %arg0, %mul3A_170, %dma_wait3A_178] : memref<2x2x10112x64xf32, #tpu.memory_space<hbm>> -> memref<1x1x632x64xf32, #tpu.memory_space<hbm>>
      %dma_wait3A_180 = tpu.memref_squeeze %dma_wait3A_179 : memref<1x1x632x64xf32, #tpu.memory_space<hbm>> -> memref<632x64xf32, #tpu.memory_space<hbm>>
      %dma_wait3A_181 = arith.constant 0 : i32
      %dma_wait3A_182 = tpu.memref_slice %arg13[%mul3A_168, %dma_wait3A_181] : memref<10112x64xf32, #tpu.memory_space<vmem_shared>> -> memref<632x64xf32, #tpu.memory_space<vmem_shared>>
      tpu.wait_dma2 semaphore(%run_scoped3A_172 : memref<!tpu.dma_semaphore, #tpu.memory_space<semaphore_mem>>) src(%dma_wait3A_182 : memref<632x64xf32, #tpu.memory_space<vmem_shared>>) dst(%dma_wait3A_180 : memref<632x64xf32, #tpu.memory_space<hbm>>)
      tpu.yield
    }) : () -> ()
    "tpu.trace_stop"() : () -> ()
    return
  }
}

module attributes {stable_mosaic.version = 14 : i64} {
  func.func @_ew_body(%arg0: memref<4x128xf32, #tpu.memory_space<vmem>>, %arg1: memref<1x16xi32, #tpu.memory_space<vmem>>, %arg2: memref<16x1xi32, #tpu.memory_space<vmem>>, %arg3: memref<1x16xi32, #tpu.memory_space<vmem>>, %arg4: memref<1x16xf32, #tpu.memory_space<vmem>>, %arg5: memref<2xf32, #tpu.memory_space<smem>>, %arg6: memref<2xf32, #tpu.memory_space<smem>>, %arg7: memref<128x128xf32, #tpu.memory_space<vmem>>, %arg8: memref<1x128xf32, #tpu.memory_space<vmem>>, %arg9: memref<1x128xf32, #tpu.memory_space<vmem>>) attributes {dimension_semantics = [], scalar_prefetch = 0 : i64, scratch_operands = 0 : i64, tpu.core_type = #tpu.core_type<tc>} {
    %get3A = arith.constant 0 : index
    %get3A_0 = arith.constant 0 : index
    %get3A_1 = vector.load %arg0[%get3A, %get3A_0] : memref<4x128xf32, #tpu.memory_space<vmem>>, vector<4x128xf32>
    %get3A_2 = arith.constant 0 : index
    %get3A_3 = arith.constant 0 : index
    %get3A_4 = vector.load %arg1[%get3A_2, %get3A_3] : memref<1x16xi32, #tpu.memory_space<vmem>>, vector<1x16xi32>
    %get3A_5 = arith.constant 0 : index
    %get3A_6 = arith.constant 0 : index
    %get3A_7 = vector.load %arg2[%get3A_5, %get3A_6] : memref<16x1xi32, #tpu.memory_space<vmem>>, vector<16x1xi32>
    %get3A_8 = arith.constant 0 : index
    %get3A_9 = arith.constant 0 : index
    %get3A_10 = vector.load %arg3[%get3A_8, %get3A_9] : memref<1x16xi32, #tpu.memory_space<vmem>>, vector<1x16xi32>
    %get3A_11 = arith.constant 0 : index
    %get3A_12 = arith.constant 0 : index
    %get3A_13 = vector.load %arg4[%get3A_11, %get3A_12] : memref<1x16xf32, #tpu.memory_space<vmem>>, vector<1x16xf32>
    %iota3A = tpu.iota {dimensions = array<i32: 0>} : vector<4x16xi32>
    %eq3A = vector.broadcast %get3A_4 : vector<1x16xi32> to vector<4x16xi32>
    %eq3A_14 = arith.cmpi eq, %iota3A, %eq3A : vector<4x16xi32>
    %eq3A_15 = vector.broadcast %get3A_10 : vector<1x16xi32> to vector<4x16xi32>
    %eq3A_16 = arith.cmpi eq, %iota3A, %eq3A_15 : vector<4x16xi32>
    %convert_element_type3A = arith.extui %eq3A_16 : vector<4x16xi1> to vector<4x16xi32>
    %convert_element_type3A_17 = arith.sitofp %convert_element_type3A : vector<4x16xi32> to vector<4x16xf32>
    %mul3A = arith.mulf %get3A_1, %get3A_1 : vector<4x128xf32>
    %reduce_sum3A = arith.constant dense<0.000000e+00> : vector<4xf32>
    %reduce_sum3A_18 = vector.multi_reduction <add>, %mul3A, %reduce_sum3A [1] : vector<4x128xf32> to vector<4xf32>
    %broadcast_in_dim3A = vector.shape_cast %reduce_sum3A_18 : vector<4xf32> to vector<4x1xf32>
    %sqrt3A = math.sqrt %broadcast_in_dim3A : vector<4x1xf32>
    %add3A = arith.constant 9.99999996E-13 : f32
    %add3A_19 = vector.broadcast %add3A : f32 to vector<4x1xf32>
    %add3A_20 = arith.addf %sqrt3A, %add3A_19 : vector<4x1xf32>
    %div3A = vector.broadcast %add3A_20 : vector<4x1xf32> to vector<4x128xf32>
    %div3A_21 = arith.divf %get3A_1, %div3A : vector<4x128xf32>
    %get3A_22 = arith.constant 0 : index
    %get3A_23 = memref.load %arg5[%get3A_22] : memref<2xf32, #tpu.memory_space<smem>>
    %mul3A_24 = vector.broadcast %get3A_23 : f32 to vector<1x16xf32>
    %mul3A_25 = arith.mulf %mul3A_24, %get3A_13 : vector<1x16xf32>
    %jit3A = arith.constant -1.000000e+30 : f32
    %broadcast_in_dim3A_26 = vector.shape_cast %mul3A_25 : vector<1x16xf32> to vector<1x16xf32>
    %broadcast_in_dim3A_27 = vector.broadcast %broadcast_in_dim3A_26 : vector<1x16xf32> to vector<4x16xf32>
    %broadcast_in_dim3A_28 = vector.broadcast %jit3A : f32 to vector<4x16xf32>
    %select_n3A = arith.select %eq3A_14, %broadcast_in_dim3A_27, %broadcast_in_dim3A_28 : vector<4x16xi1>, vector<4x16xf32>
    %reduce_max3A = arith.constant dense<0xFF800000> : vector<4xf32>
    %reduce_max3A_29 = vector.multi_reduction <maximumf>, %select_n3A, %reduce_max3A [1] : vector<4x16xf32> to vector<4xf32>
    %broadcast_in_dim3A_30 = vector.shape_cast %reduce_max3A_29 : vector<4xf32> to vector<4x1xf32>
    %lt3A = arith.constant -1.000000e+29 : f32
    %lt3A_31 = vector.broadcast %lt3A : f32 to vector<4x1xf32>
    %lt3A_32 = arith.cmpf olt, %broadcast_in_dim3A_30, %lt3A_31 : vector<4x1xf32>
    %jit3A_33 = arith.constant 0.000000e+00 : f32
    %broadcast_in_dim3A_34 = vector.broadcast %jit3A_33 : f32 to vector<4x1xf32>
    %select_n3A_35 = arith.select %lt3A_32, %broadcast_in_dim3A_34, %broadcast_in_dim3A_30 : vector<4x1xi1>, vector<4x1xf32>
    %jit3A_36 = arith.constant 0.000000e+00 : f32
    %broadcast_in_dim3A_37 = vector.shape_cast %select_n3A_35 : vector<4x1xf32> to vector<4x1xf32>
    %broadcast_in_dim3A_38 = vector.broadcast %broadcast_in_dim3A_37 : vector<4x1xf32> to vector<4x16xf32>
    %broadcast_in_dim3A_39 = vector.broadcast %jit3A_36 : f32 to vector<4x16xf32>
    %select_n3A_40 = arith.select %eq3A_14, %broadcast_in_dim3A_38, %broadcast_in_dim3A_39 : vector<4x16xi1>, vector<4x16xf32>
    %reduce_sum3A_41 = arith.constant dense<0.000000e+00> : vector<16xf32>
    %reduce_sum3A_42 = vector.multi_reduction <add>, %select_n3A_40, %reduce_sum3A_41 [0] : vector<4x16xf32> to vector<16xf32>
    %broadcast_in_dim3A_43 = vector.shape_cast %reduce_sum3A_42 : vector<16xf32> to vector<1x16xf32>
    %sub3A = arith.subf %mul3A_25, %broadcast_in_dim3A_43 : vector<1x16xf32>
    %exp3A = math.exp %sub3A : vector<1x16xf32>
    %jit3A_44 = arith.constant 0.000000e+00 : f32
    %broadcast_in_dim3A_45 = vector.shape_cast %exp3A : vector<1x16xf32> to vector<1x16xf32>
    %broadcast_in_dim3A_46 = vector.broadcast %broadcast_in_dim3A_45 : vector<1x16xf32> to vector<4x16xf32>
    %broadcast_in_dim3A_47 = vector.broadcast %jit3A_44 : f32 to vector<4x16xf32>
    %select_n3A_48 = arith.select %eq3A_14, %broadcast_in_dim3A_46, %broadcast_in_dim3A_47 : vector<4x16xi1>, vector<4x16xf32>
    %reduce_sum3A_49 = arith.constant dense<0.000000e+00> : vector<4xf32>
    %reduce_sum3A_50 = vector.multi_reduction <add>, %select_n3A_48, %reduce_sum3A_49 [1] : vector<4x16xf32> to vector<4xf32>
    %broadcast_in_dim3A_51 = vector.shape_cast %reduce_sum3A_50 : vector<4xf32> to vector<4x1xf32>
    %jit3A_52 = arith.constant 0.000000e+00 : f32
    %broadcast_in_dim3A_53 = vector.shape_cast %broadcast_in_dim3A_51 : vector<4x1xf32> to vector<4x1xf32>
    %broadcast_in_dim3A_54 = vector.broadcast %broadcast_in_dim3A_53 : vector<4x1xf32> to vector<4x16xf32>
    %broadcast_in_dim3A_55 = vector.broadcast %jit3A_52 : f32 to vector<4x16xf32>
    %select_n3A_56 = arith.select %eq3A_14, %broadcast_in_dim3A_54, %broadcast_in_dim3A_55 : vector<4x16xi1>, vector<4x16xf32>
    %reduce_sum3A_57 = arith.constant dense<0.000000e+00> : vector<16xf32>
    %reduce_sum3A_58 = vector.multi_reduction <add>, %select_n3A_56, %reduce_sum3A_57 [0] : vector<4x16xf32> to vector<16xf32>
    %broadcast_in_dim3A_59 = vector.shape_cast %reduce_sum3A_58 : vector<16xf32> to vector<1x16xf32>
    %add3A_60 = arith.constant 1.000000e-16 : f32
    %add3A_61 = vector.broadcast %add3A_60 : f32 to vector<1x16xf32>
    %add3A_62 = arith.addf %broadcast_in_dim3A_59, %add3A_61 : vector<1x16xf32>
    %div3A_63 = arith.divf %exp3A, %add3A_62 : vector<1x16xf32>
    %broadcast_in_dim3A_64 = arith.constant 0.000000e+00 : f32
    %broadcast_in_dim3A_65 = vector.broadcast %broadcast_in_dim3A_64 : f32 to vector<16x128xf32>
    %eq3A_66 = arith.constant 0 : i32
    %eq3A_67 = vector.broadcast %eq3A_66 : i32 to vector<16x1xi32>
    %eq3A_68 = arith.cmpi eq, %get3A_7, %eq3A_67 : vector<16x1xi32>
    %jit3A_69 = arith.constant 1.000000e+00 : f32
    %jit3A_70 = arith.constant 0.000000e+00 : f32
    %broadcast_in_dim3A_71 = vector.broadcast %jit3A_69 : f32 to vector<16x1xf32>
    %broadcast_in_dim3A_72 = vector.broadcast %jit3A_70 : f32 to vector<16x1xf32>
    %select_n3A_73 = arith.select %eq3A_68, %broadcast_in_dim3A_71, %broadcast_in_dim3A_72 : vector<16x1xi1>, vector<16x1xf32>
    %slice3A = vector.extract_strided_slice %div3A_21 {offsets = [0, 0], sizes = [1, 128], strides = [1, 1]} : vector<4x128xf32> to vector<1x128xf32>
    %mul3A_74 = vector.broadcast %select_n3A_73 : vector<16x1xf32> to vector<16x128xf32>
    %mul3A_75 = vector.broadcast %slice3A : vector<1x128xf32> to vector<16x128xf32>
    %mul3A_76 = arith.mulf %mul3A_74, %mul3A_75 : vector<16x128xf32>
    %add3A_77 = arith.addf %broadcast_in_dim3A_65, %mul3A_76 : vector<16x128xf32>
    %eq3A_78 = arith.constant 1 : i32
    %eq3A_79 = vector.broadcast %eq3A_78 : i32 to vector<16x1xi32>
    %eq3A_80 = arith.cmpi eq, %get3A_7, %eq3A_79 : vector<16x1xi32>
    %jit3A_81 = arith.constant 1.000000e+00 : f32
    %jit3A_82 = arith.constant 0.000000e+00 : f32
    %broadcast_in_dim3A_83 = vector.broadcast %jit3A_81 : f32 to vector<16x1xf32>
    %broadcast_in_dim3A_84 = vector.broadcast %jit3A_82 : f32 to vector<16x1xf32>
    %select_n3A_85 = arith.select %eq3A_80, %broadcast_in_dim3A_83, %broadcast_in_dim3A_84 : vector<16x1xi1>, vector<16x1xf32>
    %slice3A_86 = vector.extract_strided_slice %div3A_21 {offsets = [1, 0], sizes = [1, 128], strides = [1, 1]} : vector<4x128xf32> to vector<1x128xf32>
    %mul3A_87 = vector.broadcast %select_n3A_85 : vector<16x1xf32> to vector<16x128xf32>
    %mul3A_88 = vector.broadcast %slice3A_86 : vector<1x128xf32> to vector<16x128xf32>
    %mul3A_89 = arith.mulf %mul3A_87, %mul3A_88 : vector<16x128xf32>
    %add3A_90 = arith.addf %add3A_77, %mul3A_89 : vector<16x128xf32>
    %eq3A_91 = arith.constant 2 : i32
    %eq3A_92 = vector.broadcast %eq3A_91 : i32 to vector<16x1xi32>
    %eq3A_93 = arith.cmpi eq, %get3A_7, %eq3A_92 : vector<16x1xi32>
    %jit3A_94 = arith.constant 1.000000e+00 : f32
    %jit3A_95 = arith.constant 0.000000e+00 : f32
    %broadcast_in_dim3A_96 = vector.broadcast %jit3A_94 : f32 to vector<16x1xf32>
    %broadcast_in_dim3A_97 = vector.broadcast %jit3A_95 : f32 to vector<16x1xf32>
    %select_n3A_98 = arith.select %eq3A_93, %broadcast_in_dim3A_96, %broadcast_in_dim3A_97 : vector<16x1xi1>, vector<16x1xf32>
    %slice3A_99 = vector.extract_strided_slice %div3A_21 {offsets = [2, 0], sizes = [1, 128], strides = [1, 1]} : vector<4x128xf32> to vector<1x128xf32>
    %mul3A_100 = vector.broadcast %select_n3A_98 : vector<16x1xf32> to vector<16x128xf32>
    %mul3A_101 = vector.broadcast %slice3A_99 : vector<1x128xf32> to vector<16x128xf32>
    %mul3A_102 = arith.mulf %mul3A_100, %mul3A_101 : vector<16x128xf32>
    %add3A_103 = arith.addf %add3A_90, %mul3A_102 : vector<16x128xf32>
    %eq3A_104 = arith.constant 3 : i32
    %eq3A_105 = vector.broadcast %eq3A_104 : i32 to vector<16x1xi32>
    %eq3A_106 = arith.cmpi eq, %get3A_7, %eq3A_105 : vector<16x1xi32>
    %jit3A_107 = arith.constant 1.000000e+00 : f32
    %jit3A_108 = arith.constant 0.000000e+00 : f32
    %broadcast_in_dim3A_109 = vector.broadcast %jit3A_107 : f32 to vector<16x1xf32>
    %broadcast_in_dim3A_110 = vector.broadcast %jit3A_108 : f32 to vector<16x1xf32>
    %select_n3A_111 = arith.select %eq3A_106, %broadcast_in_dim3A_109, %broadcast_in_dim3A_110 : vector<16x1xi1>, vector<16x1xf32>
    %slice3A_112 = vector.extract_strided_slice %div3A_21 {offsets = [3, 0], sizes = [1, 128], strides = [1, 1]} : vector<4x128xf32> to vector<1x128xf32>
    %mul3A_113 = vector.broadcast %select_n3A_111 : vector<16x1xf32> to vector<16x128xf32>
    %mul3A_114 = vector.broadcast %slice3A_112 : vector<1x128xf32> to vector<16x128xf32>
    %mul3A_115 = arith.mulf %mul3A_113, %mul3A_114 : vector<16x128xf32>
    %add3A_116 = arith.addf %add3A_103, %mul3A_115 : vector<16x128xf32>
    %mul3A_117 = vector.broadcast %div3A_63 : vector<1x16xf32> to vector<4x16xf32>
    %mul3A_118 = arith.mulf %convert_element_type3A_17, %mul3A_117 : vector<4x16xf32>
    %dot_general3A = arith.constant dense<0.000000e+00> : vector<4x128xf32>
    %dot_general3A_119 = tpu.matmul %mul3A_118, %add3A_116, %dot_general3A {dimension_numbers = #tpu.dot_dimension_numbers<[1], [0], [0], [1], [0, 0, 1, 1], [], []>, precision = #tpu.contract_precision<fp32>, transpose_lhs_hint = false} : vector<4x16xf32>, vector<16x128xf32>, vector<4x128xf32> -> vector<4x128xf32>
    %get3A_120 = arith.constant 0 : index
    %get3A_121 = memref.load %arg6[%get3A_120] : memref<2xf32, #tpu.memory_space<smem>>
    %add3A_122 = arith.constant 1.000000e+00 : f32
    %add3A_123 = arith.addf %add3A_122, %get3A_121 : f32
    %mul3A_124 = vector.broadcast %add3A_123 : f32 to vector<4x128xf32>
    %mul3A_125 = arith.mulf %mul3A_124, %get3A_1 : vector<4x128xf32>
    %add3A_126 = arith.addf %mul3A_125, %dot_general3A_119 : vector<4x128xf32>
    %max3A = arith.constant 0.000000e+00 : f32
    %max3A_127 = vector.broadcast %max3A : f32 to vector<4x128xf32>
    %max3A_128 = arith.maximumf %add3A_126, %max3A_127 : vector<4x128xf32>
    %mul3A_129 = arith.mulf %max3A_128, %max3A_128 : vector<4x128xf32>
    %reduce_sum3A_130 = arith.constant dense<0.000000e+00> : vector<4xf32>
    %reduce_sum3A_131 = vector.multi_reduction <add>, %mul3A_129, %reduce_sum3A_130 [1] : vector<4x128xf32> to vector<4xf32>
    %broadcast_in_dim3A_132 = vector.shape_cast %reduce_sum3A_131 : vector<4xf32> to vector<4x1xf32>
    %sqrt3A_133 = math.sqrt %broadcast_in_dim3A_132 : vector<4x1xf32>
    %add3A_134 = arith.constant 9.99999996E-13 : f32
    %add3A_135 = vector.broadcast %add3A_134 : f32 to vector<4x1xf32>
    %add3A_136 = arith.addf %sqrt3A_133, %add3A_135 : vector<4x1xf32>
    %div3A_137 = vector.broadcast %add3A_136 : vector<4x1xf32> to vector<4x128xf32>
    %div3A_138 = arith.divf %max3A_128, %div3A_137 : vector<4x128xf32>
    %get3A_139 = arith.constant 1 : index
    %get3A_140 = memref.load %arg5[%get3A_139] : memref<2xf32, #tpu.memory_space<smem>>
    %mul3A_141 = vector.broadcast %get3A_140 : f32 to vector<1x16xf32>
    %mul3A_142 = arith.mulf %mul3A_141, %get3A_13 : vector<1x16xf32>
    %jit3A_143 = arith.constant -1.000000e+30 : f32
    %broadcast_in_dim3A_144 = vector.shape_cast %mul3A_142 : vector<1x16xf32> to vector<1x16xf32>
    %broadcast_in_dim3A_145 = vector.broadcast %broadcast_in_dim3A_144 : vector<1x16xf32> to vector<4x16xf32>
    %broadcast_in_dim3A_146 = vector.broadcast %jit3A_143 : f32 to vector<4x16xf32>
    %select_n3A_147 = arith.select %eq3A_14, %broadcast_in_dim3A_145, %broadcast_in_dim3A_146 : vector<4x16xi1>, vector<4x16xf32>
    %reduce_max3A_148 = arith.constant dense<0xFF800000> : vector<4xf32>
    %reduce_max3A_149 = vector.multi_reduction <maximumf>, %select_n3A_147, %reduce_max3A_148 [1] : vector<4x16xf32> to vector<4xf32>
    %broadcast_in_dim3A_150 = vector.shape_cast %reduce_max3A_149 : vector<4xf32> to vector<4x1xf32>
    %lt3A_151 = arith.constant -1.000000e+29 : f32
    %lt3A_152 = vector.broadcast %lt3A_151 : f32 to vector<4x1xf32>
    %lt3A_153 = arith.cmpf olt, %broadcast_in_dim3A_150, %lt3A_152 : vector<4x1xf32>
    %jit3A_154 = arith.constant 0.000000e+00 : f32
    %broadcast_in_dim3A_155 = vector.broadcast %jit3A_154 : f32 to vector<4x1xf32>
    %select_n3A_156 = arith.select %lt3A_153, %broadcast_in_dim3A_155, %broadcast_in_dim3A_150 : vector<4x1xi1>, vector<4x1xf32>
    %jit3A_157 = arith.constant 0.000000e+00 : f32
    %broadcast_in_dim3A_158 = vector.shape_cast %select_n3A_156 : vector<4x1xf32> to vector<4x1xf32>
    %broadcast_in_dim3A_159 = vector.broadcast %broadcast_in_dim3A_158 : vector<4x1xf32> to vector<4x16xf32>
    %broadcast_in_dim3A_160 = vector.broadcast %jit3A_157 : f32 to vector<4x16xf32>
    %select_n3A_161 = arith.select %eq3A_14, %broadcast_in_dim3A_159, %broadcast_in_dim3A_160 : vector<4x16xi1>, vector<4x16xf32>
    %reduce_sum3A_162 = arith.constant dense<0.000000e+00> : vector<16xf32>
    %reduce_sum3A_163 = vector.multi_reduction <add>, %select_n3A_161, %reduce_sum3A_162 [0] : vector<4x16xf32> to vector<16xf32>
    %broadcast_in_dim3A_164 = vector.shape_cast %reduce_sum3A_163 : vector<16xf32> to vector<1x16xf32>
    %sub3A_165 = arith.subf %mul3A_142, %broadcast_in_dim3A_164 : vector<1x16xf32>
    %exp3A_166 = math.exp %sub3A_165 : vector<1x16xf32>
    %jit3A_167 = arith.constant 0.000000e+00 : f32
    %broadcast_in_dim3A_168 = vector.shape_cast %exp3A_166 : vector<1x16xf32> to vector<1x16xf32>
    %broadcast_in_dim3A_169 = vector.broadcast %broadcast_in_dim3A_168 : vector<1x16xf32> to vector<4x16xf32>
    %broadcast_in_dim3A_170 = vector.broadcast %jit3A_167 : f32 to vector<4x16xf32>
    %select_n3A_171 = arith.select %eq3A_14, %broadcast_in_dim3A_169, %broadcast_in_dim3A_170 : vector<4x16xi1>, vector<4x16xf32>
    %reduce_sum3A_172 = arith.constant dense<0.000000e+00> : vector<4xf32>
    %reduce_sum3A_173 = vector.multi_reduction <add>, %select_n3A_171, %reduce_sum3A_172 [1] : vector<4x16xf32> to vector<4xf32>
    %broadcast_in_dim3A_174 = vector.shape_cast %reduce_sum3A_173 : vector<4xf32> to vector<4x1xf32>
    %jit3A_175 = arith.constant 0.000000e+00 : f32
    %broadcast_in_dim3A_176 = vector.shape_cast %broadcast_in_dim3A_174 : vector<4x1xf32> to vector<4x1xf32>
    %broadcast_in_dim3A_177 = vector.broadcast %broadcast_in_dim3A_176 : vector<4x1xf32> to vector<4x16xf32>
    %broadcast_in_dim3A_178 = vector.broadcast %jit3A_175 : f32 to vector<4x16xf32>
    %select_n3A_179 = arith.select %eq3A_14, %broadcast_in_dim3A_177, %broadcast_in_dim3A_178 : vector<4x16xi1>, vector<4x16xf32>
    %reduce_sum3A_180 = arith.constant dense<0.000000e+00> : vector<16xf32>
    %reduce_sum3A_181 = vector.multi_reduction <add>, %select_n3A_179, %reduce_sum3A_180 [0] : vector<4x16xf32> to vector<16xf32>
    %broadcast_in_dim3A_182 = vector.shape_cast %reduce_sum3A_181 : vector<16xf32> to vector<1x16xf32>
    %add3A_183 = arith.constant 1.000000e-16 : f32
    %add3A_184 = vector.broadcast %add3A_183 : f32 to vector<1x16xf32>
    %add3A_185 = arith.addf %broadcast_in_dim3A_182, %add3A_184 : vector<1x16xf32>
    %div3A_186 = arith.divf %exp3A_166, %add3A_185 : vector<1x16xf32>
    %broadcast_in_dim3A_187 = arith.constant 0.000000e+00 : f32
    %broadcast_in_dim3A_188 = vector.broadcast %broadcast_in_dim3A_187 : f32 to vector<16x128xf32>
    %eq3A_189 = arith.constant 0 : i32
    %eq3A_190 = vector.broadcast %eq3A_189 : i32 to vector<16x1xi32>
    %eq3A_191 = arith.cmpi eq, %get3A_7, %eq3A_190 : vector<16x1xi32>
    %jit3A_192 = arith.constant 1.000000e+00 : f32
    %jit3A_193 = arith.constant 0.000000e+00 : f32
    %broadcast_in_dim3A_194 = vector.broadcast %jit3A_192 : f32 to vector<16x1xf32>
    %broadcast_in_dim3A_195 = vector.broadcast %jit3A_193 : f32 to vector<16x1xf32>
    %select_n3A_196 = arith.select %eq3A_191, %broadcast_in_dim3A_194, %broadcast_in_dim3A_195 : vector<16x1xi1>, vector<16x1xf32>
    %slice3A_197 = vector.extract_strided_slice %div3A_138 {offsets = [0, 0], sizes = [1, 128], strides = [1, 1]} : vector<4x128xf32> to vector<1x128xf32>
    %mul3A_198 = vector.broadcast %select_n3A_196 : vector<16x1xf32> to vector<16x128xf32>
    %mul3A_199 = vector.broadcast %slice3A_197 : vector<1x128xf32> to vector<16x128xf32>
    %mul3A_200 = arith.mulf %mul3A_198, %mul3A_199 : vector<16x128xf32>
    %add3A_201 = arith.addf %broadcast_in_dim3A_188, %mul3A_200 : vector<16x128xf32>
    %eq3A_202 = arith.constant 1 : i32
    %eq3A_203 = vector.broadcast %eq3A_202 : i32 to vector<16x1xi32>
    %eq3A_204 = arith.cmpi eq, %get3A_7, %eq3A_203 : vector<16x1xi32>
    %jit3A_205 = arith.constant 1.000000e+00 : f32
    %jit3A_206 = arith.constant 0.000000e+00 : f32
    %broadcast_in_dim3A_207 = vector.broadcast %jit3A_205 : f32 to vector<16x1xf32>
    %broadcast_in_dim3A_208 = vector.broadcast %jit3A_206 : f32 to vector<16x1xf32>
    %select_n3A_209 = arith.select %eq3A_204, %broadcast_in_dim3A_207, %broadcast_in_dim3A_208 : vector<16x1xi1>, vector<16x1xf32>
    %slice3A_210 = vector.extract_strided_slice %div3A_138 {offsets = [1, 0], sizes = [1, 128], strides = [1, 1]} : vector<4x128xf32> to vector<1x128xf32>
    %mul3A_211 = vector.broadcast %select_n3A_209 : vector<16x1xf32> to vector<16x128xf32>
    %mul3A_212 = vector.broadcast %slice3A_210 : vector<1x128xf32> to vector<16x128xf32>
    %mul3A_213 = arith.mulf %mul3A_211, %mul3A_212 : vector<16x128xf32>
    %add3A_214 = arith.addf %add3A_201, %mul3A_213 : vector<16x128xf32>
    %eq3A_215 = arith.constant 2 : i32
    %eq3A_216 = vector.broadcast %eq3A_215 : i32 to vector<16x1xi32>
    %eq3A_217 = arith.cmpi eq, %get3A_7, %eq3A_216 : vector<16x1xi32>
    %jit3A_218 = arith.constant 1.000000e+00 : f32
    %jit3A_219 = arith.constant 0.000000e+00 : f32
    %broadcast_in_dim3A_220 = vector.broadcast %jit3A_218 : f32 to vector<16x1xf32>
    %broadcast_in_dim3A_221 = vector.broadcast %jit3A_219 : f32 to vector<16x1xf32>
    %select_n3A_222 = arith.select %eq3A_217, %broadcast_in_dim3A_220, %broadcast_in_dim3A_221 : vector<16x1xi1>, vector<16x1xf32>
    %slice3A_223 = vector.extract_strided_slice %div3A_138 {offsets = [2, 0], sizes = [1, 128], strides = [1, 1]} : vector<4x128xf32> to vector<1x128xf32>
    %mul3A_224 = vector.broadcast %select_n3A_222 : vector<16x1xf32> to vector<16x128xf32>
    %mul3A_225 = vector.broadcast %slice3A_223 : vector<1x128xf32> to vector<16x128xf32>
    %mul3A_226 = arith.mulf %mul3A_224, %mul3A_225 : vector<16x128xf32>
    %add3A_227 = arith.addf %add3A_214, %mul3A_226 : vector<16x128xf32>
    %eq3A_228 = arith.constant 3 : i32
    %eq3A_229 = vector.broadcast %eq3A_228 : i32 to vector<16x1xi32>
    %eq3A_230 = arith.cmpi eq, %get3A_7, %eq3A_229 : vector<16x1xi32>
    %jit3A_231 = arith.constant 1.000000e+00 : f32
    %jit3A_232 = arith.constant 0.000000e+00 : f32
    %broadcast_in_dim3A_233 = vector.broadcast %jit3A_231 : f32 to vector<16x1xf32>
    %broadcast_in_dim3A_234 = vector.broadcast %jit3A_232 : f32 to vector<16x1xf32>
    %select_n3A_235 = arith.select %eq3A_230, %broadcast_in_dim3A_233, %broadcast_in_dim3A_234 : vector<16x1xi1>, vector<16x1xf32>
    %slice3A_236 = vector.extract_strided_slice %div3A_138 {offsets = [3, 0], sizes = [1, 128], strides = [1, 1]} : vector<4x128xf32> to vector<1x128xf32>
    %mul3A_237 = vector.broadcast %select_n3A_235 : vector<16x1xf32> to vector<16x128xf32>
    %mul3A_238 = vector.broadcast %slice3A_236 : vector<1x128xf32> to vector<16x128xf32>
    %mul3A_239 = arith.mulf %mul3A_237, %mul3A_238 : vector<16x128xf32>
    %add3A_240 = arith.addf %add3A_227, %mul3A_239 : vector<16x128xf32>
    %mul3A_241 = vector.broadcast %div3A_186 : vector<1x16xf32> to vector<4x16xf32>
    %mul3A_242 = arith.mulf %convert_element_type3A_17, %mul3A_241 : vector<4x16xf32>
    %dot_general3A_243 = arith.constant dense<0.000000e+00> : vector<4x128xf32>
    %dot_general3A_244 = tpu.matmul %mul3A_242, %add3A_240, %dot_general3A_243 {dimension_numbers = #tpu.dot_dimension_numbers<[1], [0], [0], [1], [0, 0, 1, 1], [], []>, precision = #tpu.contract_precision<fp32>, transpose_lhs_hint = false} : vector<4x16xf32>, vector<16x128xf32>, vector<4x128xf32> -> vector<4x128xf32>
    %get3A_245 = arith.constant 1 : index
    %get3A_246 = memref.load %arg6[%get3A_245] : memref<2xf32, #tpu.memory_space<smem>>
    %add3A_247 = arith.constant 1.000000e+00 : f32
    %add3A_248 = arith.addf %add3A_247, %get3A_246 : f32
    %mul3A_249 = vector.broadcast %add3A_248 : f32 to vector<4x128xf32>
    %mul3A_250 = arith.mulf %mul3A_249, %max3A_128 : vector<4x128xf32>
    %add3A_251 = arith.addf %mul3A_250, %dot_general3A_244 : vector<4x128xf32>
    %max3A_252 = arith.constant 0.000000e+00 : f32
    %max3A_253 = vector.broadcast %max3A_252 : f32 to vector<4x128xf32>
    %max3A_254 = arith.maximumf %add3A_251, %max3A_253 : vector<4x128xf32>
    %slice3A_255 = vector.extract_strided_slice %max3A_254 {offsets = [0, 0], sizes = [1, 128], strides = [1, 1]} : vector<4x128xf32> to vector<1x128xf32>
    %get3A_256 = arith.constant 0 : index
    %get3A_257 = arith.constant 0 : index
    %get3A_258 = vector.load %arg7[%get3A_256, %get3A_257] : memref<128x128xf32, #tpu.memory_space<vmem>>, vector<128x128xf32>
    %dot_general3A_259 = arith.constant dense<0.000000e+00> : vector<1x128xf32>
    %dot_general3A_260 = tpu.matmul %slice3A_255, %get3A_258, %dot_general3A_259 {dimension_numbers = #tpu.dot_dimension_numbers<[1], [0], [0], [1], [0, 0, 1, 1], [], []>, precision = #tpu.contract_precision<fp32>, transpose_lhs_hint = false} : vector<1x128xf32>, vector<128x128xf32>, vector<1x128xf32> -> vector<1x128xf32>
    %get3A_261 = arith.constant 0 : index
    %get3A_262 = arith.constant 0 : index
    %get3A_263 = vector.load %arg8[%get3A_261, %get3A_262] : memref<1x128xf32, #tpu.memory_space<vmem>>, vector<1x128xf32>
    %add3A_264 = arith.addf %dot_general3A_260, %get3A_263 : vector<1x128xf32>
    %swap3A = arith.constant 0 : index
    %swap3A_265 = arith.constant 0 : index
    %swap3A_266 = vector.load %arg9[%swap3A, %swap3A_265] : memref<1x128xf32, #tpu.memory_space<vmem>>, vector<1x128xf32>
    tpu.vector_store %arg9[%swap3A, %swap3A_265], %add3A_264 {strides = array<i32>} : memref<1x128xf32, #tpu.memory_space<vmem>>, vector<1x128xf32>,
    return
  }
}

module attributes {stable_mosaic.version = 14 : i64} {
  func.func @_layer_body(%arg0: i32, %arg1: memref<2x1000x64xf32, #tpu.memory_space<vmem>>, %arg2: memref<2x2x1000x64xf32, #tpu.memory_space<vmem>>, %arg3: memref<1x128xf32, #tpu.memory_space<vmem>>, %arg4: memref<128x128xf32, #tpu.memory_space<vmem>>, %arg5: memref<2x1000x64xf32, #tpu.memory_space<vmem>>) attributes {dimension_semantics = [#tpu.dimension_semantics<arbitrary>], iteration_bounds = array<i64: 10>, scalar_prefetch = 0 : i64, scratch_operands = 0 : i64, tpu.core_type = #tpu.core_type<tc>, window_params = [{transform_indices = @transform_0, window_bounds = array<i64: 2, 1000, 64>}, {transform_indices = @transform_1, window_bounds = array<i64: 2, 2, 1000, 64>}, {pipeline_mode = #tpu.pipeline_mode<synchronous>, transform_indices = @transform_2, window_bounds = array<i64: 1, 128>}, {pipeline_mode = #tpu.pipeline_mode<synchronous>, transform_indices = @transform_3, window_bounds = array<i64: 128, 128>}, {transform_indices = @transform_4, window_bounds = array<i64: 2, 1000, 64>}]} {
    %get3A = arith.constant 0 : index
    %get3A_0 = arith.constant 0 : index
    %get3A_1 = arith.constant 0 : index
    %get3A_2 = vector.load %arg1[%get3A, %get3A_0, %get3A_1] : memref<2x1000x64xf32, #tpu.memory_space<vmem>>, vector<1x1000x64xf32>
    %get3A_3 = vector.shape_cast %get3A_2 : vector<1x1000x64xf32> to vector<1000x64xf32>
    %get3A_4 = arith.constant 1 : index
    %get3A_5 = arith.constant 0 : index
    %get3A_6 = arith.constant 0 : index
    %get3A_7 = vector.load %arg1[%get3A_4, %get3A_5, %get3A_6] : memref<2x1000x64xf32, #tpu.memory_space<vmem>>, vector<1x1000x64xf32>
    %get3A_8 = vector.shape_cast %get3A_7 : vector<1x1000x64xf32> to vector<1000x64xf32>
    %concatenate3A = tpu.concatenate %get3A_3, %get3A_8 in 1 : vector<1000x64xf32>, vector<1000x64xf32> -> vector<1000x128xf32>
    %get3A_9 = arith.constant 0 : index
    %get3A_10 = arith.constant 0 : index
    %get3A_11 = arith.constant 0 : index
    %get3A_12 = arith.constant 0 : index
    %get3A_13 = vector.load %arg2[%get3A_9, %get3A_10, %get3A_11, %get3A_12] : memref<2x2x1000x64xf32, #tpu.memory_space<vmem>>, vector<1x1x1000x64xf32>
    %get3A_14 = vector.shape_cast %get3A_13 : vector<1x1x1000x64xf32> to vector<1000x64xf32>
    %get3A_15 = arith.constant 0 : index
    %get3A_16 = arith.constant 1 : index
    %get3A_17 = arith.constant 0 : index
    %get3A_18 = arith.constant 0 : index
    %get3A_19 = vector.load %arg2[%get3A_15, %get3A_16, %get3A_17, %get3A_18] : memref<2x2x1000x64xf32, #tpu.memory_space<vmem>>, vector<1x1x1000x64xf32>
    %get3A_20 = vector.shape_cast %get3A_19 : vector<1x1x1000x64xf32> to vector<1000x64xf32>
    %add3A = arith.addf %get3A_14, %get3A_20 : vector<1000x64xf32>
    %get3A_21 = arith.constant 1 : index
    %get3A_22 = arith.constant 0 : index
    %get3A_23 = arith.constant 0 : index
    %get3A_24 = arith.constant 0 : index
    %get3A_25 = vector.load %arg2[%get3A_21, %get3A_22, %get3A_23, %get3A_24] : memref<2x2x1000x64xf32, #tpu.memory_space<vmem>>, vector<1x1x1000x64xf32>
    %get3A_26 = vector.shape_cast %get3A_25 : vector<1x1x1000x64xf32> to vector<1000x64xf32>
    %get3A_27 = arith.constant 1 : index
    %get3A_28 = arith.constant 1 : index
    %get3A_29 = arith.constant 0 : index
    %get3A_30 = arith.constant 0 : index
    %get3A_31 = vector.load %arg2[%get3A_27, %get3A_28, %get3A_29, %get3A_30] : memref<2x2x1000x64xf32, #tpu.memory_space<vmem>>, vector<1x1x1000x64xf32>
    %get3A_32 = vector.shape_cast %get3A_31 : vector<1x1x1000x64xf32> to vector<1000x64xf32>
    %add3A_33 = arith.addf %get3A_26, %get3A_32 : vector<1000x64xf32>
    %concatenate3A_34 = tpu.concatenate %add3A, %add3A_33 in 1 : vector<1000x64xf32>, vector<1000x64xf32> -> vector<1000x128xf32>
    %get3A_35 = arith.constant 0 : index
    %get3A_36 = arith.constant 0 : index
    %get3A_37 = vector.load %arg3[%get3A_35, %get3A_36] : memref<1x128xf32, #tpu.memory_space<vmem>>, vector<1x128xf32>
    %mul3A = vector.broadcast %get3A_37 : vector<1x128xf32> to vector<1000x128xf32>
    %mul3A_38 = arith.mulf %concatenate3A_34, %mul3A : vector<1000x128xf32>
    %add3A_39 = arith.addf %mul3A_38, %concatenate3A : vector<1000x128xf32>
    %get3A_40 = arith.constant 0 : index
    %get3A_41 = arith.constant 0 : index
    %get3A_42 = vector.load %arg4[%get3A_40, %get3A_41] : memref<128x128xf32, #tpu.memory_space<vmem>>, vector<128x128xf32>
    %dot_general3A = arith.constant dense<0.000000e+00> : vector<1000x128xf32>
    %dot_general3A_43 = tpu.matmul %add3A_39, %get3A_42, %dot_general3A {dimension_numbers = #tpu.dot_dimension_numbers<[1], [0], [0], [1], [0, 0, 1, 1], [], []>, transpose_lhs_hint = false} : vector<1000x128xf32>, vector<128x128xf32>, vector<1000x128xf32> -> vector<1000x128xf32>
    %tanh3A = math.tanh %dot_general3A_43 : vector<1000x128xf32>
    %slice3A = vector.extract_strided_slice %tanh3A {offsets = [0, 0], sizes = [1000, 64], strides = [1, 1]} : vector<1000x128xf32> to vector<1000x64xf32>
    %swap3A = arith.constant 0 : index
    %swap3A_44 = arith.constant 0 : index
    %swap3A_45 = arith.constant 0 : index
    %swap3A_46 = vector.load %arg5[%swap3A, %swap3A_44, %swap3A_45] : memref<2x1000x64xf32, #tpu.memory_space<vmem>>, vector<1x1000x64xf32>
    %swap3A_47 = vector.shape_cast %swap3A_46 : vector<1x1000x64xf32> to vector<1000x64xf32>
    %swap3A_48 = vector.shape_cast %slice3A : vector<1000x64xf32> to vector<1x1000x64xf32>
    tpu.vector_store %arg5[%swap3A, %swap3A_44, %swap3A_45], %swap3A_48 {strides = array<i32>} : memref<2x1000x64xf32, #tpu.memory_space<vmem>>, vector<1x1000x64xf32>,
    %slice3A_49 = vector.extract_strided_slice %tanh3A {offsets = [0, 64], sizes = [1000, 64], strides = [1, 1]} : vector<1000x128xf32> to vector<1000x64xf32>
    %swap3A_50 = arith.constant 1 : index
    %swap3A_51 = arith.constant 0 : index
    %swap3A_52 = arith.constant 0 : index
    %swap3A_53 = vector.load %arg5[%swap3A_50, %swap3A_51, %swap3A_52] : memref<2x1000x64xf32, #tpu.memory_space<vmem>>, vector<1x1000x64xf32>
    %swap3A_54 = vector.shape_cast %swap3A_53 : vector<1x1000x64xf32> to vector<1000x64xf32>
    %swap3A_55 = vector.shape_cast %slice3A_49 : vector<1000x64xf32> to vector<1x1000x64xf32>
    tpu.vector_store %arg5[%swap3A_50, %swap3A_51, %swap3A_52], %swap3A_55 {strides = array<i32>} : memref<2x1000x64xf32, #tpu.memory_space<vmem>>, vector<1x1000x64xf32>,
    return
  }
  func.func @transform_0(%arg0: i32) -> (i32, i32, i32) {
    %c0_i32 = arith.constant 0 : i32
    %c0_i32_0 = arith.constant 0 : i32
    %c0_i32_1 = arith.constant 0 : i32
    return %c0_i32, %arg0, %c0_i32_0 : i32, i32, i32
  }
  func.func @transform_1(%arg0: i32) -> (i32, i32, i32, i32) {
    %c0_i32 = arith.constant 0 : i32
    %c0_i32_0 = arith.constant 0 : i32
    %c0_i32_1 = arith.constant 0 : i32
    %c0_i32_2 = arith.constant 0 : i32
    return %c0_i32, %c0_i32_0, %arg0, %c0_i32_1 : i32, i32, i32, i32
  }
  func.func @transform_2(%arg0: i32) -> (i32, i32) {
    %c0_i32 = arith.constant 0 : i32
    %c0_i32_0 = arith.constant 0 : i32
    %c0_i32_1 = arith.constant 0 : i32
    return %c0_i32, %c0_i32_0 : i32, i32
  }
  func.func @transform_3(%arg0: i32) -> (i32, i32) {
    %c0_i32 = arith.constant 0 : i32
    %c0_i32_0 = arith.constant 0 : i32
    %c0_i32_1 = arith.constant 0 : i32
    return %c0_i32, %c0_i32_0 : i32, i32
  }
  func.func @transform_4(%arg0: i32) -> (i32, i32, i32) {
    %c0_i32 = arith.constant 0 : i32
    %c0_i32_0 = arith.constant 0 : i32
    %c0_i32_1 = arith.constant 0 : i32
    return %c0_i32, %arg0, %c0_i32_0 : i32, i32, i32
  }
}

module attributes {stable_mosaic.version = 14 : i64} {
  func.func @_layer2_body(%arg0: i32, %arg1: memref<2x1000x64xf32, #tpu.memory_space<vmem>>, %arg2: memref<2x2x1000x64xf32, #tpu.memory_space<vmem>>, %arg3: memref<1x128xf32, #tpu.memory_space<vmem>>, %arg4: memref<128x128xf32, #tpu.memory_space<vmem>>, %arg5: memref<128x128xf32, #tpu.memory_space<vmem>>, %arg6: memref<1000x128xf32, #tpu.memory_space<vmem>>) attributes {dimension_semantics = [#tpu.dimension_semantics<arbitrary>], iteration_bounds = array<i64: 10>, scalar_prefetch = 0 : i64, scratch_operands = 0 : i64, tpu.core_type = #tpu.core_type<tc>, window_params = [{transform_indices = @transform_0, window_bounds = array<i64: 2, 1000, 64>}, {transform_indices = @transform_1, window_bounds = array<i64: 2, 2, 1000, 64>}, {pipeline_mode = #tpu.pipeline_mode<synchronous>, transform_indices = @transform_2, window_bounds = array<i64: 1, 128>}, {pipeline_mode = #tpu.pipeline_mode<synchronous>, transform_indices = @transform_3, window_bounds = array<i64: 128, 128>}, {pipeline_mode = #tpu.pipeline_mode<synchronous>, transform_indices = @transform_4, window_bounds = array<i64: 128, 128>}, {transform_indices = @transform_5, window_bounds = array<i64: 1000, 128>}]} {
    %get3A = arith.constant 0 : index
    %get3A_0 = arith.constant 0 : index
    %get3A_1 = arith.constant 0 : index
    %get3A_2 = vector.load %arg1[%get3A, %get3A_0, %get3A_1] : memref<2x1000x64xf32, #tpu.memory_space<vmem>>, vector<1x1000x64xf32>
    %get3A_3 = vector.shape_cast %get3A_2 : vector<1x1000x64xf32> to vector<1000x64xf32>
    %get3A_4 = arith.constant 1 : index
    %get3A_5 = arith.constant 0 : index
    %get3A_6 = arith.constant 0 : index
    %get3A_7 = vector.load %arg1[%get3A_4, %get3A_5, %get3A_6] : memref<2x1000x64xf32, #tpu.memory_space<vmem>>, vector<1x1000x64xf32>
    %get3A_8 = vector.shape_cast %get3A_7 : vector<1x1000x64xf32> to vector<1000x64xf32>
    %concatenate3A = tpu.concatenate %get3A_3, %get3A_8 in 1 : vector<1000x64xf32>, vector<1000x64xf32> -> vector<1000x128xf32>
    %get3A_9 = arith.constant 0 : index
    %get3A_10 = arith.constant 0 : index
    %get3A_11 = arith.constant 0 : index
    %get3A_12 = arith.constant 0 : index
    %get3A_13 = vector.load %arg2[%get3A_9, %get3A_10, %get3A_11, %get3A_12] : memref<2x2x1000x64xf32, #tpu.memory_space<vmem>>, vector<1x1x1000x64xf32>
    %get3A_14 = vector.shape_cast %get3A_13 : vector<1x1x1000x64xf32> to vector<1000x64xf32>
    %get3A_15 = arith.constant 0 : index
    %get3A_16 = arith.constant 1 : index
    %get3A_17 = arith.constant 0 : index
    %get3A_18 = arith.constant 0 : index
    %get3A_19 = vector.load %arg2[%get3A_15, %get3A_16, %get3A_17, %get3A_18] : memref<2x2x1000x64xf32, #tpu.memory_space<vmem>>, vector<1x1x1000x64xf32>
    %get3A_20 = vector.shape_cast %get3A_19 : vector<1x1x1000x64xf32> to vector<1000x64xf32>
    %add3A = arith.addf %get3A_14, %get3A_20 : vector<1000x64xf32>
    %get3A_21 = arith.constant 1 : index
    %get3A_22 = arith.constant 0 : index
    %get3A_23 = arith.constant 0 : index
    %get3A_24 = arith.constant 0 : index
    %get3A_25 = vector.load %arg2[%get3A_21, %get3A_22, %get3A_23, %get3A_24] : memref<2x2x1000x64xf32, #tpu.memory_space<vmem>>, vector<1x1x1000x64xf32>
    %get3A_26 = vector.shape_cast %get3A_25 : vector<1x1x1000x64xf32> to vector<1000x64xf32>
    %get3A_27 = arith.constant 1 : index
    %get3A_28 = arith.constant 1 : index
    %get3A_29 = arith.constant 0 : index
    %get3A_30 = arith.constant 0 : index
    %get3A_31 = vector.load %arg2[%get3A_27, %get3A_28, %get3A_29, %get3A_30] : memref<2x2x1000x64xf32, #tpu.memory_space<vmem>>, vector<1x1x1000x64xf32>
    %get3A_32 = vector.shape_cast %get3A_31 : vector<1x1x1000x64xf32> to vector<1000x64xf32>
    %add3A_33 = arith.addf %get3A_26, %get3A_32 : vector<1000x64xf32>
    %concatenate3A_34 = tpu.concatenate %add3A, %add3A_33 in 1 : vector<1000x64xf32>, vector<1000x64xf32> -> vector<1000x128xf32>
    %get3A_35 = arith.constant 0 : index
    %get3A_36 = arith.constant 0 : index
    %get3A_37 = vector.load %arg3[%get3A_35, %get3A_36] : memref<1x128xf32, #tpu.memory_space<vmem>>, vector<1x128xf32>
    %mul3A = vector.broadcast %get3A_37 : vector<1x128xf32> to vector<1000x128xf32>
    %mul3A_38 = arith.mulf %concatenate3A_34, %mul3A : vector<1000x128xf32>
    %add3A_39 = arith.addf %mul3A_38, %concatenate3A : vector<1000x128xf32>
    %get3A_40 = arith.constant 0 : index
    %get3A_41 = arith.constant 0 : index
    %get3A_42 = vector.load %arg4[%get3A_40, %get3A_41] : memref<128x128xf32, #tpu.memory_space<vmem>>, vector<128x128xf32>
    %dot_general3A = arith.constant dense<0.000000e+00> : vector<1000x128xf32>
    %dot_general3A_43 = tpu.matmul %add3A_39, %get3A_42, %dot_general3A {dimension_numbers = #tpu.dot_dimension_numbers<[1], [0], [0], [1], [0, 0, 1, 1], [], []>, transpose_lhs_hint = false} : vector<1000x128xf32>, vector<128x128xf32>, vector<1000x128xf32> -> vector<1000x128xf32>
    %tanh3A = math.tanh %dot_general3A_43 : vector<1000x128xf32>
    %get3A_44 = arith.constant 0 : index
    %get3A_45 = arith.constant 0 : index
    %get3A_46 = vector.load %arg5[%get3A_44, %get3A_45] : memref<128x128xf32, #tpu.memory_space<vmem>>, vector<128x128xf32>
    %dot_general3A_47 = arith.constant dense<0.000000e+00> : vector<1000x128xf32>
    %dot_general3A_48 = tpu.matmul %tanh3A, %get3A_46, %dot_general3A_47 {dimension_numbers = #tpu.dot_dimension_numbers<[1], [0], [0], [1], [0, 0, 1, 1], [], []>, transpose_lhs_hint = false} : vector<1000x128xf32>, vector<128x128xf32>, vector<1000x128xf32> -> vector<1000x128xf32>
    %swap3A = arith.constant 0 : index
    %swap3A_49 = arith.constant 0 : index
    %swap3A_50 = vector.load %arg6[%swap3A, %swap3A_49] : memref<1000x128xf32, #tpu.memory_space<vmem>>, vector<1000x128xf32>
    tpu.vector_store %arg6[%swap3A, %swap3A_49], %dot_general3A_48 {strides = array<i32>} : memref<1000x128xf32, #tpu.memory_space<vmem>>, vector<1000x128xf32>,
    return
  }
  func.func @transform_0(%arg0: i32) -> (i32, i32, i32) {
    %c0_i32 = arith.constant 0 : i32
    %c0_i32_0 = arith.constant 0 : i32
    %c0_i32_1 = arith.constant 0 : i32
    return %c0_i32, %arg0, %c0_i32_0 : i32, i32, i32
  }
  func.func @transform_1(%arg0: i32) -> (i32, i32, i32, i32) {
    %c0_i32 = arith.constant 0 : i32
    %c0_i32_0 = arith.constant 0 : i32
    %c0_i32_1 = arith.constant 0 : i32
    %c0_i32_2 = arith.constant 0 : i32
    return %c0_i32, %c0_i32_0, %arg0, %c0_i32_1 : i32, i32, i32, i32
  }
  func.func @transform_2(%arg0: i32) -> (i32, i32) {
    %c0_i32 = arith.constant 0 : i32
    %c0_i32_0 = arith.constant 0 : i32
    %c0_i32_1 = arith.constant 0 : i32
    return %c0_i32, %c0_i32_0 : i32, i32
  }
  func.func @transform_3(%arg0: i32) -> (i32, i32) {
    %c0_i32 = arith.constant 0 : i32
    %c0_i32_0 = arith.constant 0 : i32
    %c0_i32_1 = arith.constant 0 : i32
    return %c0_i32, %c0_i32_0 : i32, i32
  }
  func.func @transform_4(%arg0: i32) -> (i32, i32) {
    %c0_i32 = arith.constant 0 : i32
    %c0_i32_0 = arith.constant 0 : i32
    %c0_i32_1 = arith.constant 0 : i32
    return %c0_i32, %c0_i32_0 : i32, i32
  }
  func.func @transform_5(%arg0: i32) -> (i32, i32) {
    %c0_i32 = arith.constant 0 : i32
    %c0_i32_0 = arith.constant 0 : i32
    return %arg0, %c0_i32 : i32, i32
  }
}

</mosaic_0001>

<sc_bundles>
// kernel: kernel.10.cloned.1.call-start
scs
__scs_entry_jumppad:
0x0: {  	(pc) =	sbr.rel $0x88, $3  }
0x1: {  	(tag) =	ssettag $0x0;
	lr =	simm.s32 $0x1  }
0x2: {  	[smem:$0x3F96] =	sst lr;
	_ =	strace $0xD0000000  }
0x3: {  	_ = 	snop  }
0x4: {  	_ = 	snop  }
0x5: {  	_ = 	snop  }
0x6: {  	_ = 	snop  }
0x7: {  	_ = 	snop  }
__scs_overlays_trampoline_lowered:
0x8: {  	[smem:$0x3FA5] =	sst s0  }
0x9: {  	[smem:$0x3FA6] =	sst s1  }
0xa: {  	[smem:$0x3FA7] =	sst s2  }
0xb: {  	[smem:$0x3FA8] =	sst s3  }
0xc: {  	[smem:$0x3FA9] =	sst s4  }
0xd: {  	[smem:$0x3FAA] =	sst s5  }
0xe: {  	[smem:$0x3FAB] =	sst s6  }
0xf: {  	[smem:$0x3FAC] =	sst s7  }
0x10: {  	[smem:$0x3FAD] =	sst s8  }
0x11: {  	[smem:$0x3FAE] =	sst s9;
	s0 =	simm.s32 @!p0 $0x0  }
0x12: {  	s1 =	sld [smem:$0x3F94];
	s0 =	simm.s32 @p0 $0x1  }
0x13: {  	[smem:$0x3FAF] =	sst s0;
	s0 =	simm.s32 @!p1 $0x0  }
0x14: {  	s2 =	sld [smem:$0x3F93];
	s0 =	simm.s32 @p1 $0x1  }
0x15: {  	[smem:$0x3FB0] =	sst s0;
	s0 =	simm.s32 @!p2 $0x0  }
0x16: {  	s3 =	sld [smem:$0x3FDB];
	s0 =	simm.s32 @p2 $0x1  }
0x17: {  	s4 =	simm.s32 $0x1BF5;
	[smem:$0x3FB2] =	sst s0  }
0x18: {  	s0 =	sld [smem:$0x3F95];
	_ =	swait.ge [sflag:s4], $0x0  }
0x19: {  	s7 =	sld [smem:$0x3F96]  }
0x1a: {  	s8 =	sadd.s32 $0xFFFFE003, lr  }
0x1b: {  	s9 =	sadd.s32 $0xFFFFFEF7, lr;
	s5 =	simm.s32 $0xFFFFFFFF;
	p2 =	slt.u32 s8, $0xFFFFF086  }
0x1c: {  	p1 =	slt.u32 s9, $0xF7A;
	s5 =	simm.s32 @!p2 $0x0  }
0x1d: {  	s5 =	simm.s32 @p1 $0x1;
	p0 =	seq.s32 s7, s2  }
0x1e: {  	s7 =	smul.u32 @!p0 $0xF7A, s2;
	p2 =	seq.s32 @!p0 s5, $0x0  }
0x1f: {  	s9 =	smul.u32 $0xF7A, s1;
	s8 =	simm.s32 @!p0 $0x1BF5;
	p2 =	por !p2, p0  }
0x20: {  	[sflag:s8] =	ssyncset.s32 @!p0 $0xFFFFF086;
	s6 =	sadd.s32 @!p0 s3, s7;
	s7 =	simm.s32 @!p0 $0x108  }
0x21: {  	s3 =	sadd.s32 s3, s9;
	s6 =	sadd.s32 @!p0 $0x88, s6;
	s7 =	simm.s32 @p2 $0x1082  }
0x22: {  	[simem:s7], [sflag:s8] =	dma.local @!p0 [hbm:s6], $0xF7A  }
0x23: {  	s9 =	sor.u32 $0xD0000000, s2;
	s6 =	simm.s32 $0x108;
	_ =	swait.ge @!p0 [sflag:s8], $0x0  }
0x24: {  	s3 =	sadd.s32 $0x88, s3;
	s6 =	simm.s32 @!p1 $0x1082;
	[sflag:s4] =	ssyncset.s32 $0xFFFFF086  }
0x25: {  	[simem:s6], [sflag:s4] =	dma.local [hbm:s3], $0xF7A  }
0x26: {  	[smem:$0x3F96] =	sst s1;
	(tag) =	ssettag s2;
	_ =	strace s9  }
0x27: {  	s1 =	sld [smem:$0x3FA6]  }
0x28: {  	s2 =	sld [smem:$0x3FA7]  }
0x29: {  	s4 =	sld [smem:$0x3FA9]  }
0x2a: {  	p0 =	seq.s32 s5, $0x0;
	s5 =	sld [smem:$0x3FAA]  }
0x2b: {  	s6 =	sld [smem:$0x3FAB]  }
0x2c: {  	s7 =	sld [smem:$0x3FAC]  }
0x2d: {  	s3 =	simm.s32 $0x108;
	s8 =	sld [smem:$0x3FAD]  }
0x2e: {  	s3 =	simm.s32 @!p0 $0x1082;
	s9 =	sld [smem:$0x3FAE]  }
0x2f: {  	lr =	sadd.s32 s0, s3;
	s0 =	sld [smem:$0x3FA5]  }
0x30: {  	s3 =	sld [smem:$0x3FA8]  }
0x31: {  	[smem:$0x3FB1] =	sst s10  }
0x32: {  	s10 =	sld [smem:$0x3FAF];
	_ =	sdelay $0x3  }
0x33: {  	p0 =	seq.s32 s10, $0x1;
	s10 =	sld [smem:$0x3FB1];
	_ =	sdelay $0x3  }
0x34: {  	[smem:$0x3FB1] =	sst s10  }
0x35: {  	s10 =	sld [smem:$0x3FB0];
	_ =	sdelay $0x3  }
0x36: {  	p1 =	seq.s32 s10, $0x1;
	s10 =	sld [smem:$0x3FB1];
	_ =	sdelay $0x3  }
0x37: {  	[smem:$0x3FB1] =	sst s10  }
0x38: {  	s10 =	sld [smem:$0x3FB2]  }
0x39: {  	_ = 	snop;
	(pc) =	sbr.ind lr, $3  }
0x3a: {  	_ = 	snop  }
0x3b: {  	_ = 	snop  }
0x3c: {  	p2 =	seq.s32 s10, $0x1;
	s10 =	sld [smem:$0x3FB1]  }
0x3d: {  	_ =	shalt  }
0x3e: {  	_ =	shalt  }
0x3f: {  	_ =	shalt  }
0x40: {  	_ =	shalt  }
0x41: {  	_ =	shalt  }
0x42: {  	_ =	shalt  }
0x43: {  	_ =	shalt  }
0x44: {  	_ =	shalt  }
0x45: {  	_ =	shalt  }
0x46: {  	_ =	shalt  }
0x47: {  	_ =	shalt  }
0x48: {  	_ =	shalt  }
0x49: {  	_ =	shalt  }
0x4a: {  	_ =	shalt  }
0x4b: {  	_ =	shalt  }
0x4c: {  	_ =	shalt  }
0x4d: {  	_ =	shalt  }
0x4e: {  	_ =	shalt  }
0x4f: {  	_ =	shalt  }
0x50: {  	_ =	shalt  }
0x51: {  	_ =	shalt  }
0x52: {  	_ =	shalt  }
0x53: {  	_ =	shalt  }
0x54: {  	_ =	shalt  }
0x55: {  	_ =	shalt  }
0x56: {  	_ =	shalt  }
0x57: {  	_ =	shalt  }
0x58: {  	_ =	shalt  }
0x59: {  	_ =	shalt  }
0x5a: {  	_ =	shalt  }
0x5b: {  	_ =	shalt  }
0x5c: {  	_ =	shalt  }
0x5d: {  	_ =	shalt  }
0x5e: {  	_ =	shalt  }
0x5f: {  	_ =	shalt  }
0x60: {  	_ =	shalt  }
0x61: {  	_ =	shalt  }
0x62: {  	_ =	shalt  }
0x63: {  	_ =	shalt  }
0x64: {  	_ =	shalt  }
0x65: {  	_ =	shalt  }
0x66: {  	_ =	shalt  }
0x67: {  	_ =	shalt  }
0x68: {  	_ =	shalt  }
0x69: {  	_ =	shalt  }
0x6a: {  	_ =	shalt  }
0x6b: {  	_ =	shalt  }
0x6c: {  	_ =	shalt  }
0x6d: {  	_ =	shalt  }
0x6e: {  	_ =	shalt  }
0x6f: {  	_ =	shalt  }
0x70: {  	_ =	shalt  }
0x71: {  	_ =	shalt  }
0x72: {  	_ =	shalt  }
0x73: {  	_ =	shalt  }
0x74: {  	_ =	shalt  }
0x75: {  	_ =	shalt  }
0x76: {  	_ =	shalt  }
0x77: {  	_ =	shalt  }
0x78: {  	_ =	shalt  }
0x79: {  	_ =	shalt  }
0x7a: {  	_ =	shalt  }
0x7b: {  	_ =	shalt  }
0x7c: {  	_ =	shalt  }
0x7d: {  	_ =	shalt  }
0x7e: {  	_ =	shalt  }
0x7f: {  	_ =	shalt  }
0x80: {  	_ =	shalt  }
0x81: {  	_ =	shalt  }
0x82: {  	_ =	shalt  }
0x83: {  	_ =	shalt  }
0x84: {  	_ =	shalt  }
0x85: {  	_ =	shalt  }
0x86: {  	_ =	shalt  }
0x87: {  	_ =	shalt  }
.Lfunc_end0:
.L_simem_size_0:
called_computation.1_lowered:
.L_overlay_start_0:
0x88: {  	s2 =	sld [smem:$0x3FD9]  }
0x89: {  	s3 =	sld [smem:$0x3FFE];
	_ =	sdelay $0x1  }
0x8a: {  	s1 =	srdreg.scid  }
0x8b: {  	s0 =	sand.u32 $0x1, s1  }
0x8c: {  	s17 =	sshll.u32 s0, $0xA;
	s2 =	sadd.s32 s3, s2  }
0x8d: {  	s2 =	sadd.s32 s2, s17  }
0x8e: {  	[smem:$0x3FBD] =	sst s2  }
0x8f: {  	_ = 	snop  }
0x90: {  	s2 =	sld [smem:$0x3FD0];
	(tm) =	ssettm $0x1  }
0x91: {  	s18 =	sld [smem:$0x3FFB];
	_ =	sdelay $0x3  }
0x92: {  	_ =	strace s18  }
0x93: {  	s3 =	sld [smem:$0x3FFC];
	_ =	sdelay $0x3  }
0x94: {  	_ =	strace s3  }
0x95: {  	s3 =	sld [smem:$0x3FFD];
	_ =	sdelay $0x3  }
0x96: {  	_ =	strace s3  }
0x97: {  	_ =	strace $0x8FFFFFFF  }
0x98: {  	s19 =	sld [smem:$0x3FDB];
	_ =	sdelay $0x1  }
0x99: {  	s4 =	simm.s32 $_scs_section_size  }
0x9a: {  	s5 =	simm.s32 $_size__tile_overlayer_lowered;
	s6 =	simm.s32 $_tile_overlayer_lowered  }
0x9b: {  	s22 =	simm.s32 $0x1BFF;
	s21 =	sshll.u32 s6, $0x1;
	s3 =	sadd.s32 s4, s19  }
0x9c: {  	s7 =	simm.s32 $0x0;
	s20 =	sshll.u32 s5, $0x1;
	s5 =	sadd.s32 s21, s3  }
0x9d: {  	[timem:s7], [sflag:s22] =	dma.local [hbm:s5], s20  }
0x9e: {  	_ =	swait.ge [sflag:s22], s20  }
0x9f: {  	s4 =	ssub.s32 $0x0, s20;
	[sflag:s22] =	ssyncset.done $0x0  }
0xa0: {  	[sflag:s22] =	ssyncadd.s32 s4;
	_ =	sdelay $0x1  }
0xa1: {  	s23 =	simm.s32 $0x1B8B  }
0xa2: {  	_ =	swait.ge [sflag:s23], $0x1  }
0xa3: {  	[sflag:s23] =	ssyncset.done $0x0  }
0xa4: {  	s25 =	simm.s32 $0x1B8E;
	s24 =	sld [smem:$0x3FFE];
	[sflag:s23] =	ssyncadd.s32 $0xFFFFFFFF  }
0xa5: {  	s26 =	simm.s32 $execute0_lowered;
	[smem:$0x3FD2] =	sst s25  }
0xa6: {  	s5 =	sshll.u32 s26, $0x1;
	_ =	strace $0x80000050;
	[dreg:$0x1] =	wrdreg $0xFFFFFFFF  }
0xa7: {  	s28 =	simm.s32 $_size_execute0_lowered;
	s3 =	sadd.s32 s3, s5;
	[dreg:$0x0] =	wrdreg $0x0  }
0xa8: {  	s5 =	sshll.u32 s28, $0x1;
	[dreg:$0x2] =	wrdreg s3  }
0xa9: {  	[dreg:$0x3] =	wrdreg s5  }
0xaa: {  	[dreg:$0x4] =	wrdreg $0xC0  }
0xab: {  	_ =	task [dreg:s7], $0x5FFFF  }
0xac: {  	[dreg:$0x1] =	wrdreg $0xFFFFFFFF  }
0xad: {  	[dreg:$0x0] =	wrdreg $0x60  }
0xae: {  	[dreg:$0x2] =	wrdreg s2  }
0xaf: {  	[dreg:$0x3] =	wrdreg s24  }
0xb0: {  	[dreg:$0x4] =	wrdreg $0xCD000  }
0xb1: {  	[dreg:$0x5] =	wrdreg $0x9  }
0xb2: {  	_ =	task.clear_ibuf [dreg:s7], $0x6FFFF;
	_ =	strace $0x90000050  }
0xb3: {  	s29 =	simm.s32 $0x9;
	_ =	strace $0x80000059  }
0xb4: {  	_ =	swait.ge [sflag:s29], $0x1  }
0xb5: {  	[sflag:s29] =	ssyncadd.s32 $0xFFFFFFFF  }
0xb6: {  	_ =	strace $0x90000059  }
0xb7: {  	_ =	sfence  }
0xb8: {  	s30 =	sld [smem:$0x0];
	_ =	sdelay $0x2  }
0xb9: {  	s31 =	sshll.u32 s1, $0xD;
	s1 =	sshrl.u32 s1, $0x2  }
0xba: {  	s3 =	sand.u32 $0x4000, s31;
	s1 =	sadd.s32 s1, s30  }
0xbb: {  	s0 =	sor.u32 s3, s0;
	s1 =	sshll.u32 s1, $0x11  }
0xbc: {  	s0 =	sor.u32 s1, s0  }
0xbd: {  	s0 =	sadd.s32 $0x8F2B, s0  }
0xbe: {  	[sflag:s0] =	ssyncadd.remote.s32 $0x1  }
0xbf: {  	_ =	sfence.sel $0xFFFF  }
0xc0: {  	[dreg:$0x0] =	wrdreg $0xFFFFFFFF;
	(pc) =	sbr.abs _section_cstart, $3  }
0xc1: {  	[dreg:$0x1] =	wrdreg $0xFFFFFFFF  }
0xc2: {  	_ =	task.clear_ibuf [dreg:s7], $0x2FFFF;
	_ =	strace $0x9FFFFFFF  }
0xc3: {  	(tm) =	ssettm $0x7FFFFFFF  }
tec
execute0_lowered:
.L_overlay_start_1:
0x0: {  	(tag) =	ssettag $0x1  }
0x1: {  	s1 =	rddreg [dreg:$0x0]  }
0x2: {  	s0 =	rddreg [dreg:$0x1]  }
0x3: {  	s3 =	rddreg [dreg:$0x2];
	s2 =	srdreg.scid  }
0x4: {  	s12 =	stileid.u32;
	s4 =	simm.s32 $0x0;
	s16 =	simm.s32 $0x7D  }
0x5: {  	s17 =	simm.s32 $0x5000;
	s18 =	simm.s32 $0x80;
	s19 =	simm.s32 $0x6F40  }
0x6: {  	s20 =	simm.s32 $0x100;
	s21 =	simm.s32 $0x8E80;
	s22 =	simm.s32 $0x1  }
0x7: {  	s28 =	simm.s32 $0x2780;
	s29 =	simm.s32 $0x4E00;
	s30 =	simm.s32 $0x4E80  }
0x8: {  	s31 =	simm.s32 $0x4F00;
	s2 =	sand.u32 $0x1, s2;
	s5 =	sshll.u32 s12, $0x1  }
0x9: {  	s6 =	smul.u32 $0x9E00, s12;
	[smem:$0x7FF] =	sst s4;
	s9 =	sadd.s32 $0x13880, s1  }
0xa: {  	s26 =	sshll.u32 s12, $0x6;
	s12 =	simm.s32 $0x5;
	s5 =	sor.u32 s2, s5  }
0xb: {  	s7 =	smul.u32 $0x9E000, s2;
	_ =	strace $0x80000051;
	s2 =	ssub.s32 $0x2, s2  }
0xc: {  	s14 =	sor.u32 $0x1C05, s26;
	s5 =	smul.u32 $0x500, s5;
	s23 =	sshrl.u32 s2, $0x1  }
0xd: {  	s26 =	simm.s32 $0x4;
	s7 =	sadd.s32 s6, s7;
	s2 =	ssub.s32 s2, s23  }
0xe: {  	s6 =	sadd.s32 s6, s3;
	s23 =	simm.s32 $0xADC0;
	s8 =	sadd.s32 s5, s0  }
0xf: {  	s7 =	sshrl.u32 s7, $0x3;
	s5 =	sadd.s32 $0x15C00, s0;
	s11 =	smax.u32 s2, $0x1  }
0x10: {  	s15 =	sshrl.u32 s6, $0x3;
	s2 =	simm.s32 $0x0;
	s24 =	sadd.s32 $0xBC00, s8  }
0x11: {  	s0 =	sadd.s32 s7, s0;
	s25 =	sadd.s32 $0x1C00, s8;
	[dreg:$0x4] =	wrdreg s24  }
0x12: {  	[dreg:$0x5] =	wrdreg s25;
	s8 =	sadd.s32 $0x17000, s0;
	s10 =	sadd.s32 $0x3E800, s0  }
0x13: {  	s24 =	simm.s32 $0x2;
	s25 =	simm.s32 $0x3;
	s0 =	simm.s32 $0x4F80  }
.LBB2_1:
0x14: {  	_ =	strace $0x80000052  }
0x15: {  	s6 =	rddreg [dreg:$0x4]  }
0x16: {  	[tilespmem:s4], [sflag:$0x5] =	stream.linear.gather [hbm4b:s6+s4], $0x2800, $0x200038;
	[tilespmem:$0x16B00] =	vst v63  }
0x17: {  	_ =	swait.ge [sflag:s12], $0x2800  }
0x18: {  	[sflag:s12] =	ssyncset.done $0x0  }
0x19: {  	s7 =	simm.s32 $0x2800;
	s13 =	rddreg [dreg:$0x5];
	[sflag:s12] =	ssyncadd.s32 $0xFFFFD800  }
0x1a: {  	[tilespmem:s7], [sflag:$0x5] =	stream.linear.gather [hbm4b:s13+s4], $0x2800, $0x200038;
	[tilespmem:$0x16B00] =	vst v63  }
0x1b: {  	_ =	swait.ge [sflag:s12], $0x2800  }
0x1c: {  	[sflag:s12] =	ssyncset.done $0x0  }
0x1d: {  	[sflag:s12] =	ssyncadd.s32 $0xFFFFD800  }
0x1e: {  	_ =	strace $0x90000052  }
0x1f: {  	_ =	strace $0x80000053  }
0x20: {  	[spmem:s15], [sflag:s14] =	dma.local [hbm:s5], $0x13C0  }
0x21: {  	_ =	swait.ge [sflag:s12], $0x13C0  }
0x22: {  	[sflag:s12] =	ssyncset.done $0x0  }
0x23: {  	[sflag:s12] =	ssyncadd.s32 $0xFFFFEC40  }
0x24: {  	[bflag:$0x0] =	sbarrier.arrive $0xFFFF  }
0x25: {  	_ =	strace $0x90000053  }
0x26: {  	_ =	strace $0x80000054  }
0x27: {  	[tilespmem:s17], [sflag:$0x1] =	stream.indirect.gather [hbm4b:s1+s16], $0x40, s4, s16, $0x2000b8;
	[tilespmem:$0x16B00] =	vst v63  }
0x28: {  	_ = 	snop  }
0x29: {  	[tilespmem:s19], [sflag:$0x2] =	stream.indirect.gather [hbm4b:s1+s16], $0x40, s18, s16, $0x2000b8;
	[tilespmem:$0x16B00] =	vst v63  }
0x2a: {  	_ = 	snop  }
0x2b: {  	[tilespmem:s21], [sflag:$0x3] =	stream.indirect.gather [hbm4b:s1+s16], $0x40, s20, s16, $0x2000b8;
	[tilespmem:$0x16B00] =	vst v63  }
0x2c: {  	_ =	swait.ge [sflag:s22], $0x1F40  }
0x2d: {  	[sflag:s22] =	ssyncset.done $0x0  }
0x2e: {  	s7 =	simm.s32 $0x180;
	[sflag:s22] =	ssyncadd.s32 $0xFFFFE0C0  }
0x2f: {  	[tilespmem:s23], [sflag:$0x4] =	stream.indirect.gather [hbm4b:s1+s16], $0x40, s7, s16, $0x2000b8;
	[tilespmem:$0x16B00] =	vst v63  }
0x30: {  	s13 =	simm.s32 $0x2800  }
0x31: {  	[spmem:s3] =	stream.indirect.scatter.add.f32 [tilespmem:s17], [sflag:$0x5], $0x40, s13, s16, $0x2000b8;
	[tilespmem:$0x16B00] =	vst v63  }
0x32: {  	_ =	swait.ge [sflag:s12], $0x1F40  }
0x33: {  	[sflag:s12] =	ssyncset.done $0x0  }
0x34: {  	[sflag:s12] =	ssyncadd.s32 $0xFFFFE0C0  }
0x35: {  	_ =	swait.ge [sflag:s24], $0x1F40  }
0x36: {  	[sflag:s24] =	ssyncset.done $0x0  }
0x37: {  	s7 =	simm.s32 $0x200;
	[sflag:s24] =	ssyncadd.s32 $0xFFFFE0C0  }
0x38: {  	[tilespmem:s17], [sflag:$0x1] =	stream.indirect.gather [hbm4b:s1+s16], $0x40, s7, s16, $0x2000b8;
	[tilespmem:$0x16B00] =	vst v63  }
0x39: {  	s13 =	simm.s32 $0x2880  }
0x3a: {  	[spmem:s3] =	stream.indirect.scatter.add.f32 [tilespmem:s19], [sflag:$0x5], $0x40, s13, s16, $0x2000b8;
	[tilespmem:$0x16B00] =	vst v63  }
0x3b: {  	_ =	swait.ge [sflag:s12], $0x1F40  }
0x3c: {  	[sflag:s12] =	ssyncset.done $0x0  }
0x3d: {  	[sflag:s12] =	ssyncadd.s32 $0xFFFFE0C0  }
0x3e: {  	_ =	swait.ge [sflag:s25], $0x1F40  }
0x3f: {  	[sflag:s25] =	ssyncset.done $0x0  }
0x40: {  	s7 =	simm.s32 $0x280;
	[sflag:s25] =	ssyncadd.s32 $0xFFFFE0C0  }
0x41: {  	[tilespmem:s19], [sflag:$0x2] =	stream.indirect.gather [hbm4b:s1+s16], $0x40, s7, s16, $0x2000b8;
	[tilespmem:$0x16B00] =	vst v63  }
0x42: {  	s13 =	simm.s32 $0x2900  }
0x43: {  	[spmem:s3] =	stream.indirect.scatter.add.f32 [tilespmem:s21], [sflag:$0x5], $0x40, s13, s16, $0x2000b8;
	[tilespmem:$0x16B00] =	vst v63  }
0x44: {  	_ =	swait.ge [sflag:s12], $0x1F40  }
0x45: {  	[sflag:s12] =	ssyncset.done $0x0  }
0x46: {  	[sflag:s12] =	ssyncadd.s32 $0xFFFFE0C0  }
0x47: {  	_ =	swait.ge [sflag:s26], $0x1F40  }
0x48: {  	[sflag:s26] =	ssyncset.done $0x0  }
0x49: {  	s7 =	simm.s32 $0x300;
	[sflag:s26] =	ssyncadd.s32 $0xFFFFE0C0  }
0x4a: {  	[tilespmem:s21], [sflag:$0x3] =	stream.indirect.gather [hbm4b:s1+s16], $0x40, s7, s16, $0x2000b8;
	[tilespmem:$0x16B00] =	vst v63  }
0x4b: {  	s13 =	simm.s32 $0x2980  }
0x4c: {  	[spmem:s3] =	stream.indirect.scatter.add.f32 [tilespmem:s23], [sflag:$0x5], $0x40, s13, s16, $0x2000b8;
	[tilespmem:$0x16B00] =	vst v63  }
0x4d: {  	_ =	swait.ge [sflag:s12], $0x1F40  }
0x4e: {  	s13 =	simm.s32 $0x800;
	[sflag:s12] =	ssyncset.done $0x0  }
.LBB2_2:
0x4f: {  	p0 =	sne.s32 s13, $0x9000  }
0x50: {  	[sflag:s12] =	ssyncadd.s32 $0xFFFFE0C0;
	s6 =	smov.u32 s13;
	s13 =	sadd.s32 $0x800, s13  }
0x51: {  	_ = 	snop  }
0x52: {  	_ =	swait.ge [sflag:s22], $0x1F40  }
0x53: {  	s6 =	sshra.s32 s6, $0x2;
	[sflag:s22] =	ssyncset.done $0x0  }
0x54: {  	s7 =	sadd.s32 $0x180, s6;
	[sflag:s22] =	ssyncadd.s32 $0xFFFFE0C0  }
0x55: {  	[tilespmem:s23], [sflag:$0x4] =	stream.indirect.gather [hbm4b:s1+s16], $0x40, s7, s16, $0x2000b8;
	[tilespmem:$0x16B00] =	vst v63  }
0x56: {  	s7 =	sadd.s32 $0x2800, s6  }
0x57: {  	[spmem:s3] =	stream.indirect.scatter.add.f32 [tilespmem:s17], [sflag:$0x5], $0x40, s7, s16, $0x2000b8;
	[tilespmem:$0x16B00] =	vst v63  }
0x58: {  	_ =	swait.ge [sflag:s12], $0x1F40  }
0x59: {  	[sflag:s12] =	ssyncset.done $0x0  }
0x5a: {  	[sflag:s12] =	ssyncadd.s32 $0xFFFFE0C0  }
0x5b: {  	_ =	swait.ge [sflag:s24], $0x1F40  }
0x5c: {  	[sflag:s24] =	ssyncset.done $0x0  }
0x5d: {  	s7 =	sadd.s32 $0x200, s6;
	[sflag:s24] =	ssyncadd.s32 $0xFFFFE0C0  }
0x5e: {  	[tilespmem:s17], [sflag:$0x1] =	stream.indirect.gather [hbm4b:s1+s16], $0x40, s7, s16, $0x2000b8;
	[tilespmem:$0x16B00] =	vst v63  }
0x5f: {  	s7 =	sadd.s32 $0x2880, s6  }
0x60: {  	[spmem:s3] =	stream.indirect.scatter.add.f32 [tilespmem:s19], [sflag:$0x5], $0x40, s7, s16, $0x2000b8;
	[tilespmem:$0x16B00] =	vst v63  }
0x61: {  	_ =	swait.ge [sflag:s12], $0x1F40  }
0x62: {  	[sflag:s12] =	ssyncset.done $0x0  }
0x63: {  	[sflag:s12] =	ssyncadd.s32 $0xFFFFE0C0  }
0x64: {  	_ =	swait.ge [sflag:s25], $0x1F40  }
0x65: {  	[sflag:s25] =	ssyncset.done $0x0  }
0x66: {  	s7 =	sadd.s32 $0x280, s6;
	[sflag:s25] =	ssyncadd.s32 $0xFFFFE0C0  }
0x67: {  	[tilespmem:s19], [sflag:$0x2] =	stream.indirect.gather [hbm4b:s1+s16], $0x40, s7, s16, $0x2000b8;
	[tilespmem:$0x16B00] =	vst v63  }
0x68: {  	s7 =	sadd.s32 $0x2900, s6  }
0x69: {  	[spmem:s3] =	stream.indirect.scatter.add.f32 [tilespmem:s21], [sflag:$0x5], $0x40, s7, s16, $0x2000b8;
	[tilespmem:$0x16B00] =	vst v63  }
0x6a: {  	_ =	swait.ge [sflag:s12], $0x1F40  }
0x6b: {  	[sflag:s12] =	ssyncset.done $0x0  }
0x6c: {  	[sflag:s12] =	ssyncadd.s32 $0xFFFFE0C0  }
0x6d: {  	_ =	swait.ge [sflag:s26], $0x1F40  }
0x6e: {  	[sflag:s26] =	ssyncset.done $0x0  }
0x6f: {  	s7 =	sadd.s32 $0x300, s6;
	[sflag:s26] =	ssyncadd.s32 $0xFFFFE0C0  }
0x70: {  	[tilespmem:s21], [sflag:$0x3] =	stream.indirect.gather [hbm4b:s1+s16], $0x40, s7, s16, $0x2000b8;
	[tilespmem:$0x16B00] =	vst v63  }
.Ltmp0:
0x71: {  	_ = 	snop;
	(pc) =	sbr.rel @p0 .LBB2_2-.Ltmp0, $4  }
0x72: {  	s6 =	sadd.s32 $0x2980, s6  }
0x73: {  	[spmem:s3] =	stream.indirect.scatter.add.f32 [tilespmem:s23], [sflag:$0x5], $0x40, s6, s16, $0x2000b8;
	[tilespmem:$0x16B00] =	vst v63  }
0x74: {  	_ =	swait.ge [sflag:s12], $0x1F40  }
0x75: {  	[sflag:s12] =	ssyncset.done $0x0  }
0x76: {  	[sflag:s12] =	ssyncadd.s32 $0xFFFFE0C0  }
0x77: {  	_ =	swait.ge [sflag:s22], $0x1F40  }
0x78: {  	[sflag:s22] =	ssyncset.done $0x0  }
0x79: {  	[sflag:s22] =	ssyncadd.s32 $0xFFFFE0C0  }
0x7a: {  	[tilespmem:s23], [sflag:$0x4] =	stream.indirect.gather [hbm4b:s1+s16], $0x40, s28, s16, $0x2000b8;
	[tilespmem:$0x16B00] =	vst v63  }
0x7b: {  	_ = 	snop  }
0x7c: {  	[spmem:s3] =	stream.indirect.scatter.add.f32 [tilespmem:s17], [sflag:$0x5], $0x40, s29, s16, $0x2000b8;
	[tilespmem:$0x16B00] =	vst v63  }
0x7d: {  	_ =	swait.ge [sflag:s12], $0x1F40  }
0x7e: {  	[sflag:s12] =	ssyncset.done $0x0  }
0x7f: {  	[sflag:s12] =	ssyncadd.s32 $0xFFFFE0C0  }
0x80: {  	_ =	swait.ge [sflag:s24], $0x1F40  }
0x81: {  	[sflag:s24] =	ssyncset.done $0x0  }
0x82: {  	[sflag:s24] =	ssyncadd.s32 $0xFFFFE0C0  }
0x83: {  	[tilespmem:s17], [sflag:$0x1] =	stream.indirect.gather [hbm4b:s1+s16], $0x40, s28, s16, $0x2000b8;
	[tilespmem:$0x16B00] =	vst v63  }
0x84: {  	_ = 	snop  }
0x85: {  	[spmem:s3] =	stream.indirect.scatter.add.f32 [tilespmem:s19], [sflag:$0x5], $0x40, s30, s16, $0x2000b8;
	[tilespmem:$0x16B00] =	vst v63  }
0x86: {  	_ =	swait.ge [sflag:s12], $0x1F40  }
0x87: {  	[sflag:s12] =	ssyncset.done $0x0  }
0x88: {  	[sflag:s12] =	ssyncadd.s32 $0xFFFFE0C0  }
0x89: {  	_ =	swait.ge [sflag:s25], $0x1F40  }
0x8a: {  	[sflag:s25] =	ssyncset.done $0x0  }
0x8b: {  	[sflag:s25] =	ssyncadd.s32 $0xFFFFE0C0  }
0x8c: {  	[tilespmem:s19], [sflag:$0x2] =	stream.indirect.gather [hbm4b:s1+s16], $0x40, s28, s16, $0x2000b8;
	[tilespmem:$0x16B00] =	vst v63  }
0x8d: {  	_ = 	snop  }
0x8e: {  	[spmem:s3] =	stream.indirect.scatter.add.f32 [tilespmem:s21], [sflag:$0x5], $0x40, s31, s16, $0x2000b8;
	[tilespmem:$0x16B00] =	vst v63  }
0x8f: {  	_ =	swait.ge [sflag:s12], $0x1F40  }
0x90: {  	[sflag:s12] =	ssyncset.done $0x0  }
0x91: {  	[sflag:s12] =	ssyncadd.s32 $0xFFFFE0C0  }
0x92: {  	_ =	swait.ge [sflag:s26], $0x1F40  }
0x93: {  	[sflag:s26] =	ssyncset.done $0x0  }
0x94: {  	[sflag:s26] =	ssyncadd.s32 $0xFFFFE0C0  }
0x95: {  	[tilespmem:s21], [sflag:$0x3] =	stream.indirect.gather [hbm4b:s1+s16], $0x40, s28, s16, $0x2000b8;
	[tilespmem:$0x16B00] =	vst v63  }
0x96: {  	_ = 	snop  }
0x97: {  	[spmem:s3] =	stream.indirect.scatter.add.f32 [tilespmem:s23], [sflag:$0x5], $0x40, s0, s16, $0x2000b8;
	[tilespmem:$0x16B00] =	vst v63  }
0x98: {  	_ =	swait.ge [sflag:s12], $0x1F40  }
0x99: {  	[sflag:s12] =	ssyncset.done $0x0  }
0x9a: {  	[sflag:s12] =	ssyncadd.s32 $0xFFFFE0C0  }
0x9b: {  	_ =	swait.ge [sflag:s22], $0x1F40  }
0x9c: {  	[sflag:s22] =	ssyncset.done $0x0  }
0x9d: {  	[sflag:s22] =	ssyncadd.s32 $0xFFFFE0C0  }
0x9e: {  	_ =	swait.ge [sflag:s24], $0x1F40  }
0x9f: {  	[sflag:s24] =	ssyncset.done $0x0  }
0xa0: {  	[sflag:s24] =	ssyncadd.s32 $0xFFFFE0C0  }
0xa1: {  	_ =	swait.ge [sflag:s25], $0x1F40  }
0xa2: {  	[sflag:s25] =	ssyncset.done $0x0  }
0xa3: {  	[sflag:s25] =	ssyncadd.s32 $0xFFFFE0C0  }
0xa4: {  	[bflag:$0x0] =	sbarrier.arrive $0xFFFF  }
0xa5: {  	_ =	strace $0x90000054  }
0xa6: {  	_ =	strace $0x80000055  }
0xa7: {  	[hbm:s8], [sflag:s14] =	dma.local [spmem:s15], $0x13C0  }
0xa8: {  	_ =	swait.ge [sflag:s12], $0x13C0  }
0xa9: {  	[sflag:s12] =	ssyncset.done $0x0  }
0xaa: {  	[sflag:s12] =	ssyncadd.s32 $0xFFFFEC40  }
0xab: {  	_ =	strace $0x90000055  }
0xac: {  	_ =	strace $0x80000056  }
0xad: {  	[spmem:s15], [sflag:s14] =	dma.local [hbm:s5], $0x13C0  }
0xae: {  	_ =	swait.ge [sflag:s12], $0x13C0  }
0xaf: {  	[sflag:s12] =	ssyncset.done $0x0  }
0xb0: {  	[sflag:s12] =	ssyncadd.s32 $0xFFFFEC40  }
0xb1: {  	[bflag:$0x0] =	sbarrier.arrive $0xFFFF  }
0xb2: {  	_ =	strace $0x90000056  }
0xb3: {  	s6 =	simm.s32 $0x0;
	_ =	strace $0x80000057  }
0xb4: {  	[tilespmem:s17], [sflag:$0x1] =	stream.indirect.gather [hbm4b:s9+s16], $0x40, s6, s16, $0x2000b8;
	[tilespmem:$0x16B00] =	vst v63  }
0xb5: {  	_ = 	snop  }
0xb6: {  	[tilespmem:s19], [sflag:$0x2] =	stream.indirect.gather [hbm4b:s9+s16], $0x40, s18, s16, $0x2000b8;
	[tilespmem:$0x16B00] =	vst v63  }
0xb7: {  	_ = 	snop  }
0xb8: {  	[tilespmem:s21], [sflag:$0x3] =	stream.indirect.gather [hbm4b:s9+s16], $0x40, s20, s16, $0x2000b8;
	[tilespmem:$0x16B00] =	vst v63  }
0xb9: {  	_ =	swait.ge [sflag:s22], $0x1F40  }
0xba: {  	[sflag:s22] =	ssyncset.done $0x0  }
0xbb: {  	s7 =	simm.s32 $0x180;
	[sflag:s22] =	ssyncadd.s32 $0xFFFFE0C0  }
0xbc: {  	[tilespmem:s23], [sflag:$0x4] =	stream.indirect.gather [hbm4b:s9+s16], $0x40, s7, s16, $0x2000b8;
	[tilespmem:$0x16B00] =	vst v63  }
0xbd: {  	s13 =	simm.s32 $0x2800  }
0xbe: {  	[spmem:s3] =	stream.indirect.scatter.add.f32 [tilespmem:s17], [sflag:$0x5], $0x40, s13, s16, $0x2000b8;
	[tilespmem:$0x16B00] =	vst v63  }
0xbf: {  	_ =	swait.ge [sflag:s12], $0x1F40  }
0xc0: {  	[sflag:s12] =	ssyncset.done $0x0  }
0xc1: {  	[sflag:s12] =	ssyncadd.s32 $0xFFFFE0C0  }
0xc2: {  	_ =	swait.ge [sflag:s24], $0x1F40  }
0xc3: {  	[sflag:s24] =	ssyncset.done $0x0  }
0xc4: {  	s7 =	simm.s32 $0x200;
	[sflag:s24] =	ssyncadd.s32 $0xFFFFE0C0  }
0xc5: {  	[tilespmem:s17], [sflag:$0x1] =	stream.indirect.gather [hbm4b:s9+s16], $0x40, s7, s16, $0x2000b8;
	[tilespmem:$0x16B00] =	vst v63  }
0xc6: {  	s13 =	simm.s32 $0x2880  }
0xc7: {  	[spmem:s3] =	stream.indirect.scatter.add.f32 [tilespmem:s19], [sflag:$0x5], $0x40, s13, s16, $0x2000b8;
	[tilespmem:$0x16B00] =	vst v63  }
0xc8: {  	_ =	swait.ge [sflag:s12], $0x1F40  }
0xc9: {  	[sflag:s12] =	ssyncset.done $0x0  }
0xca: {  	[sflag:s12] =	ssyncadd.s32 $0xFFFFE0C0  }
0xcb: {  	_ =	swait.ge [sflag:s25], $0x1F40  }
0xcc: {  	[sflag:s25] =	ssyncset.done $0x0  }
0xcd: {  	s7 =	simm.s32 $0x280;
	[sflag:s25] =	ssyncadd.s32 $0xFFFFE0C0  }
0xce: {  	[tilespmem:s19], [sflag:$0x2] =	stream.indirect.gather [hbm4b:s9+s16], $0x40, s7, s16, $0x2000b8;
	[tilespmem:$0x16B00] =	vst v63  }
0xcf: {  	s13 =	simm.s32 $0x2900  }
0xd0: {  	[spmem:s3] =	stream.indirect.scatter.add.f32 [tilespmem:s21], [sflag:$0x5], $0x40, s13, s16, $0x2000b8;
	[tilespmem:$0x16B00] =	vst v63  }
0xd1: {  	_ =	swait.ge [sflag:s12], $0x1F40  }
0xd2: {  	[sflag:s12] =	ssyncset.done $0x0  }
0xd3: {  	[sflag:s12] =	ssyncadd.s32 $0xFFFFE0C0  }
0xd4: {  	_ =	swait.ge [sflag:s26], $0x1F40  }
0xd5: {  	[sflag:s26] =	ssyncset.done $0x0  }
0xd6: {  	s7 =	simm.s32 $0x300;
	[sflag:s26] =	ssyncadd.s32 $0xFFFFE0C0  }
0xd7: {  	[tilespmem:s21], [sflag:$0x3] =	stream.indirect.gather [hbm4b:s9+s16], $0x40, s7, s16, $0x2000b8;
	[tilespmem:$0x16B00] =	vst v63  }
0xd8: {  	s13 =	simm.s32 $0x2980  }
0xd9: {  	[spmem:s3] =	stream.indirect.scatter.add.f32 [tilespmem:s23], [sflag:$0x5], $0x40, s13, s16, $0x2000b8;
	[tilespmem:$0x16B00] =	vst v63  }
0xda: {  	_ =	swait.ge [sflag:s12], $0x1F40  }
0xdb: {  	s13 =	simm.s32 $0x800;
	[sflag:s12] =	ssyncset.done $0x0  }
.LBB2_4:
0xdc: {  	p0 =	sne.s32 s13, $0x9000  }
0xdd: {  	[sflag:s12] =	ssyncadd.s32 $0xFFFFE0C0;
	s6 =	smov.u32 s13;
	s13 =	sadd.s32 $0x800, s13  }
0xde: {  	_ = 	snop  }
0xdf: {  	_ =	swait.ge [sflag:s22], $0x1F40  }
0xe0: {  	s6 =	sshra.s32 s6, $0x2;
	[sflag:s22] =	ssyncset.done $0x0  }
0xe1: {  	s7 =	sadd.s32 $0x180, s6;
	[sflag:s22] =	ssyncadd.s32 $0xFFFFE0C0  }
0xe2: {  	[tilespmem:s23], [sflag:$0x4] =	stream.indirect.gather [hbm4b:s9+s16], $0x40, s7, s16, $0x2000b8;
	[tilespmem:$0x16B00] =	vst v63  }
0xe3: {  	s7 =	sadd.s32 $0x2800, s6  }
0xe4: {  	[spmem:s3] =	stream.indirect.scatter.add.f32 [tilespmem:s17], [sflag:$0x5], $0x40, s7, s16, $0x2000b8;
	[tilespmem:$0x16B00] =	vst v63  }
0xe5: {  	_ =	swait.ge [sflag:s12], $0x1F40  }
0xe6: {  	[sflag:s12] =	ssyncset.done $0x0  }
0xe7: {  	[sflag:s12] =	ssyncadd.s32 $0xFFFFE0C0  }
0xe8: {  	_ =	swait.ge [sflag:s24], $0x1F40  }
0xe9: {  	[sflag:s24] =	ssyncset.done $0x0  }
0xea: {  	s7 =	sadd.s32 $0x200, s6;
	[sflag:s24] =	ssyncadd.s32 $0xFFFFE0C0  }
0xeb: {  	[tilespmem:s17], [sflag:$0x1] =	stream.indirect.gather [hbm4b:s9+s16], $0x40, s7, s16, $0x2000b8;
	[tilespmem:$0x16B00] =	vst v63  }
0xec: {  	s7 =	sadd.s32 $0x2880, s6  }
0xed: {  	[spmem:s3] =	stream.indirect.scatter.add.f32 [tilespmem:s19], [sflag:$0x5], $0x40, s7, s16, $0x2000b8;
	[tilespmem:$0x16B00] =	vst v63  }
0xee: {  	_ =	swait.ge [sflag:s12], $0x1F40  }
0xef: {  	[sflag:s12] =	ssyncset.done $0x0  }
0xf0: {  	[sflag:s12] =	ssyncadd.s32 $0xFFFFE0C0  }
0xf1: {  	_ =	swait.ge [sflag:s25], $0x1F40  }
0xf2: {  	[sflag:s25] =	ssyncset.done $0x0  }
0xf3: {  	s7 =	sadd.s32 $0x280, s6;
	[sflag:s25] =	ssyncadd.s32 $0xFFFFE0C0  }
0xf4: {  	[tilespmem:s19], [sflag:$0x2] =	stream.indirect.gather [hbm4b:s9+s16], $0x40, s7, s16, $0x2000b8;
	[tilespmem:$0x16B00] =	vst v63  }
0xf5: {  	s7 =	sadd.s32 $0x2900, s6  }
0xf6: {  	[spmem:s3] =	stream.indirect.scatter.add.f32 [tilespmem:s21], [sflag:$0x5], $0x40, s7, s16, $0x2000b8;
	[tilespmem:$0x16B00] =	vst v63  }
0xf7: {  	_ =	swait.ge [sflag:s12], $0x1F40  }
0xf8: {  	[sflag:s12] =	ssyncset.done $0x0  }
0xf9: {  	[sflag:s12] =	ssyncadd.s32 $0xFFFFE0C0  }
0xfa: {  	_ =	swait.ge [sflag:s26], $0x1F40  }
0xfb: {  	[sflag:s26] =	ssyncset.done $0x0  }
0xfc: {  	s7 =	sadd.s32 $0x300, s6;
	[sflag:s26] =	ssyncadd.s32 $0xFFFFE0C0  }
0xfd: {  	[tilespmem:s21], [sflag:$0x3] =	stream.indirect.gather [hbm4b:s9+s16], $0x40, s7, s16, $0x2000b8;
	[tilespmem:$0x16B00] =	vst v63  }
.Ltmp1:
0xfe: {  	_ = 	snop;
	(pc) =	sbr.rel @p0 .LBB2_4-.Ltmp1, $4  }
0xff: {  	s6 =	sadd.s32 $0x2980, s6  }
0x100: {  	[spmem:s3] =	stream.indirect.scatter.add.f32 [tilespmem:s23], [sflag:$0x5], $0x40, s6, s16, $0x2000b8;
	[tilespmem:$0x16B00] =	vst v63  }
0x101: {  	_ =	swait.ge [sflag:s12], $0x1F40  }
0x102: {  	[sflag:s12] =	ssyncset.done $0x0  }
0x103: {  	[sflag:s12] =	ssyncadd.s32 $0xFFFFE0C0  }
0x104: {  	_ =	swait.ge [sflag:s22], $0x1F40  }
0x105: {  	[sflag:s22] =	ssyncset.done $0x0  }
0x106: {  	[sflag:s22] =	ssyncadd.s32 $0xFFFFE0C0  }
0x107: {  	[tilespmem:s23], [sflag:$0x4] =	stream.indirect.gather [hbm4b:s9+s16], $0x40, s28, s16, $0x2000b8;
	[tilespmem:$0x16B00] =	vst v63  }
0x108: {  	_ = 	snop  }
0x109: {  	[spmem:s3] =	stream.indirect.scatter.add.f32 [tilespmem:s17], [sflag:$0x5], $0x40, s29, s16, $0x2000b8;
	[tilespmem:$0x16B00] =	vst v63  }
0x10a: {  	_ =	swait.ge [sflag:s12], $0x1F40  }
0x10b: {  	[sflag:s12] =	ssyncset.done $0x0  }
0x10c: {  	[sflag:s12] =	ssyncadd.s32 $0xFFFFE0C0  }
0x10d: {  	_ =	swait.ge [sflag:s24], $0x1F40  }
0x10e: {  	[sflag:s24] =	ssyncset.done $0x0  }
0x10f: {  	[sflag:s24] =	ssyncadd.s32 $0xFFFFE0C0  }
0x110: {  	[tilespmem:s17], [sflag:$0x1] =	stream.indirect.gather [hbm4b:s9+s16], $0x40, s28, s16, $0x2000b8;
	[tilespmem:$0x16B00] =	vst v63  }
0x111: {  	_ = 	snop  }
0x112: {  	[spmem:s3] =	stream.indirect.scatter.add.f32 [tilespmem:s19], [sflag:$0x5], $0x40, s30, s16, $0x2000b8;
	[tilespmem:$0x16B00] =	vst v63  }
0x113: {  	_ =	swait.ge [sflag:s12], $0x1F40  }
0x114: {  	[sflag:s12] =	ssyncset.done $0x0  }
0x115: {  	[sflag:s12] =	ssyncadd.s32 $0xFFFFE0C0  }
0x116: {  	_ =	swait.ge [sflag:s25], $0x1F40  }
0x117: {  	[sflag:s25] =	ssyncset.done $0x0  }
0x118: {  	[sflag:s25] =	ssyncadd.s32 $0xFFFFE0C0  }
0x119: {  	[tilespmem:s19], [sflag:$0x2] =	stream.indirect.gather [hbm4b:s9+s16], $0x40, s28, s16, $0x2000b8;
	[tilespmem:$0x16B00] =	vst v63  }
0x11a: {  	_ = 	snop  }
0x11b: {  	[spmem:s3] =	stream.indirect.scatter.add.f32 [tilespmem:s21], [sflag:$0x5], $0x40, s31, s16, $0x2000b8;
	[tilespmem:$0x16B00] =	vst v63  }
0x11c: {  	_ =	swait.ge [sflag:s12], $0x1F40  }
0x11d: {  	[sflag:s12] =	ssyncset.done $0x0  }
0x11e: {  	[sflag:s12] =	ssyncadd.s32 $0xFFFFE0C0  }
0x11f: {  	_ =	swait.ge [sflag:s26], $0x1F40  }
0x120: {  	[sflag:s26] =	ssyncset.done $0x0  }
0x121: {  	[sflag:s26] =	ssyncadd.s32 $0xFFFFE0C0  }
0x122: {  	[tilespmem:s21], [sflag:$0x3] =	stream.indirect.gather [hbm4b:s9+s16], $0x40, s28, s16, $0x2000b8;
	[tilespmem:$0x16B00] =	vst v63  }
0x123: {  	_ = 	snop  }
0x124: {  	[spmem:s3] =	stream.indirect.scatter.add.f32 [tilespmem:s23], [sflag:$0x5], $0x40, s0, s16, $0x2000b8;
	[tilespmem:$0x16B00] =	vst v63  }
0x125: {  	_ =	swait.ge [sflag:s12], $0x1F40  }
0x126: {  	[sflag:s12] =	ssyncset.done $0x0  }
0x127: {  	[sflag:s12] =	ssyncadd.s32 $0xFFFFE0C0  }
0x128: {  	_ =	swait.ge [sflag:s22], $0x1F40  }
0x129: {  	[sflag:s22] =	ssyncset.done $0x0  }
0x12a: {  	[sflag:s22] =	ssyncadd.s32 $0xFFFFE0C0  }
0x12b: {  	_ =	swait.ge [sflag:s24], $0x1F40  }
0x12c: {  	[sflag:s24] =	ssyncset.done $0x0  }
0x12d: {  	[sflag:s24] =	ssyncadd.s32 $0xFFFFE0C0  }
0x12e: {  	_ =	swait.ge [sflag:s25], $0x1F40  }
0x12f: {  	[sflag:s25] =	ssyncset.done $0x0  }
0x130: {  	[sflag:s25] =	ssyncadd.s32 $0xFFFFE0C0  }
0x131: {  	[bflag:$0x0] =	sbarrier.arrive $0xFFFF  }
0x132: {  	s2 =	sadd.s32 $0x1, s2;
	_ =	strace $0x90000057  }
0x133: {  	p0 =	sne.s32 s2, s11;
	_ =	strace $0x80000058  }
0x134: {  	[hbm:s10], [sflag:s14] =	dma.local [spmem:s15], $0x13C0  }
.Ltmp2:
0x135: {  	_ = 	snop;
	(pc) =	sbr.rel @p0 .LBB2_1-.Ltmp2, $4  }
0x136: {  	_ =	swait.ge [sflag:s12], $0x13C0  }
0x137: {  	[sflag:s12] =	ssyncset.done $0x0  }
0x138: {  	[sflag:s12] =	ssyncadd.s32 $0xFFFFEC40  }
0x139: {  	_ =	strace $0x90000058  }
0x13a: {  	_ =	sfence.sel $0x180000  }
0x13b: {  	[bflag:$0x0] =	sbarrier.arrive $0xFFFF  }
0x13c: {  	_ =	strace $0x90000051  }
0x13d: {  	s0 =	stileid.u32;
	[bflag:$0x2] =	sbarrier.arrive $0xFFFF  }
0x13e: {  	p0 =	sne.s32 s0, $0x0;
	s0 =	rddreg [dreg:$0x3]  }
0x13f: {  	s0 =	sadd.s32 @!p0 $0x100000, s0  }
0x140: {  	[sflag:s0] =	ssyncadd.tile.s32 @!p0 $0x1;
	_ =	shalt  }
.Lfunc_end2:
_tile_overlayer_lowered:
.L_overlay_start_2:
0x141: {  	(tag) =	ssettag $0x2  }
0x142: {  	s0 =	rddreg [dreg:$0x0];
	s2 =	stileid.u32  }
0x143: {  	s1 =	rddreg [dreg:$0x1];
	p0 =	sne.s32 s2, $0x0  }
0x144: {  	s3 =	rddreg [dreg:$0x2];
	[bflag:$0x3] =	sbarrier.arrive $0xFFFF;
	s2 =	simm.s32 @!p0 $0x1C05  }
0x145: {  	[timem:s3], [sflag:s2] =	dma.local @!p0 [hbm:s0], s1  }
0x146: {  	s0 =	simm.s32 @!p0 $0x5  }
0x147: {  	_ =	swait.ge @!p0 [sflag:s0], s1  }
0x148: {  	s1 =	ssub.s32 @!p0 $0x0, s1;
	[sflag:s0] =	ssyncset.done @!p0 $0x0  }
0x149: {  	[sflag:s0] =	ssyncadd.s32 @!p0 s1  }
0x14a: {  	[bflag:$0x3] =	sbarrier.arrive $0xFFFF  }
0x14b: {  	_ =	shalt  }

// kernel: kernel.7.cloned.1.call-start
scs
__scs_entry_jumppad:
0x0: {  	(pc) =	sbr.rel $0x88, $3  }
0x1: {  	(tag) =	ssettag $0x0;
	lr =	simm.s32 $0x1  }
0x2: {  	[smem:$0x3F96] =	sst lr;
	_ =	strace $0xD0000000  }
0x3: {  	_ = 	snop  }
0x4: {  	_ = 	snop  }
0x5: {  	_ = 	snop  }
0x6: {  	_ = 	snop  }
0x7: {  	_ = 	snop  }
__scs_overlays_trampoline_lowered:
0x8: {  	[smem:$0x3FA5] =	sst s0  }
0x9: {  	[smem:$0x3FA6] =	sst s1  }
0xa: {  	[smem:$0x3FA7] =	sst s2  }
0xb: {  	[smem:$0x3FA8] =	sst s3  }
0xc: {  	[smem:$0x3FA9] =	sst s4  }
0xd: {  	[smem:$0x3FAA] =	sst s5  }
0xe: {  	[smem:$0x3FAB] =	sst s6  }
0xf: {  	[smem:$0x3FAC] =	sst s7  }
0x10: {  	[smem:$0x3FAD] =	sst s8  }
0x11: {  	[smem:$0x3FAE] =	sst s9;
	s0 =	simm.s32 @!p0 $0x0  }
0x12: {  	s1 =	sld [smem:$0x3F94];
	s0 =	simm.s32 @p0 $0x1  }
0x13: {  	[smem:$0x3FAF] =	sst s0;
	s0 =	simm.s32 @!p1 $0x0  }
0x14: {  	s2 =	sld [smem:$0x3F93];
	s0 =	simm.s32 @p1 $0x1  }
0x15: {  	[smem:$0x3FB0] =	sst s0;
	s0 =	simm.s32 @!p2 $0x0  }
0x16: {  	s3 =	sld [smem:$0x3FDB];
	s0 =	simm.s32 @p2 $0x1  }
0x17: {  	s4 =	simm.s32 $0x1BF5;
	[smem:$0x3FB2] =	sst s0  }
0x18: {  	s0 =	sld [smem:$0x3F95];
	_ =	swait.ge [sflag:s4], $0x0  }
0x19: {  	s7 =	sld [smem:$0x3F96]  }
0x1a: {  	s8 =	sadd.s32 $0xFFFFE003, lr  }
0x1b: {  	s9 =	sadd.s32 $0xFFFFFEF7, lr;
	s5 =	simm.s32 $0xFFFFFFFF;
	p2 =	slt.u32 s8, $0xFFFFF086  }
0x1c: {  	p1 =	slt.u32 s9, $0xF7A;
	s5 =	simm.s32 @!p2 $0x0  }
0x1d: {  	s5 =	simm.s32 @p1 $0x1;
	p0 =	seq.s32 s7, s2  }
0x1e: {  	s7 =	smul.u32 @!p0 $0xF7A, s2;
	p2 =	seq.s32 @!p0 s5, $0x0  }
0x1f: {  	s9 =	smul.u32 $0xF7A, s1;
	s8 =	simm.s32 @!p0 $0x1BF5;
	p2 =	por !p2, p0  }
0x20: {  	[sflag:s8] =	ssyncset.s32 @!p0 $0xFFFFF086;
	s6 =	sadd.s32 @!p0 s3, s7;
	s7 =	simm.s32 @!p0 $0x108  }
0x21: {  	s3 =	sadd.s32 s3, s9;
	s6 =	sadd.s32 @!p0 $0x88, s6;
	s7 =	simm.s32 @p2 $0x1082  }
0x22: {  	[simem:s7], [sflag:s8] =	dma.local @!p0 [hbm:s6], $0xF7A  }
0x23: {  	s9 =	sor.u32 $0xD0000000, s2;
	s6 =	simm.s32 $0x108;
	_ =	swait.ge @!p0 [sflag:s8], $0x0  }
0x24: {  	s3 =	sadd.s32 $0x88, s3;
	s6 =	simm.s32 @!p1 $0x1082;
	[sflag:s4] =	ssyncset.s32 $0xFFFFF086  }
0x25: {  	[simem:s6], [sflag:s4] =	dma.local [hbm:s3], $0xF7A  }
0x26: {  	[smem:$0x3F96] =	sst s1;
	(tag) =	ssettag s2;
	_ =	strace s9  }
0x27: {  	s1 =	sld [smem:$0x3FA6]  }
0x28: {  	s2 =	sld [smem:$0x3FA7]  }
0x29: {  	s4 =	sld [smem:$0x3FA9]  }
0x2a: {  	p0 =	seq.s32 s5, $0x0;
	s5 =	sld [smem:$0x3FAA]  }
0x2b: {  	s6 =	sld [smem:$0x3FAB]  }
0x2c: {  	s7 =	sld [smem:$0x3FAC]  }
0x2d: {  	s3 =	simm.s32 $0x108;
	s8 =	sld [smem:$0x3FAD]  }
0x2e: {  	s3 =	simm.s32 @!p0 $0x1082;
	s9 =	sld [smem:$0x3FAE]  }
0x2f: {  	lr =	sadd.s32 s0, s3;
	s0 =	sld [smem:$0x3FA5]  }
0x30: {  	s3 =	sld [smem:$0x3FA8]  }
0x31: {  	[smem:$0x3FB1] =	sst s10  }
0x32: {  	s10 =	sld [smem:$0x3FAF];
	_ =	sdelay $0x3  }
0x33: {  	p0 =	seq.s32 s10, $0x1;
	s10 =	sld [smem:$0x3FB1];
	_ =	sdelay $0x3  }
0x34: {  	[smem:$0x3FB1] =	sst s10  }
0x35: {  	s10 =	sld [smem:$0x3FB0];
	_ =	sdelay $0x3  }
0x36: {  	p1 =	seq.s32 s10, $0x1;
	s10 =	sld [smem:$0x3FB1];
	_ =	sdelay $0x3  }
0x37: {  	[smem:$0x3FB1] =	sst s10  }
0x38: {  	s10 =	sld [smem:$0x3FB2]  }
0x39: {  	_ = 	snop;
	(pc) =	sbr.ind lr, $3  }
0x3a: {  	_ = 	snop  }
0x3b: {  	_ = 	snop  }
0x3c: {  	p2 =	seq.s32 s10, $0x1;
	s10 =	sld [smem:$0x3FB1]  }
0x3d: {  	_ =	shalt  }
0x3e: {  	_ =	shalt  }
0x3f: {  	_ =	shalt  }
0x40: {  	_ =	shalt  }
0x41: {  	_ =	shalt  }
0x42: {  	_ =	shalt  }
0x43: {  	_ =	shalt  }
0x44: {  	_ =	shalt  }
0x45: {  	_ =	shalt  }
0x46: {  	_ =	shalt  }
0x47: {  	_ =	shalt  }
0x48: {  	_ =	shalt  }
0x49: {  	_ =	shalt  }
0x4a: {  	_ =	shalt  }
0x4b: {  	_ =	shalt  }
0x4c: {  	_ =	shalt  }
0x4d: {  	_ =	shalt  }
0x4e: {  	_ =	shalt  }
0x4f: {  	_ =	shalt  }
0x50: {  	_ =	shalt  }
0x51: {  	_ =	shalt  }
0x52: {  	_ =	shalt  }
0x53: {  	_ =	shalt  }
0x54: {  	_ =	shalt  }
0x55: {  	_ =	shalt  }
0x56: {  	_ =	shalt  }
0x57: {  	_ =	shalt  }
0x58: {  	_ =	shalt  }
0x59: {  	_ =	shalt  }
0x5a: {  	_ =	shalt  }
0x5b: {  	_ =	shalt  }
0x5c: {  	_ =	shalt  }
0x5d: {  	_ =	shalt  }
0x5e: {  	_ =	shalt  }
0x5f: {  	_ =	shalt  }
0x60: {  	_ =	shalt  }
0x61: {  	_ =	shalt  }
0x62: {  	_ =	shalt  }
0x63: {  	_ =	shalt  }
0x64: {  	_ =	shalt  }
0x65: {  	_ =	shalt  }
0x66: {  	_ =	shalt  }
0x67: {  	_ =	shalt  }
0x68: {  	_ =	shalt  }
0x69: {  	_ =	shalt  }
0x6a: {  	_ =	shalt  }
0x6b: {  	_ =	shalt  }
0x6c: {  	_ =	shalt  }
0x6d: {  	_ =	shalt  }
0x6e: {  	_ =	shalt  }
0x6f: {  	_ =	shalt  }
0x70: {  	_ =	shalt  }
0x71: {  	_ =	shalt  }
0x72: {  	_ =	shalt  }
0x73: {  	_ =	shalt  }
0x74: {  	_ =	shalt  }
0x75: {  	_ =	shalt  }
0x76: {  	_ =	shalt  }
0x77: {  	_ =	shalt  }
0x78: {  	_ =	shalt  }
0x79: {  	_ =	shalt  }
0x7a: {  	_ =	shalt  }
0x7b: {  	_ =	shalt  }
0x7c: {  	_ =	shalt  }
0x7d: {  	_ =	shalt  }
0x7e: {  	_ =	shalt  }
0x7f: {  	_ =	shalt  }
0x80: {  	_ =	shalt  }
0x81: {  	_ =	shalt  }
0x82: {  	_ =	shalt  }
0x83: {  	_ =	shalt  }
0x84: {  	_ =	shalt  }
0x85: {  	_ =	shalt  }
0x86: {  	_ =	shalt  }
0x87: {  	_ =	shalt  }
.Lfunc_end0:
.L_simem_size_0:
called_computation_lowered:
.L_overlay_start_0:
0x88: {  	s2 =	sld [smem:$0x3FD9]  }
0x89: {  	s3 =	sld [smem:$0x3FFE];
	_ =	sdelay $0x1  }
0x8a: {  	s1 =	srdreg.scid  }
0x8b: {  	s0 =	sand.u32 $0x1, s1  }
0x8c: {  	s17 =	sshll.u32 s0, $0xA;
	s2 =	sadd.s32 s3, s2  }
0x8d: {  	s2 =	sadd.s32 s2, s17  }
0x8e: {  	[smem:$0x3FBD] =	sst s2  }
0x8f: {  	_ = 	snop  }
0x90: {  	s2 =	sld [smem:$0x3FD0];
	(tm) =	ssettm $0x1  }
0x91: {  	s18 =	sld [smem:$0x3FFB];
	_ =	sdelay $0x3  }
0x92: {  	_ =	strace s18  }
0x93: {  	s3 =	sld [smem:$0x3FFC];
	_ =	sdelay $0x3  }
0x94: {  	_ =	strace s3  }
0x95: {  	s3 =	sld [smem:$0x3FFD];
	_ =	sdelay $0x3  }
0x96: {  	_ =	strace s3  }
0x97: {  	_ =	strace $0x8FFFFFFF  }
0x98: {  	s19 =	sld [smem:$0x3FDB];
	_ =	sdelay $0x1  }
0x99: {  	s4 =	simm.s32 $_scs_section_size  }
0x9a: {  	s5 =	simm.s32 $_size__tile_overlayer_lowered;
	s6 =	simm.s32 $_tile_overlayer_lowered  }
0x9b: {  	s22 =	simm.s32 $0x1BFF;
	s21 =	sshll.u32 s6, $0x1;
	s3 =	sadd.s32 s4, s19  }
0x9c: {  	s7 =	simm.s32 $0x0;
	s20 =	sshll.u32 s5, $0x1;
	s5 =	sadd.s32 s21, s3  }
0x9d: {  	[timem:s7], [sflag:s22] =	dma.local [hbm:s5], s20  }
0x9e: {  	_ =	swait.ge [sflag:s22], s20  }
0x9f: {  	s4 =	ssub.s32 $0x0, s20;
	[sflag:s22] =	ssyncset.done $0x0  }
0xa0: {  	[sflag:s22] =	ssyncadd.s32 s4;
	_ =	sdelay $0x1  }
0xa1: {  	s23 =	simm.s32 $0x1B8B  }
0xa2: {  	_ =	swait.ge [sflag:s23], $0x1  }
0xa3: {  	[sflag:s23] =	ssyncset.done $0x0  }
0xa4: {  	s25 =	simm.s32 $0x1B8E;
	s24 =	sld [smem:$0x3FFE];
	[sflag:s23] =	ssyncadd.s32 $0xFFFFFFFF  }
0xa5: {  	s26 =	simm.s32 $execute0_lowered;
	[smem:$0x3FD2] =	sst s25  }
0xa6: {  	s5 =	sshll.u32 s26, $0x1;
	_ =	strace $0x80000046;
	[dreg:$0x1] =	wrdreg $0xFFFFFFFF  }
0xa7: {  	s28 =	simm.s32 $_size_execute0_lowered;
	s3 =	sadd.s32 s3, s5;
	[dreg:$0x0] =	wrdreg $0x0  }
0xa8: {  	s5 =	sshll.u32 s28, $0x1;
	[dreg:$0x2] =	wrdreg s3  }
0xa9: {  	[dreg:$0x3] =	wrdreg s5  }
0xaa: {  	[dreg:$0x4] =	wrdreg $0xC0  }
0xab: {  	_ =	task [dreg:s7], $0x5FFFF  }
0xac: {  	[dreg:$0x1] =	wrdreg $0xFFFFFFFF  }
0xad: {  	[dreg:$0x0] =	wrdreg $0x60  }
0xae: {  	[dreg:$0x2] =	wrdreg s2  }
0xaf: {  	[dreg:$0x3] =	wrdreg s24  }
0xb0: {  	[dreg:$0x4] =	wrdreg $0xCD000  }
0xb1: {  	[dreg:$0x5] =	wrdreg $0x9  }
0xb2: {  	_ =	task.clear_ibuf [dreg:s7], $0x6FFFF;
	_ =	strace $0x90000046  }
0xb3: {  	s29 =	simm.s32 $0x9;
	_ =	strace $0x8000004F  }
0xb4: {  	_ =	swait.ge [sflag:s29], $0x1  }
0xb5: {  	[sflag:s29] =	ssyncadd.s32 $0xFFFFFFFF  }
0xb6: {  	_ =	strace $0x9000004F  }
0xb7: {  	_ =	sfence  }
0xb8: {  	s30 =	sld [smem:$0x0];
	_ =	sdelay $0x2  }
0xb9: {  	s31 =	sshll.u32 s1, $0xD;
	s1 =	sshrl.u32 s1, $0x2  }
0xba: {  	s3 =	sand.u32 $0x4000, s31;
	s1 =	sadd.s32 s1, s30  }
0xbb: {  	s0 =	sor.u32 s3, s0;
	s1 =	sshll.u32 s1, $0x11  }
0xbc: {  	s0 =	sor.u32 s1, s0  }
0xbd: {  	s0 =	sadd.s32 $0x8F2B, s0  }
0xbe: {  	[sflag:s0] =	ssyncadd.remote.s32 $0x1  }
0xbf: {  	_ =	sfence.sel $0xFFFF  }
0xc0: {  	[dreg:$0x0] =	wrdreg $0xFFFFFFFF;
	(pc) =	sbr.abs _section_cstart, $3  }
0xc1: {  	[dreg:$0x1] =	wrdreg $0xFFFFFFFF  }
0xc2: {  	_ =	task.clear_ibuf [dreg:s7], $0x2FFFF;
	_ =	strace $0x9FFFFFFF  }
0xc3: {  	(tm) =	ssettm $0x7FFFFFFF  }
tec
execute0_lowered:
.L_overlay_start_1:
0x0: {  	(tag) =	ssettag $0x1  }
0x1: {  	s1 =	rddreg [dreg:$0x0]  }
0x2: {  	s0 =	rddreg [dreg:$0x1]  }
0x3: {  	s3 =	rddreg [dreg:$0x2];
	s2 =	srdreg.scid  }
0x4: {  	s12 =	stileid.u32;
	s4 =	simm.s32 $0x0;
	s16 =	simm.s32 $0x7D  }
0x5: {  	s17 =	simm.s32 $0x5000;
	s18 =	simm.s32 $0x80;
	s19 =	simm.s32 $0x6F40  }
0x6: {  	s20 =	simm.s32 $0x100;
	s21 =	simm.s32 $0x8E80;
	s22 =	simm.s32 $0x1  }
0x7: {  	s28 =	simm.s32 $0x2780;
	s29 =	simm.s32 $0x4E00;
	s30 =	simm.s32 $0x4E80  }
0x8: {  	s31 =	simm.s32 $0x4F00;
	s2 =	sand.u32 $0x1, s2;
	s5 =	sshll.u32 s12, $0x1  }
0x9: {  	s6 =	smul.u32 $0x9E00, s12;
	[smem:$0x7FF] =	sst s4;
	s9 =	sadd.s32 $0x13880, s1  }
0xa: {  	s26 =	sshll.u32 s12, $0x6;
	s12 =	simm.s32 $0x5;
	s5 =	sor.u32 s2, s5  }
0xb: {  	s7 =	smul.u32 $0x9E000, s2;
	_ =	strace $0x80000047;
	s2 =	ssub.s32 $0x2, s2  }
0xc: {  	s14 =	sor.u32 $0x1C05, s26;
	s5 =	smul.u32 $0x500, s5;
	s23 =	sshrl.u32 s2, $0x1  }
0xd: {  	s26 =	simm.s32 $0x4;
	s7 =	sadd.s32 s6, s7;
	s2 =	ssub.s32 s2, s23  }
0xe: {  	s6 =	sadd.s32 s6, s3;
	s23 =	simm.s32 $0xADC0;
	s8 =	sadd.s32 s5, s0  }
0xf: {  	s7 =	sshrl.u32 s7, $0x3;
	s5 =	sadd.s32 $0x15C00, s0;
	s11 =	smax.u32 s2, $0x1  }
0x10: {  	s15 =	sshrl.u32 s6, $0x3;
	s2 =	simm.s32 $0x0;
	s24 =	sadd.s32 $0xBC00, s8  }
0x11: {  	s0 =	sadd.s32 s7, s0;
	s25 =	sadd.s32 $0x1C00, s8;
	[dreg:$0x4] =	wrdreg s24  }
0x12: {  	[dreg:$0x5] =	wrdreg s25;
	s8 =	sadd.s32 $0x17000, s0;
	s10 =	sadd.s32 $0x3E800, s0  }
0x13: {  	s24 =	simm.s32 $0x2;
	s25 =	simm.s32 $0x3;
	s0 =	simm.s32 $0x4F80  }
.LBB2_1:
0x14: {  	_ =	strace $0x80000048  }
0x15: {  	s6 =	rddreg [dreg:$0x4]  }
0x16: {  	[tilespmem:s4], [sflag:$0x5] =	stream.linear.gather [hbm4b:s6+s4], $0x2800, $0x200038;
	[tilespmem:$0x16B00] =	vst v63  }
0x17: {  	_ =	swait.ge [sflag:s12], $0x2800  }
0x18: {  	[sflag:s12] =	ssyncset.done $0x0  }
0x19: {  	s7 =	simm.s32 $0x2800;
	s13 =	rddreg [dreg:$0x5];
	[sflag:s12] =	ssyncadd.s32 $0xFFFFD800  }
0x1a: {  	[tilespmem:s7], [sflag:$0x5] =	stream.linear.gather [hbm4b:s13+s4], $0x2800, $0x200038;
	[tilespmem:$0x16B00] =	vst v63  }
0x1b: {  	_ =	swait.ge [sflag:s12], $0x2800  }
0x1c: {  	[sflag:s12] =	ssyncset.done $0x0  }
0x1d: {  	[sflag:s12] =	ssyncadd.s32 $0xFFFFD800  }
0x1e: {  	_ =	strace $0x90000048  }
0x1f: {  	_ =	strace $0x80000049  }
0x20: {  	[spmem:s15], [sflag:s14] =	dma.local [hbm:s5], $0x13C0  }
0x21: {  	_ =	swait.ge [sflag:s12], $0x13C0  }
0x22: {  	[sflag:s12] =	ssyncset.done $0x0  }
0x23: {  	[sflag:s12] =	ssyncadd.s32 $0xFFFFEC40  }
0x24: {  	[bflag:$0x0] =	sbarrier.arrive $0xFFFF  }
0x25: {  	_ =	strace $0x90000049  }
0x26: {  	_ =	strace $0x8000004A  }
0x27: {  	[tilespmem:s17], [sflag:$0x1] =	stream.indirect.gather [hbm4b:s1+s16], $0x40, s4, s16, $0x2000b8;
	[tilespmem:$0x16B00] =	vst v63  }
0x28: {  	_ = 	snop  }
0x29: {  	[tilespmem:s19], [sflag:$0x2] =	stream.indirect.gather [hbm4b:s1+s16], $0x40, s18, s16, $0x2000b8;
	[tilespmem:$0x16B00] =	vst v63  }
0x2a: {  	_ = 	snop  }
0x2b: {  	[tilespmem:s21], [sflag:$0x3] =	stream.indirect.gather [hbm4b:s1+s16], $0x40, s20, s16, $0x2000b8;
	[tilespmem:$0x16B00] =	vst v63  }
0x2c: {  	_ =	swait.ge [sflag:s22], $0x1F40  }
0x2d: {  	[sflag:s22] =	ssyncset.done $0x0  }
0x2e: {  	s7 =	simm.s32 $0x180;
	[sflag:s22] =	ssyncadd.s32 $0xFFFFE0C0  }
0x2f: {  	[tilespmem:s23], [sflag:$0x4] =	stream.indirect.gather [hbm4b:s1+s16], $0x40, s7, s16, $0x2000b8;
	[tilespmem:$0x16B00] =	vst v63  }
0x30: {  	s13 =	simm.s32 $0x2800  }
0x31: {  	[spmem:s3] =	stream.indirect.scatter.add.f32 [tilespmem:s17], [sflag:$0x5], $0x40, s13, s16, $0x2000b8;
	[tilespmem:$0x16B00] =	vst v63  }
0x32: {  	_ =	swait.ge [sflag:s12], $0x1F40  }
0x33: {  	[sflag:s12] =	ssyncset.done $0x0  }
0x34: {  	[sflag:s12] =	ssyncadd.s32 $0xFFFFE0C0  }
0x35: {  	_ =	swait.ge [sflag:s24], $0x1F40  }
0x36: {  	[sflag:s24] =	ssyncset.done $0x0  }
0x37: {  	s7 =	simm.s32 $0x200;
	[sflag:s24] =	ssyncadd.s32 $0xFFFFE0C0  }
0x38: {  	[tilespmem:s17], [sflag:$0x1] =	stream.indirect.gather [hbm4b:s1+s16], $0x40, s7, s16, $0x2000b8;
	[tilespmem:$0x16B00] =	vst v63  }
0x39: {  	s13 =	simm.s32 $0x2880  }
0x3a: {  	[spmem:s3] =	stream.indirect.scatter.add.f32 [tilespmem:s19], [sflag:$0x5], $0x40, s13, s16, $0x2000b8;
	[tilespmem:$0x16B00] =	vst v63  }
0x3b: {  	_ =	swait.ge [sflag:s12], $0x1F40  }
0x3c: {  	[sflag:s12] =	ssyncset.done $0x0  }
0x3d: {  	[sflag:s12] =	ssyncadd.s32 $0xFFFFE0C0  }
0x3e: {  	_ =	swait.ge [sflag:s25], $0x1F40  }
0x3f: {  	[sflag:s25] =	ssyncset.done $0x0  }
0x40: {  	s7 =	simm.s32 $0x280;
	[sflag:s25] =	ssyncadd.s32 $0xFFFFE0C0  }
0x41: {  	[tilespmem:s19], [sflag:$0x2] =	stream.indirect.gather [hbm4b:s1+s16], $0x40, s7, s16, $0x2000b8;
	[tilespmem:$0x16B00] =	vst v63  }
0x42: {  	s13 =	simm.s32 $0x2900  }
0x43: {  	[spmem:s3] =	stream.indirect.scatter.add.f32 [tilespmem:s21], [sflag:$0x5], $0x40, s13, s16, $0x2000b8;
	[tilespmem:$0x16B00] =	vst v63  }
0x44: {  	_ =	swait.ge [sflag:s12], $0x1F40  }
0x45: {  	[sflag:s12] =	ssyncset.done $0x0  }
0x46: {  	[sflag:s12] =	ssyncadd.s32 $0xFFFFE0C0  }
0x47: {  	_ =	swait.ge [sflag:s26], $0x1F40  }
0x48: {  	[sflag:s26] =	ssyncset.done $0x0  }
0x49: {  	s7 =	simm.s32 $0x300;
	[sflag:s26] =	ssyncadd.s32 $0xFFFFE0C0  }
0x4a: {  	[tilespmem:s21], [sflag:$0x3] =	stream.indirect.gather [hbm4b:s1+s16], $0x40, s7, s16, $0x2000b8;
	[tilespmem:$0x16B00] =	vst v63  }
0x4b: {  	s13 =	simm.s32 $0x2980  }
0x4c: {  	[spmem:s3] =	stream.indirect.scatter.add.f32 [tilespmem:s23], [sflag:$0x5], $0x40, s13, s16, $0x2000b8;
	[tilespmem:$0x16B00] =	vst v63  }
0x4d: {  	_ =	swait.ge [sflag:s12], $0x1F40  }
0x4e: {  	s13 =	simm.s32 $0x800;
	[sflag:s12] =	ssyncset.done $0x0  }
.LBB2_2:
0x4f: {  	p0 =	sne.s32 s13, $0x9000  }
0x50: {  	[sflag:s12] =	ssyncadd.s32 $0xFFFFE0C0;
	s6 =	smov.u32 s13;
	s13 =	sadd.s32 $0x800, s13  }
0x51: {  	_ = 	snop  }
0x52: {  	_ =	swait.ge [sflag:s22], $0x1F40  }
0x53: {  	s6 =	sshra.s32 s6, $0x2;
	[sflag:s22] =	ssyncset.done $0x0  }
0x54: {  	s7 =	sadd.s32 $0x180, s6;
	[sflag:s22] =	ssyncadd.s32 $0xFFFFE0C0  }
0x55: {  	[tilespmem:s23], [sflag:$0x4] =	stream.indirect.gather [hbm4b:s1+s16], $0x40, s7, s16, $0x2000b8;
	[tilespmem:$0x16B00] =	vst v63  }
0x56: {  	s7 =	sadd.s32 $0x2800, s6  }
0x57: {  	[spmem:s3] =	stream.indirect.scatter.add.f32 [tilespmem:s17], [sflag:$0x5], $0x40, s7, s16, $0x2000b8;
	[tilespmem:$0x16B00] =	vst v63  }
0x58: {  	_ =	swait.ge [sflag:s12], $0x1F40  }
0x59: {  	[sflag:s12] =	ssyncset.done $0x0  }
0x5a: {  	[sflag:s12] =	ssyncadd.s32 $0xFFFFE0C0  }
0x5b: {  	_ =	swait.ge [sflag:s24], $0x1F40  }
0x5c: {  	[sflag:s24] =	ssyncset.done $0x0  }
0x5d: {  	s7 =	sadd.s32 $0x200, s6;
	[sflag:s24] =	ssyncadd.s32 $0xFFFFE0C0  }
0x5e: {  	[tilespmem:s17], [sflag:$0x1] =	stream.indirect.gather [hbm4b:s1+s16], $0x40, s7, s16, $0x2000b8;
	[tilespmem:$0x16B00] =	vst v63  }
0x5f: {  	s7 =	sadd.s32 $0x2880, s6  }
0x60: {  	[spmem:s3] =	stream.indirect.scatter.add.f32 [tilespmem:s19], [sflag:$0x5], $0x40, s7, s16, $0x2000b8;
	[tilespmem:$0x16B00] =	vst v63  }
0x61: {  	_ =	swait.ge [sflag:s12], $0x1F40  }
0x62: {  	[sflag:s12] =	ssyncset.done $0x0  }
0x63: {  	[sflag:s12] =	ssyncadd.s32 $0xFFFFE0C0  }
0x64: {  	_ =	swait.ge [sflag:s25], $0x1F40  }
0x65: {  	[sflag:s25] =	ssyncset.done $0x0  }
0x66: {  	s7 =	sadd.s32 $0x280, s6;
	[sflag:s25] =	ssyncadd.s32 $0xFFFFE0C0  }
0x67: {  	[tilespmem:s19], [sflag:$0x2] =	stream.indirect.gather [hbm4b:s1+s16], $0x40, s7, s16, $0x2000b8;
	[tilespmem:$0x16B00] =	vst v63  }
0x68: {  	s7 =	sadd.s32 $0x2900, s6  }
0x69: {  	[spmem:s3] =	stream.indirect.scatter.add.f32 [tilespmem:s21], [sflag:$0x5], $0x40, s7, s16, $0x2000b8;
	[tilespmem:$0x16B00] =	vst v63  }
0x6a: {  	_ =	swait.ge [sflag:s12], $0x1F40  }
0x6b: {  	[sflag:s12] =	ssyncset.done $0x0  }
0x6c: {  	[sflag:s12] =	ssyncadd.s32 $0xFFFFE0C0  }
0x6d: {  	_ =	swait.ge [sflag:s26], $0x1F40  }
0x6e: {  	[sflag:s26] =	ssyncset.done $0x0  }
0x6f: {  	s7 =	sadd.s32 $0x300, s6;
	[sflag:s26] =	ssyncadd.s32 $0xFFFFE0C0  }
0x70: {  	[tilespmem:s21], [sflag:$0x3] =	stream.indirect.gather [hbm4b:s1+s16], $0x40, s7, s16, $0x2000b8;
	[tilespmem:$0x16B00] =	vst v63  }
.Ltmp0:
0x71: {  	_ = 	snop;
	(pc) =	sbr.rel @p0 .LBB2_2-.Ltmp0, $4  }
0x72: {  	s6 =	sadd.s32 $0x2980, s6  }
0x73: {  	[spmem:s3] =	stream.indirect.scatter.add.f32 [tilespmem:s23], [sflag:$0x5], $0x40, s6, s16, $0x2000b8;
	[tilespmem:$0x16B00] =	vst v63  }
0x74: {  	_ =	swait.ge [sflag:s12], $0x1F40  }
0x75: {  	[sflag:s12] =	ssyncset.done $0x0  }
0x76: {  	[sflag:s12] =	ssyncadd.s32 $0xFFFFE0C0  }
0x77: {  	_ =	swait.ge [sflag:s22], $0x1F40  }
0x78: {  	[sflag:s22] =	ssyncset.done $0x0  }
0x79: {  	[sflag:s22] =	ssyncadd.s32 $0xFFFFE0C0  }
0x7a: {  	[tilespmem:s23], [sflag:$0x4] =	stream.indirect.gather [hbm4b:s1+s16], $0x40, s28, s16, $0x2000b8;
	[tilespmem:$0x16B00] =	vst v63  }
0x7b: {  	_ = 	snop  }
0x7c: {  	[spmem:s3] =	stream.indirect.scatter.add.f32 [tilespmem:s17], [sflag:$0x5], $0x40, s29, s16, $0x2000b8;
	[tilespmem:$0x16B00] =	vst v63  }
0x7d: {  	_ =	swait.ge [sflag:s12], $0x1F40  }
0x7e: {  	[sflag:s12] =	ssyncset.done $0x0  }
0x7f: {  	[sflag:s12] =	ssyncadd.s32 $0xFFFFE0C0  }
0x80: {  	_ =	swait.ge [sflag:s24], $0x1F40  }
0x81: {  	[sflag:s24] =	ssyncset.done $0x0  }
0x82: {  	[sflag:s24] =	ssyncadd.s32 $0xFFFFE0C0  }
0x83: {  	[tilespmem:s17], [sflag:$0x1] =	stream.indirect.gather [hbm4b:s1+s16], $0x40, s28, s16, $0x2000b8;
	[tilespmem:$0x16B00] =	vst v63  }
0x84: {  	_ = 	snop  }
0x85: {  	[spmem:s3] =	stream.indirect.scatter.add.f32 [tilespmem:s19], [sflag:$0x5], $0x40, s30, s16, $0x2000b8;
	[tilespmem:$0x16B00] =	vst v63  }
0x86: {  	_ =	swait.ge [sflag:s12], $0x1F40  }
0x87: {  	[sflag:s12] =	ssyncset.done $0x0  }
0x88: {  	[sflag:s12] =	ssyncadd.s32 $0xFFFFE0C0  }
0x89: {  	_ =	swait.ge [sflag:s25], $0x1F40  }
0x8a: {  	[sflag:s25] =	ssyncset.done $0x0  }
0x8b: {  	[sflag:s25] =	ssyncadd.s32 $0xFFFFE0C0  }
0x8c: {  	[tilespmem:s19], [sflag:$0x2] =	stream.indirect.gather [hbm4b:s1+s16], $0x40, s28, s16, $0x2000b8;
	[tilespmem:$0x16B00] =	vst v63  }
0x8d: {  	_ = 	snop  }
0x8e: {  	[spmem:s3] =	stream.indirect.scatter.add.f32 [tilespmem:s21], [sflag:$0x5], $0x40, s31, s16, $0x2000b8;
	[tilespmem:$0x16B00] =	vst v63  }
0x8f: {  	_ =	swait.ge [sflag:s12], $0x1F40  }
0x90: {  	[sflag:s12] =	ssyncset.done $0x0  }
0x91: {  	[sflag:s12] =	ssyncadd.s32 $0xFFFFE0C0  }
0x92: {  	_ =	swait.ge [sflag:s26], $0x1F40  }
0x93: {  	[sflag:s26] =	ssyncset.done $0x0  }
0x94: {  	[sflag:s26] =	ssyncadd.s32 $0xFFFFE0C0  }
0x95: {  	[tilespmem:s21], [sflag:$0x3] =	stream.indirect.gather [hbm4b:s1+s16], $0x40, s28, s16, $0x2000b8;
	[tilespmem:$0x16B00] =	vst v63  }
0x96: {  	_ = 	snop  }
0x97: {  	[spmem:s3] =	stream.indirect.scatter.add.f32 [tilespmem:s23], [sflag:$0x5], $0x40, s0, s16, $0x2000b8;
	[tilespmem:$0x16B00] =	vst v63  }
0x98: {  	_ =	swait.ge [sflag:s12], $0x1F40  }
0x99: {  	[sflag:s12] =	ssyncset.done $0x0  }
0x9a: {  	[sflag:s12] =	ssyncadd.s32 $0xFFFFE0C0  }
0x9b: {  	_ =	swait.ge [sflag:s22], $0x1F40  }
0x9c: {  	[sflag:s22] =	ssyncset.done $0x0  }
0x9d: {  	[sflag:s22] =	ssyncadd.s32 $0xFFFFE0C0  }
0x9e: {  	_ =	swait.ge [sflag:s24], $0x1F40  }
0x9f: {  	[sflag:s24] =	ssyncset.done $0x0  }
0xa0: {  	[sflag:s24] =	ssyncadd.s32 $0xFFFFE0C0  }
0xa1: {  	_ =	swait.ge [sflag:s25], $0x1F40  }
0xa2: {  	[sflag:s25] =	ssyncset.done $0x0  }
0xa3: {  	[sflag:s25] =	ssyncadd.s32 $0xFFFFE0C0  }
0xa4: {  	[bflag:$0x0] =	sbarrier.arrive $0xFFFF  }
0xa5: {  	_ =	strace $0x9000004A  }
0xa6: {  	_ =	strace $0x8000004B  }
0xa7: {  	[hbm:s8], [sflag:s14] =	dma.local [spmem:s15], $0x13C0  }
0xa8: {  	_ =	swait.ge [sflag:s12], $0x13C0  }
0xa9: {  	[sflag:s12] =	ssyncset.done $0x0  }
0xaa: {  	[sflag:s12] =	ssyncadd.s32 $0xFFFFEC40  }
0xab: {  	_ =	strace $0x9000004B  }
0xac: {  	_ =	strace $0x8000004C  }
0xad: {  	[spmem:s15], [sflag:s14] =	dma.local [hbm:s5], $0x13C0  }
0xae: {  	_ =	swait.ge [sflag:s12], $0x13C0  }
0xaf: {  	[sflag:s12] =	ssyncset.done $0x0  }
0xb0: {  	[sflag:s12] =	ssyncadd.s32 $0xFFFFEC40  }
0xb1: {  	[bflag:$0x0] =	sbarrier.arrive $0xFFFF  }
0xb2: {  	_ =	strace $0x9000004C  }
0xb3: {  	s6 =	simm.s32 $0x0;
	_ =	strace $0x8000004D  }
0xb4: {  	[tilespmem:s17], [sflag:$0x1] =	stream.indirect.gather [hbm4b:s9+s16], $0x40, s6, s16, $0x2000b8;
	[tilespmem:$0x16B00] =	vst v63  }
0xb5: {  	_ = 	snop  }
0xb6: {  	[tilespmem:s19], [sflag:$0x2] =	stream.indirect.gather [hbm4b:s9+s16], $0x40, s18, s16, $0x2000b8;
	[tilespmem:$0x16B00] =	vst v63  }
0xb7: {  	_ = 	snop  }
0xb8: {  	[tilespmem:s21], [sflag:$0x3] =	stream.indirect.gather [hbm4b:s9+s16], $0x40, s20, s16, $0x2000b8;
	[tilespmem:$0x16B00] =	vst v63  }
0xb9: {  	_ =	swait.ge [sflag:s22], $0x1F40  }
0xba: {  	[sflag:s22] =	ssyncset.done $0x0  }
0xbb: {  	s7 =	simm.s32 $0x180;
	[sflag:s22] =	ssyncadd.s32 $0xFFFFE0C0  }
0xbc: {  	[tilespmem:s23], [sflag:$0x4] =	stream.indirect.gather [hbm4b:s9+s16], $0x40, s7, s16, $0x2000b8;
	[tilespmem:$0x16B00] =	vst v63  }
0xbd: {  	s13 =	simm.s32 $0x2800  }
0xbe: {  	[spmem:s3] =	stream.indirect.scatter.add.f32 [tilespmem:s17], [sflag:$0x5], $0x40, s13, s16, $0x2000b8;
	[tilespmem:$0x16B00] =	vst v63  }
0xbf: {  	_ =	swait.ge [sflag:s12], $0x1F40  }
0xc0: {  	[sflag:s12] =	ssyncset.done $0x0  }
0xc1: {  	[sflag:s12] =	ssyncadd.s32 $0xFFFFE0C0  }
0xc2: {  	_ =	swait.ge [sflag:s24], $0x1F40  }
0xc3: {  	[sflag:s24] =	ssyncset.done $0x0  }
0xc4: {  	s7 =	simm.s32 $0x200;
	[sflag:s24] =	ssyncadd.s32 $0xFFFFE0C0  }
0xc5: {  	[tilespmem:s17], [sflag:$0x1] =	stream.indirect.gather [hbm4b:s9+s16], $0x40, s7, s16, $0x2000b8;
	[tilespmem:$0x16B00] =	vst v63  }
0xc6: {  	s13 =	simm.s32 $0x2880  }
0xc7: {  	[spmem:s3] =	stream.indirect.scatter.add.f32 [tilespmem:s19], [sflag:$0x5], $0x40, s13, s16, $0x2000b8;
	[tilespmem:$0x16B00] =	vst v63  }
0xc8: {  	_ =	swait.ge [sflag:s12], $0x1F40  }
0xc9: {  	[sflag:s12] =	ssyncset.done $0x0  }
0xca: {  	[sflag:s12] =	ssyncadd.s32 $0xFFFFE0C0  }
0xcb: {  	_ =	swait.ge [sflag:s25], $0x1F40  }
0xcc: {  	[sflag:s25] =	ssyncset.done $0x0  }
0xcd: {  	s7 =	simm.s32 $0x280;
	[sflag:s25] =	ssyncadd.s32 $0xFFFFE0C0  }
0xce: {  	[tilespmem:s19], [sflag:$0x2] =	stream.indirect.gather [hbm4b:s9+s16], $0x40, s7, s16, $0x2000b8;
	[tilespmem:$0x16B00] =	vst v63  }
0xcf: {  	s13 =	simm.s32 $0x2900  }
0xd0: {  	[spmem:s3] =	stream.indirect.scatter.add.f32 [tilespmem:s21], [sflag:$0x5], $0x40, s13, s16, $0x2000b8;
	[tilespmem:$0x16B00] =	vst v63  }
0xd1: {  	_ =	swait.ge [sflag:s12], $0x1F40  }
0xd2: {  	[sflag:s12] =	ssyncset.done $0x0  }
0xd3: {  	[sflag:s12] =	ssyncadd.s32 $0xFFFFE0C0  }
0xd4: {  	_ =	swait.ge [sflag:s26], $0x1F40  }
0xd5: {  	[sflag:s26] =	ssyncset.done $0x0  }
0xd6: {  	s7 =	simm.s32 $0x300;
	[sflag:s26] =	ssyncadd.s32 $0xFFFFE0C0  }
0xd7: {  	[tilespmem:s21], [sflag:$0x3] =	stream.indirect.gather [hbm4b:s9+s16], $0x40, s7, s16, $0x2000b8;
	[tilespmem:$0x16B00] =	vst v63  }
0xd8: {  	s13 =	simm.s32 $0x2980  }
0xd9: {  	[spmem:s3] =	stream.indirect.scatter.add.f32 [tilespmem:s23], [sflag:$0x5], $0x40, s13, s16, $0x2000b8;
	[tilespmem:$0x16B00] =	vst v63  }
0xda: {  	_ =	swait.ge [sflag:s12], $0x1F40  }
0xdb: {  	s13 =	simm.s32 $0x800;
	[sflag:s12] =	ssyncset.done $0x0  }
.LBB2_4:
0xdc: {  	p0 =	sne.s32 s13, $0x9000  }
0xdd: {  	[sflag:s12] =	ssyncadd.s32 $0xFFFFE0C0;
	s6 =	smov.u32 s13;
	s13 =	sadd.s32 $0x800, s13  }
0xde: {  	_ = 	snop  }
0xdf: {  	_ =	swait.ge [sflag:s22], $0x1F40  }
0xe0: {  	s6 =	sshra.s32 s6, $0x2;
	[sflag:s22] =	ssyncset.done $0x0  }
0xe1: {  	s7 =	sadd.s32 $0x180, s6;
	[sflag:s22] =	ssyncadd.s32 $0xFFFFE0C0  }
0xe2: {  	[tilespmem:s23], [sflag:$0x4] =	stream.indirect.gather [hbm4b:s9+s16], $0x40, s7, s16, $0x2000b8;
	[tilespmem:$0x16B00] =	vst v63  }
0xe3: {  	s7 =	sadd.s32 $0x2800, s6  }
0xe4: {  	[spmem:s3] =	stream.indirect.scatter.add.f32 [tilespmem:s17], [sflag:$0x5], $0x40, s7, s16, $0x2000b8;
	[tilespmem:$0x16B00] =	vst v63  }
0xe5: {  	_ =	swait.ge [sflag:s12], $0x1F40  }
0xe6: {  	[sflag:s12] =	ssyncset.done $0x0  }
0xe7: {  	[sflag:s12] =	ssyncadd.s32 $0xFFFFE0C0  }
0xe8: {  	_ =	swait.ge [sflag:s24], $0x1F40  }
0xe9: {  	[sflag:s24] =	ssyncset.done $0x0  }
0xea: {  	s7 =	sadd.s32 $0x200, s6;
	[sflag:s24] =	ssyncadd.s32 $0xFFFFE0C0  }
0xeb: {  	[tilespmem:s17], [sflag:$0x1] =	stream.indirect.gather [hbm4b:s9+s16], $0x40, s7, s16, $0x2000b8;
	[tilespmem:$0x16B00] =	vst v63  }
0xec: {  	s7 =	sadd.s32 $0x2880, s6  }
0xed: {  	[spmem:s3] =	stream.indirect.scatter.add.f32 [tilespmem:s19], [sflag:$0x5], $0x40, s7, s16, $0x2000b8;
	[tilespmem:$0x16B00] =	vst v63  }
0xee: {  	_ =	swait.ge [sflag:s12], $0x1F40  }
0xef: {  	[sflag:s12] =	ssyncset.done $0x0  }
0xf0: {  	[sflag:s12] =	ssyncadd.s32 $0xFFFFE0C0  }
0xf1: {  	_ =	swait.ge [sflag:s25], $0x1F40  }
0xf2: {  	[sflag:s25] =	ssyncset.done $0x0  }
0xf3: {  	s7 =	sadd.s32 $0x280, s6;
	[sflag:s25] =	ssyncadd.s32 $0xFFFFE0C0  }
0xf4: {  	[tilespmem:s19], [sflag:$0x2] =	stream.indirect.gather [hbm4b:s9+s16], $0x40, s7, s16, $0x2000b8;
	[tilespmem:$0x16B00] =	vst v63  }
0xf5: {  	s7 =	sadd.s32 $0x2900, s6  }
0xf6: {  	[spmem:s3] =	stream.indirect.scatter.add.f32 [tilespmem:s21], [sflag:$0x5], $0x40, s7, s16, $0x2000b8;
	[tilespmem:$0x16B00] =	vst v63  }
0xf7: {  	_ =	swait.ge [sflag:s12], $0x1F40  }
0xf8: {  	[sflag:s12] =	ssyncset.done $0x0  }
0xf9: {  	[sflag:s12] =	ssyncadd.s32 $0xFFFFE0C0  }
0xfa: {  	_ =	swait.ge [sflag:s26], $0x1F40  }
0xfb: {  	[sflag:s26] =	ssyncset.done $0x0  }
0xfc: {  	s7 =	sadd.s32 $0x300, s6;
	[sflag:s26] =	ssyncadd.s32 $0xFFFFE0C0  }
0xfd: {  	[tilespmem:s21], [sflag:$0x3] =	stream.indirect.gather [hbm4b:s9+s16], $0x40, s7, s16, $0x2000b8;
	[tilespmem:$0x16B00] =	vst v63  }
.Ltmp1:
0xfe: {  	_ = 	snop;
	(pc) =	sbr.rel @p0 .LBB2_4-.Ltmp1, $4  }
0xff: {  	s6 =	sadd.s32 $0x2980, s6  }
0x100: {  	[spmem:s3] =	stream.indirect.scatter.add.f32 [tilespmem:s23], [sflag:$0x5], $0x40, s6, s16, $0x2000b8;
	[tilespmem:$0x16B00] =	vst v63  }
0x101: {  	_ =	swait.ge [sflag:s12], $0x1F40  }
0x102: {  	[sflag:s12] =	ssyncset.done $0x0  }
0x103: {  	[sflag:s12] =	ssyncadd.s32 $0xFFFFE0C0  }
0x104: {  	_ =	swait.ge [sflag:s22], $0x1F40  }
0x105: {  	[sflag:s22] =	ssyncset.done $0x0  }
0x106: {  	[sflag:s22] =	ssyncadd.s32 $0xFFFFE0C0  }
0x107: {  	[tilespmem:s23], [sflag:$0x4] =	stream.indirect.gather [hbm4b:s9+s16], $0x40, s28, s16, $0x2000b8;
	[tilespmem:$0x16B00] =	vst v63  }
0x108: {  	_ = 	snop  }
0x109: {  	[spmem:s3] =	stream.indirect.scatter.add.f32 [tilespmem:s17], [sflag:$0x5], $0x40, s29, s16, $0x2000b8;
	[tilespmem:$0x16B00] =	vst v63  }
0x10a: {  	_ =	swait.ge [sflag:s12], $0x1F40  }
0x10b: {  	[sflag:s12] =	ssyncset.done $0x0  }
0x10c: {  	[sflag:s12] =	ssyncadd.s32 $0xFFFFE0C0  }
0x10d: {  	_ =	swait.ge [sflag:s24], $0x1F40  }
0x10e: {  	[sflag:s24] =	ssyncset.done $0x0  }
0x10f: {  	[sflag:s24] =	ssyncadd.s32 $0xFFFFE0C0  }
0x110: {  	[tilespmem:s17], [sflag:$0x1] =	stream.indirect.gather [hbm4b:s9+s16], $0x40, s28, s16, $0x2000b8;
	[tilespmem:$0x16B00] =	vst v63  }
0x111: {  	_ = 	snop  }
0x112: {  	[spmem:s3] =	stream.indirect.scatter.add.f32 [tilespmem:s19], [sflag:$0x5], $0x40, s30, s16, $0x2000b8;
	[tilespmem:$0x16B00] =	vst v63  }
0x113: {  	_ =	swait.ge [sflag:s12], $0x1F40  }
0x114: {  	[sflag:s12] =	ssyncset.done $0x0  }
0x115: {  	[sflag:s12] =	ssyncadd.s32 $0xFFFFE0C0  }
0x116: {  	_ =	swait.ge [sflag:s25], $0x1F40  }
0x117: {  	[sflag:s25] =	ssyncset.done $0x0  }
0x118: {  	[sflag:s25] =	ssyncadd.s32 $0xFFFFE0C0  }
0x119: {  	[tilespmem:s19], [sflag:$0x2] =	stream.indirect.gather [hbm4b:s9+s16], $0x40, s28, s16, $0x2000b8;
	[tilespmem:$0x16B00] =	vst v63  }
0x11a: {  	_ = 	snop  }
0x11b: {  	[spmem:s3] =	stream.indirect.scatter.add.f32 [tilespmem:s21], [sflag:$0x5], $0x40, s31, s16, $0x2000b8;
	[tilespmem:$0x16B00] =	vst v63  }
0x11c: {  	_ =	swait.ge [sflag:s12], $0x1F40  }
0x11d: {  	[sflag:s12] =	ssyncset.done $0x0  }
0x11e: {  	[sflag:s12] =	ssyncadd.s32 $0xFFFFE0C0  }
0x11f: {  	_ =	swait.ge [sflag:s26], $0x1F40  }
0x120: {  	[sflag:s26] =	ssyncset.done $0x0  }
0x121: {  	[sflag:s26] =	ssyncadd.s32 $0xFFFFE0C0  }
0x122: {  	[tilespmem:s21], [sflag:$0x3] =	stream.indirect.gather [hbm4b:s9+s16], $0x40, s28, s16, $0x2000b8;
	[tilespmem:$0x16B00] =	vst v63  }
0x123: {  	_ = 	snop  }
0x124: {  	[spmem:s3] =	stream.indirect.scatter.add.f32 [tilespmem:s23], [sflag:$0x5], $0x40, s0, s16, $0x2000b8;
	[tilespmem:$0x16B00] =	vst v63  }
0x125: {  	_ =	swait.ge [sflag:s12], $0x1F40  }
0x126: {  	[sflag:s12] =	ssyncset.done $0x0  }
0x127: {  	[sflag:s12] =	ssyncadd.s32 $0xFFFFE0C0  }
0x128: {  	_ =	swait.ge [sflag:s22], $0x1F40  }
0x129: {  	[sflag:s22] =	ssyncset.done $0x0  }
0x12a: {  	[sflag:s22] =	ssyncadd.s32 $0xFFFFE0C0  }
0x12b: {  	_ =	swait.ge [sflag:s24], $0x1F40  }
0x12c: {  	[sflag:s24] =	ssyncset.done $0x0  }
0x12d: {  	[sflag:s24] =	ssyncadd.s32 $0xFFFFE0C0  }
0x12e: {  	_ =	swait.ge [sflag:s25], $0x1F40  }
0x12f: {  	[sflag:s25] =	ssyncset.done $0x0  }
0x130: {  	[sflag:s25] =	ssyncadd.s32 $0xFFFFE0C0  }
0x131: {  	[bflag:$0x0] =	sbarrier.arrive $0xFFFF  }
0x132: {  	s2 =	sadd.s32 $0x1, s2;
	_ =	strace $0x9000004D  }
0x133: {  	p0 =	sne.s32 s2, s11;
	_ =	strace $0x8000004E  }
0x134: {  	[hbm:s10], [sflag:s14] =	dma.local [spmem:s15], $0x13C0  }
.Ltmp2:
0x135: {  	_ = 	snop;
	(pc) =	sbr.rel @p0 .LBB2_1-.Ltmp2, $4  }
0x136: {  	_ =	swait.ge [sflag:s12], $0x13C0  }
0x137: {  	[sflag:s12] =	ssyncset.done $0x0  }
0x138: {  	[sflag:s12] =	ssyncadd.s32 $0xFFFFEC40  }
0x139: {  	_ =	strace $0x9000004E  }
0x13a: {  	_ =	sfence.sel $0x180000  }
0x13b: {  	[bflag:$0x0] =	sbarrier.arrive $0xFFFF  }
0x13c: {  	_ =	strace $0x90000047  }
0x13d: {  	s0 =	stileid.u32;
	[bflag:$0x2] =	sbarrier.arrive $0xFFFF  }
0x13e: {  	p0 =	sne.s32 s0, $0x0;
	s0 =	rddreg [dreg:$0x3]  }
0x13f: {  	s0 =	sadd.s32 @!p0 $0x100000, s0  }
0x140: {  	[sflag:s0] =	ssyncadd.tile.s32 @!p0 $0x1;
	_ =	shalt  }
.Lfunc_end2:
_tile_overlayer_lowered:
.L_overlay_start_2:
0x141: {  	(tag) =	ssettag $0x2  }
0x142: {  	s0 =	rddreg [dreg:$0x0];
	s2 =	stileid.u32  }
0x143: {  	s1 =	rddreg [dreg:$0x1];
	p0 =	sne.s32 s2, $0x0  }
0x144: {  	s3 =	rddreg [dreg:$0x2];
	[bflag:$0x3] =	sbarrier.arrive $0xFFFF;
	s2 =	simm.s32 @!p0 $0x1C05  }
0x145: {  	[timem:s3], [sflag:s2] =	dma.local @!p0 [hbm:s0], s1  }
0x146: {  	s0 =	simm.s32 @!p0 $0x5  }
0x147: {  	_ =	swait.ge @!p0 [sflag:s0], s1  }
0x148: {  	s1 =	ssub.s32 @!p0 $0x0, s1;
	[sflag:s0] =	ssyncset.done @!p0 $0x0  }
0x149: {  	[sflag:s0] =	ssyncadd.s32 @!p0 s1  }
0x14a: {  	[bflag:$0x3] =	sbarrier.arrive $0xFFFF  }
0x14b: {  	_ =	shalt  }

</sc_bundles>
